<compile_context>
chip_gen: v7x
topology: tpu7x:2x2x1
jax: 0.10.2.dev20260603
libtpu: 0.0.44.dev20260713+nightly
codegen_flags: <defaults>
</compile_context>

<pallas_src>
import jax
import jax.numpy as jnp
from jax.experimental import pallas as pl
from jax.experimental.pallas import tpu as pltpu
from jax.experimental.pallas import tpu_sc as plsc

N = 4096
H = 4
D = 128
B = 1024
K = 8
BBLK = 256


def _sc_gather_rows(table, idx, value_dim, window):
    num = idx.shape[0]
    idx2 = idx.reshape(1, num)
    mesh = plsc.VectorSubcoreMesh(core_axis_name="c", subcore_axis_name="s")

    @pl.kernel(
        out_type=jax.ShapeDtypeStruct((num, value_dim), table.dtype),
        mesh=mesh,
    )
    def gather_kernel(x_hbm, i_hbm, o_hbm):
        def body(i_vmem, o_vmem):
            pltpu.sync_copy(x_hbm.at[i_vmem.at[0]], o_vmem)

        pltpu.emit_pipeline(
            body,
            grid=(num // window,),
            in_specs=[pl.BlockSpec((1, window), lambda i: (0, i))],
            out_specs=[pl.BlockSpec((window, value_dim), lambda i: (i, 0))],
            core_axis_name=("c", "s"),
            dimension_semantics=(pltpu.PARALLEL,),
        )(i_hbm, o_hbm)

    return gather_kernel(table, idx2)


def _chunked_idx(idx, chunks):
    return (idx[:, None] * chunks
            + jnp.arange(chunks, dtype=jnp.int32)).reshape(-1)


def _topk_body(pos_ref, q_ref, g_ref, al_ref, lb_out, ct_out):
    pos_h = pos_ref[0]
    q = q_ref[...]
    g = g_ref[...]
    acol3 = al_ref[...]

    dn = (((1,), (1,)), ((), ()))
    cross = jax.lax.dot_general(q, pos_h, dn, preferred_element_type=jnp.float32)
    ones = jnp.ones((1, D), jnp.float32)
    pn = jax.lax.dot_general(ones, pos_h * pos_h, dn,
                             preferred_element_type=jnp.float32)
    qn = jnp.sum(q * q, axis=1, keepdims=True)
    qg = jnp.sum(q * g, axis=1, keepdims=True)

    vals = pn - 2.0 * cross
    inf = jnp.float32(jnp.inf)
    w = 256
    f1 = vals[:, :w]
    f2 = jnp.full((BBLK, w), inf, jnp.float32)
    for i in range(1, N // w):
        sl = vals[:, i * w:(i + 1) * w]
        f2 = jnp.minimum(f2, jnp.maximum(f1, sl))
        f1 = jnp.minimum(f1, sl)
    cand = jnp.concatenate([f1, f2], axis=1)
    mprev = jnp.min(cand, axis=1, keepdims=True)
    lo = None
    for r in range(1, K + 1):
        mprev = jnp.min(jnp.where(cand > mprev, cand, inf), axis=1,
                        keepdims=True)
        if r == 1:
            lo = mprev
    msel = (vals >= lo) & (vals <= mprev)
    e = jnp.where(msel, jnp.exp(-jnp.sqrt(jnp.maximum(vals + qn, 0.0))), 0.0)
    s = jnp.sum(e, axis=1, keepdims=True)
    t = jnp.zeros((BBLK, 1), jnp.float32)
    for c in range(16):
        t = t + jnp.sum(e[:, c * (N // 16):(c + 1) * (N // 16)]
                        * acol3[:, c, :], axis=1, keepdims=True)
    p = jax.lax.dot_general(e, pos_h, (((1,), (0,)), ((), ())),
                            preferred_element_type=jnp.float32)
    pg = jnp.sum(p * g, axis=1, keepdims=True)
    rcp = 1.0 / s
    lb_out[0, :, :] = jnp.broadcast_to(t * rcp, (BBLK, K))
    ct_out[0, :, :] = jnp.broadcast_to(qg - pg * rcp, (BBLK, K))


def _topk_call(interpret=False):
    outk = lambda: jax.ShapeDtypeStruct((H, B, K), jnp.float32)
    return pl.pallas_call(
        _topk_body,
        grid=(H, B // BBLK),
        in_specs=[
            pl.BlockSpec((1, N, D), lambda h, b: (h, 0, 0)),
            pl.BlockSpec((BBLK, D), lambda h, b: (h * (B // BBLK) + b, 0)),
            pl.BlockSpec((BBLK, D), lambda h, b: (h * (B // BBLK) + b, 0)),
            pl.BlockSpec((BBLK, 16, N // 16), lambda h, b: (b, 0, 0)),
        ],
        out_specs=[
            pl.BlockSpec((1, BBLK, K), lambda h, b: (h, b, 0)),
            pl.BlockSpec((1, BBLK, K), lambda h, b: (h, b, 0)),
        ],
        out_shape=[outk(), outk()],
        interpret=interpret,
    )


def _combine_body(ps0_ref, ps1_ref, o_ref):
    ps = 0.5 * (ps0_ref[...] + ps1_ref[...])
    o_ref[...] = jax.nn.sigmoid(jnp.mean(ps, axis=0))


def _combine_call(interpret=False):
    return pl.pallas_call(
        _combine_body,
        out_shape=jax.ShapeDtypeStruct((B,), jnp.float32),
        interpret=interpret,
    )


def kernel(pos, grads, edges, adj, label_w):
    src, dst = edges[0].astype(jnp.int32), edges[1].astype(jnp.int32)
    posT = pos.transpose(1, 0, 2)
    hh = jnp.arange(H, dtype=jnp.int32)[None, :, None]
    qidx = (jnp.stack([src, dst])[:, None, :] * H + hh).reshape(-1)
    gidx = (jnp.stack([dst, src])[:, None, :] * H + hh).reshape(-1)
    Q = _sc_gather_rows(pos.reshape(N * H, D), qidx, D, 128)
    G = _sc_gather_rows(grads.reshape(N * H, D), gidx, D, 128)

    adjT16 = adj.T.reshape(16 * N, N // 16)
    adj16 = adj.reshape(16 * N, N // 16)
    a0 = _sc_gather_rows(adjT16, _chunked_idx(dst, 16), N // 16, 128)
    a1 = _sc_gather_rows(adj16, _chunked_idx(src, 16), N // 16, 128)

    call = _topk_call()
    hb = H * B
    labp1, ctp1 = call(posT, Q[hb:], G[hb:], a1.reshape(B, 16, N // 16))
    labp0, ctp0 = call(posT, Q[:hb], G[:hb], a0.reshape(B, 16, N // 16))
    lw = label_w[0, 0]
    ps0 = labp0[..., 0] * lw + ctp0[..., 0]
    ps1 = labp1[..., 0] * lw + ctp1[..., 0]
    return _combine_call()(ps0, ps1)

# --- scband reference (transcript-rebuilt; emitter-appended) ---
"""Pipeline reference for scband-mad-gcn-23081154248747 (READ-ONLY COPY).

The authoritative reference and input builder live on the scoring server;
editing this copy changes nothing except your own understanding.
"""

import jax, jax.numpy as jnp
import numpy as np

N = 4096
H = 4
D = 128
B = 1024
K = 8

def setup_inputs(seed: int = 0) -> dict:
    key = jax.random.key(seed)
    k1, k2, k3, k4 = jax.random.split(key, 4)
    pos = jax.random.normal(k1, (N, H, D), dtype=jnp.float32)
    grads = jax.random.normal(k2, (N, H, D), dtype=jnp.float32) * 0.1
    edges = jax.random.randint(k3, (2, B), 0, N)
    # adj buffer: dense adjacency mapped to {-1,+1} as in __init__ (adj_t.to_dense()*2-1)
    adj = (jax.random.uniform(k4, (N, N)) < 0.01).astype(jnp.float32) * 2.0 - 1.0
    # label_nn: Linear(1,1,bias=False) with weight initialized to ones
    label_w = jnp.ones((1, 1), dtype=jnp.float32)
    return {"pos": pos, "grads": grads, "edges": edges, "adj": adj, "label_w": label_w}

def _pairwise_norm(pos, q):
    # pos: (N,H,D), q: (Bq,H,D) -> euclidean distance (N,Bq,H)
    pn = jnp.sum(pos * pos, axis=2)              # (N,H)
    qn = jnp.sum(q * q, axis=2)                  # (Bq,H)
    cross = jnp.einsum('nhd,bhd->nbh', pos, q)   # (N,Bq,H)
    sq = pn[:, None, :] + qn[None, :, :] - 2.0 * cross
    return jnp.sqrt(jnp.maximum(sq, 0.0))

def reference(pos, grads, edges, adj, label_w):
    thresh_weight = 1.0
    src = edges[0]
    dst = edges[1]
    bsz = edges.shape[1]
    heads = jnp.arange(H)
    pos_src = pos[src]   # (B,H,D)
    pos_dst = pos[dst]   # (B,H,D)
    # eval path: softmin sample weights with euclidean distance
    src_norm = _pairwise_norm(pos, pos_src)   # (N,B,H)
    dst_norm = _pairwise_norm(pos, pos_dst)   # (N,B,H)
    # k+1 smallest along node axis, drop self (nearest)
    sn_t = jnp.transpose(src_norm, (1, 2, 0))  # (B,H,N)
    dn_t = jnp.transpose(dst_norm, (1, 2, 0))  # (B,H,N)
    _, idx_s = jax.lax.top_k(-sn_t, K + 1)
    _, idx_d = jax.lax.top_k(-dn_t, K + 1)
    src0 = idx_s[..., 1:]   # (B,H,K)
    dst0 = idx_d[..., 1:]   # (B,H,K)
    pos_src0 = pos[src0, heads[None, :, None]]  # (B,H,K,D)
    pos_dst0 = pos[dst0, heads[None, :, None]]  # (B,H,K,D)
    src_dist = pos_src[:, :, None, :] - pos_src0
    dst_dist = pos_dst[:, :, None, :] - pos_dst0
    grads_src = grads[dst]  # (B,H,D)
    grads_dst = grads[src]  # (B,H,D)
    # first-order Taylor contribution: grad dot displacement
    src_contrib = jnp.einsum('bhkd,bhd->bhk', src_dist, grads_src)
    dst_contrib = jnp.einsum('bhkd,bhd->bhk', dst_dist, grads_dst)
    # labels of substituted edges via dense +-1 adjacency, through label_nn (identity-init linear)
    lab_src = adj[src0, dst[:, None, None]] * label_w[0, 0] * thresh_weight  # (B,H,K)
    lab_dst = adj[src[:, None, None], dst0] * label_w[0, 0] * thresh_weight  # (B,H,K)
    # softmin weights over the k selected neighbor distances
    dsel_src = jnp.take_along_axis(sn_t, src0, axis=2)  # (B,H,K)
    dsel_dst = jnp.take_along_axis(dn_t, dst0, axis=2)  # (B,H,K)
    w_src = jax.nn.softmax(-dsel_src, axis=2)
    w_dst = jax.nn.softmax(-dsel_dst, axis=2)
    pred_src = jnp.sum(w_src * (lab_src + src_contrib), axis=2)  # (B,H)
    pred_dst = jnp.sum(w_dst * (lab_dst + dst_contrib), axis=2)  # (B,H)
    pred = jax.nn.sigmoid(jnp.mean(0.5 * (pred_src + pred_dst), axis=1))  # (B,)
    return pred

if False:  # reference __main__ guard neutralized (emitter)
    out = reference(**setup_inputs())
    print(out.shape, out.dtype)

if __name__ == "__main__":
    import jax
    _d = setup_inputs()
    print(jax.jit(kernel)(*tuple(_d.values())))

</pallas_src>

<mosaic_0001>
#map = affine_map<(d0, d1) -> (0, 0)>
module attributes {stable_mosaic.version = 14 : i64} {
  func.func @gather_kernel(%arg0: i32, %arg1: i32, %arg2: memref<16384x128xf32, #tpu.memory_space<hbm>>, %arg3: memref<1x8192xi32, #tpu.memory_space<hbm>>, %arg4: memref<8192x128xf32, #tpu.memory_space<hbm>>) attributes {dimension_semantics = [#tpu.dimension_semantics<core_parallel>, #tpu.dimension_semantics<subcore_parallel>], iteration_bounds = array<i64: 2, 16>, scalar_prefetch = 0 : i64, scratch_operands = 0 : i64, tpu.core_type = #tpu.core_type<sc_vector_subcore>, window_params = [{transform_indices = #map}, {transform_indices = #map}, {transform_indices = #map}]} {
    %mul3A = arith.constant 1 : i32
    %mul3A_0 = arith.muli %arg1, %mul3A : i32
    %add3A = arith.constant 0 : i32
    %add3A_1 = arith.addi %add3A, %mul3A_0 : i32
    %mul3A_2 = arith.constant 16 : i32
    %mul3A_3 = arith.muli %arg0, %mul3A_2 : i32
    %add3A_4 = arith.addi %add3A_1, %mul3A_3 : i32
    %mul3A_5 = arith.constant 2 : i32
    %mul3A_6 = arith.muli %add3A_4, %mul3A_5 : i32
    "tpu.region"() ({
      %run_scoped3A = memref.alloca() : memref<2x1x128xi32, #tpu.memory_space<vmem>>
      %run_scoped3A_7 = tpu.sem_alloc : memref<2x!tpu.dma_semaphore, #tpu.memory_space<semaphore_mem>>
      %run_scoped3A_8 = memref.alloca() : memref<2x128x128xf32, #tpu.memory_space<vmem>>
      %run_scoped3A_9 = tpu.sem_alloc : memref<2x!tpu.dma_semaphore, #tpu.memory_space<semaphore_mem>>
      %add3A_10 = arith.constant 0 : i32
      %add3A_11 = arith.addi %add3A_10, %mul3A_6 : i32
      %select_n3A = arith.constant true
      %select_n3A_12 = arith.constant 0 : i32
      %select_n3A_13 = arith.constant -1 : i32
      %select_n3A_14 = arith.select %select_n3A, %select_n3A_13, %select_n3A_12 : i32
      %eq3A = arith.constant -1 : i32
      %eq3A_15 = arith.cmpi eq, %select_n3A_14, %eq3A : i32
      %select_n3A_16 = arith.constant 1 : i32
      %select_n3A_17 = arith.select %eq3A_15, %select_n3A_16, %select_n3A_14 : i32
      %add3A_18 = arith.addi %select_n3A_17, %mul3A_6 : i32
      %select_n3A_19 = arith.constant true
      %select_n3A_20 = arith.constant 0 : i32
      %select_n3A_21 = arith.constant 1 : i32
      %select_n3A_22 = arith.select %select_n3A_19, %select_n3A_21, %select_n3A_20 : i32
      %eq3A_23 = arith.constant 2 : i32
      %eq3A_24 = arith.cmpi eq, %select_n3A_22, %eq3A_23 : i32
      %select_n3A_25 = arith.constant 0 : i32
      %select_n3A_26 = arith.select %eq3A_24, %select_n3A_25, %select_n3A_22 : i32
      %add3A_27 = arith.addi %select_n3A_26, %mul3A_6 : i32
      %add3A_28 = arith.constant 1 : i32
      %add3A_29 = arith.addi %select_n3A_26, %add3A_28 : i32
      %select_n3A_30 = arith.constant true
      %select_n3A_31 = arith.select %select_n3A_30, %add3A_29, %select_n3A_26 : i32
      %eq3A_32 = arith.constant 2 : i32
      %eq3A_33 = arith.cmpi eq, %select_n3A_31, %eq3A_32 : i32
      %select_n3A_34 = arith.constant 0 : i32
      %select_n3A_35 = arith.select %eq3A_33, %select_n3A_34, %select_n3A_31 : i32
      %add3A_36 = arith.addi %select_n3A_35, %mul3A_6 : i32
      "tpu.trace_start"() <{level = 10 : i32, message = "ep_initialize_0"}> : () -> ()
      %rem3A = arith.constant 0 : i32
      %rem3A_37 = arith.constant 2 : i32
      %rem3A_38 = arith.remui %rem3A, %rem3A_37 : i32
      %mul3A_39 = arith.constant 128 : i32
      %mul3A_40 = arith.muli %mul3A_39, %add3A_11 : i32
      %dma_start3A = arith.constant 0 : i32
      %dma_start3A_41 = arith.constant 0 : i32
      %dma_start3A_42 = tpu.memref_slice %run_scoped3A[%rem3A_38, %dma_start3A, %dma_start3A_41] : memref<2x1x128xi32, #tpu.memory_space<vmem>> -> memref<1x1x128xi32, #tpu.memory_space<vmem>>
      %dma_start3A_43 = tpu.memref_squeeze %dma_start3A_42 : memref<1x1x128xi32, #tpu.memory_space<vmem>> -> memref<1x128xi32, #tpu.memory_space<vmem>>
      %dma_start3A_44 = arith.constant 0 : i32
      %dma_start3A_45 = tpu.memref_slice %arg3[%dma_start3A_44, %mul3A_40] : memref<1x8192xi32, #tpu.memory_space<hbm>> -> memref<1x128xi32, #tpu.memory_space<hbm>>
      %dma_start3A_46 = tpu.memref_slice %run_scoped3A_7[%rem3A_38] : memref<2x!tpu.dma_semaphore, #tpu.memory_space<semaphore_mem>> -> memref<1x!tpu.dma_semaphore, #tpu.memory_space<semaphore_mem>>
      %dma_start3A_47 = tpu.memref_squeeze %dma_start3A_46 : memref<1x!tpu.dma_semaphore, #tpu.memory_space<semaphore_mem>> -> memref<!tpu.dma_semaphore, #tpu.memory_space<semaphore_mem>>
      %dma_start3A_48 = arith.constant 0 : i32
      %dma_start3A_49 = arith.constant 0 : i32
      %dma_start3A_50 = tpu.memref_slice %run_scoped3A[%rem3A_38, %dma_start3A_48, %dma_start3A_49] : memref<2x1x128xi32, #tpu.memory_space<vmem>> -> memref<1x1x128xi32, #tpu.memory_space<vmem>>
      %dma_start3A_51 = tpu.memref_squeeze %dma_start3A_50 : memref<1x1x128xi32, #tpu.memory_space<vmem>> -> memref<1x128xi32, #tpu.memory_space<vmem>>
      %dma_start3A_52 = arith.constant 0 : i32
      %dma_start3A_53 = tpu.memref_slice %arg3[%dma_start3A_52, %mul3A_40] : memref<1x8192xi32, #tpu.memory_space<hbm>> -> memref<1x128xi32, #tpu.memory_space<hbm>>
      tpu.enqueue_dma source(%dma_start3A_53 : memref<1x128xi32, #tpu.memory_space<hbm>>) target(%dma_start3A_51 : memref<1x128xi32, #tpu.memory_space<vmem>>) target_semaphore(%dma_start3A_47 : memref<!tpu.dma_semaphore, #tpu.memory_space<semaphore_mem>>)
      %add3A_54 = arith.constant 0 : i32
      %add3A_55 = arith.constant 1 : i32
      %add3A_56 = arith.addi %add3A_54, %add3A_55 : i32
      %select_n3A_57 = arith.constant true
      %select_n3A_58 = arith.constant 0 : i32
      %select_n3A_59 = arith.select %select_n3A_57, %add3A_56, %select_n3A_58 : i32
      "tpu.trace_stop"() : () -> ()
      %scan3A = arith.constant 0 : i32
      %scan3A_60 = arith.constant 0 : i32
      %scan3A_61 = arith.constant 0 : i32
      %scan3A_62 = arith.constant 0 : i32
      %scan3A_63 = arith.constant 0 : i32
      %scan3A_64 = arith.constant 2 : i32
      %scan3A_65 = arith.addi %scan3A_63, %scan3A_64 : i32
      %scan3A_66 = arith.constant 1 : i32
      %scan3A_67:5 = scf.for %scan3A_121 = %scan3A_63 to %scan3A_65 step %scan3A_66 iter_args(%scan3A_122 = %select_n3A_59, %scan3A_123 = %scan3A, %scan3A_124 = %scan3A_60, %scan3A_125 = %scan3A_61, %scan3A_126 = %scan3A_62) -> (i32, i32, i32, i32, i32)  : i32 {
        %eq3A_127 = arith.constant 0 : i32
        %eq3A_128 = arith.cmpi eq, %scan3A_121, %eq3A_127 : i32
        %eq3A_129 = arith.constant 1 : i32
        %eq3A_130 = arith.cmpi eq, %scan3A_121, %eq3A_129 : i32
        %add3A_131 = arith.addi %scan3A_126, %mul3A_6 : i32
        %sub3A_132 = arith.constant 1 : i32
        %sub3A_133 = arith.subi %scan3A_126, %sub3A_132 : i32
        %select_n3A_134 = arith.constant true
        %select_n3A_135 = arith.select %select_n3A_134, %sub3A_133, %scan3A_126 : i32
        %eq3A_136 = arith.constant -1 : i32
        %eq3A_137 = arith.cmpi eq, %select_n3A_135, %eq3A_136 : i32
        %select_n3A_138 = arith.constant 1 : i32
        %select_n3A_139 = arith.select %eq3A_137, %select_n3A_138, %select_n3A_135 : i32
        %add3A_140 = arith.addi %select_n3A_139, %mul3A_6 : i32
        %add3A_141 = arith.constant 1 : i32
        %add3A_142 = arith.addi %scan3A_126, %add3A_141 : i32
        %select_n3A_143 = arith.constant true
        %select_n3A_144 = arith.select %select_n3A_143, %add3A_142, %scan3A_126 : i32
        %eq3A_145 = arith.constant 2 : i32
        %eq3A_146 = arith.cmpi eq, %select_n3A_144, %eq3A_145 : i32
        %select_n3A_147 = arith.constant 0 : i32
        %select_n3A_148 = arith.select %eq3A_146, %select_n3A_147, %select_n3A_144 : i32
        %add3A_149 = arith.addi %select_n3A_148, %mul3A_6 : i32
        %add3A_150 = arith.constant 1 : i32
        %add3A_151 = arith.addi %select_n3A_148, %add3A_150 : i32
        %select_n3A_152 = arith.constant true
        %select_n3A_153 = arith.select %select_n3A_152, %add3A_151, %select_n3A_148 : i32
        %eq3A_154 = arith.constant 2 : i32
        %eq3A_155 = arith.cmpi eq, %select_n3A_153, %eq3A_154 : i32
        %select_n3A_156 = arith.constant 0 : i32
        %select_n3A_157 = arith.select %eq3A_155, %select_n3A_156, %select_n3A_153 : i32
        %add3A_158 = arith.addi %select_n3A_157, %mul3A_6 : i32
        %ne3A = arith.cmpi ne, %add3A_131, %add3A_149 : i32
        %or3A = arith.constant false
        %or3A_159 = arith.ori %or3A, %ne3A : i1
        %ge3A = arith.constant 1 : i32
        %ge3A_160 = arith.cmpi sge, %scan3A_121, %ge3A : i32
        %not3A = arith.constant true
        %not3A_161 = arith.xori %ge3A_160, %not3A : i1
        %and3A = arith.andi %or3A_159, %not3A_161 : i1
        %convert_element_type3A = arith.extui %and3A : i1 to i32
        %cond3A = arith.constant 0 : i32
        %cond3A_162 = arith.cmpi ne, %convert_element_type3A, %cond3A : i32
        scf.if %cond3A_162 {
          "tpu.trace_start"() <{level = 10 : i32, message = "ep_copy_in"}> : () -> ()
          %rem3A_264 = arith.constant 2 : i32
          %rem3A_265 = arith.remui %scan3A_122, %rem3A_264 : i32
          %mul3A_266 = arith.constant 128 : i32
          %mul3A_267 = arith.muli %mul3A_266, %add3A_149 : i32
          %dma_start3A_268 = arith.constant 0 : i32
          %dma_start3A_269 = arith.constant 0 : i32
          %dma_start3A_270 = tpu.memref_slice %run_scoped3A[%rem3A_265, %dma_start3A_268, %dma_start3A_269] : memref<2x1x128xi32, #tpu.memory_space<vmem>> -> memref<1x1x128xi32, #tpu.memory_space<vmem>>
          %dma_start3A_271 = tpu.memref_squeeze %dma_start3A_270 : memref<1x1x128xi32, #tpu.memory_space<vmem>> -> memref<1x128xi32, #tpu.memory_space<vmem>>
          %dma_start3A_272 = arith.constant 0 : i32
          %dma_start3A_273 = tpu.memref_slice %arg3[%dma_start3A_272, %mul3A_267] : memref<1x8192xi32, #tpu.memory_space<hbm>> -> memref<1x128xi32, #tpu.memory_space<hbm>>
          %dma_start3A_274 = tpu.memref_slice %run_scoped3A_7[%rem3A_265] : memref<2x!tpu.dma_semaphore, #tpu.memory_space<semaphore_mem>> -> memref<1x!tpu.dma_semaphore, #tpu.memory_space<semaphore_mem>>
          %dma_start3A_275 = tpu.memref_squeeze %dma_start3A_274 : memref<1x!tpu.dma_semaphore, #tpu.memory_space<semaphore_mem>> -> memref<!tpu.dma_semaphore, #tpu.memory_space<semaphore_mem>>
          %dma_start3A_276 = arith.constant 0 : i32
          %dma_start3A_277 = arith.constant 0 : i32
          %dma_start3A_278 = tpu.memref_slice %run_scoped3A[%rem3A_265, %dma_start3A_276, %dma_start3A_277] : memref<2x1x128xi32, #tpu.memory_space<vmem>> -> memref<1x1x128xi32, #tpu.memory_space<vmem>>
          %dma_start3A_279 = tpu.memref_squeeze %dma_start3A_278 : memref<1x1x128xi32, #tpu.memory_space<vmem>> -> memref<1x128xi32, #tpu.memory_space<vmem>>
          %dma_start3A_280 = arith.constant 0 : i32
          %dma_start3A_281 = tpu.memref_slice %arg3[%dma_start3A_280, %mul3A_267] : memref<1x8192xi32, #tpu.memory_space<hbm>> -> memref<1x128xi32, #tpu.memory_space<hbm>>
          tpu.enqueue_dma source(%dma_start3A_281 : memref<1x128xi32, #tpu.memory_space<hbm>>) target(%dma_start3A_279 : memref<1x128xi32, #tpu.memory_space<vmem>>) target_semaphore(%dma_start3A_275 : memref<!tpu.dma_semaphore, #tpu.memory_space<semaphore_mem>>)
          "tpu.trace_stop"() : () -> ()
        } else {
        }
        %and3A_163 = arith.constant true
        %and3A_164 = arith.andi %and3A, %and3A_163 : i1
        %add3A_165 = arith.constant 1 : i32
        %add3A_166 = arith.addi %scan3A_122, %add3A_165 : i32
        %select_n3A_167 = arith.select %and3A_164, %add3A_166, %scan3A_122 : i32
        %ne3A_168 = arith.cmpi ne, %add3A_131, %add3A_149 : i32
        %or3A_169 = arith.constant false
        %or3A_170 = arith.ori %or3A_169, %ne3A_168 : i1
        %or3A_171 = arith.constant false
        %or3A_172 = arith.ori %or3A_170, %or3A_171 : i1
        %ge3A_173 = arith.constant 1 : i32
        %ge3A_174 = arith.cmpi sge, %scan3A_121, %ge3A_173 : i32
        %not3A_175 = arith.constant true
        %not3A_176 = arith.xori %ge3A_174, %not3A_175 : i1
        %and3A_177 = arith.andi %or3A_172, %not3A_176 : i1
        %ne3A_178 = arith.cmpi ne, %add3A_131, %add3A_140 : i32
        %or3A_179 = arith.constant false
        %or3A_180 = arith.ori %or3A_179, %ne3A_178 : i1
        %or3A_181 = arith.ori %or3A_180, %eq3A_128 : i1
        %convert_element_type3A_182 = arith.extui %or3A_181 : i1 to i32
        %cond3A_183 = arith.constant 0 : i32
        %cond3A_184 = arith.cmpi ne, %convert_element_type3A_182, %cond3A_183 : i32
        scf.if %cond3A_184 {
          "tpu.trace_start"() <{level = 10 : i32, message = "ep_wait_in"}> : () -> ()
          %mul3A_264 = arith.constant 128 : i32
          %mul3A_265 = arith.muli %mul3A_264, %add3A_131 : i32
          %rem3A_266 = arith.constant 2 : i32
          %rem3A_267 = arith.remui %scan3A_123, %rem3A_266 : i32
          %dma_wait3A_268 = arith.constant 0 : i32
          %dma_wait3A_269 = arith.constant 0 : i32
          %dma_wait3A_270 = tpu.memref_slice %run_scoped3A[%rem3A_267, %dma_wait3A_268, %dma_wait3A_269] : memref<2x1x128xi32, #tpu.memory_space<vmem>> -> memref<1x1x128xi32, #tpu.memory_space<vmem>>
          %dma_wait3A_271 = tpu.memref_squeeze %dma_wait3A_270 : memref<1x1x128xi32, #tpu.memory_space<vmem>> -> memref<1x128xi32, #tpu.memory_space<vmem>>
          %dma_wait3A_272 = arith.constant 0 : i32
          %dma_wait3A_273 = tpu.memref_slice %arg3[%dma_wait3A_272, %mul3A_265] : memref<1x8192xi32, #tpu.memory_space<hbm>> -> memref<1x128xi32, #tpu.memory_space<hbm>>
          %dma_wait3A_274 = tpu.memref_slice %run_scoped3A_7[%rem3A_267] : memref<2x!tpu.dma_semaphore, #tpu.memory_space<semaphore_mem>> -> memref<1x!tpu.dma_semaphore, #tpu.memory_space<semaphore_mem>>
          %dma_wait3A_275 = tpu.memref_squeeze %dma_wait3A_274 : memref<1x!tpu.dma_semaphore, #tpu.memory_space<semaphore_mem>> -> memref<!tpu.dma_semaphore, #tpu.memory_space<semaphore_mem>>
          %dma_wait3A_276 = arith.constant 0 : i32
          %dma_wait3A_277 = arith.constant 0 : i32
          %dma_wait3A_278 = tpu.memref_slice %run_scoped3A[%rem3A_267, %dma_wait3A_276, %dma_wait3A_277] : memref<2x1x128xi32, #tpu.memory_space<vmem>> -> memref<1x1x128xi32, #tpu.memory_space<vmem>>
          %dma_wait3A_279 = tpu.memref_squeeze %dma_wait3A_278 : memref<1x1x128xi32, #tpu.memory_space<vmem>> -> memref<1x128xi32, #tpu.memory_space<vmem>>
          %dma_wait3A_280 = arith.constant 0 : i32
          %dma_wait3A_281 = tpu.memref_slice %arg3[%dma_wait3A_280, %mul3A_265] : memref<1x8192xi32, #tpu.memory_space<hbm>> -> memref<1x128xi32, #tpu.memory_space<hbm>>
          tpu.wait_dma2 semaphore(%dma_wait3A_275 : memref<!tpu.dma_semaphore, #tpu.memory_space<semaphore_mem>>) src(%dma_wait3A_281 : memref<1x128xi32, #tpu.memory_space<hbm>>) dst(%dma_wait3A_279 : memref<1x128xi32, #tpu.memory_space<vmem>>)
          "tpu.trace_stop"() : () -> ()
        } else {
        }
        %ne3A_185 = arith.cmpi ne, %add3A_131, %add3A_140 : i32
        %or3A_186 = arith.constant false
        %or3A_187 = arith.ori %or3A_186, %ne3A_185 : i1
        %or3A_188 = arith.constant false
        %or3A_189 = arith.ori %or3A_187, %or3A_188 : i1
        %or3A_190 = arith.ori %or3A_189, %eq3A_128 : i1
        %convert_element_type3A_191 = arith.extui %or3A_190 : i1 to i32
        %cond3A_192 = arith.constant 0 : i32
        %cond3A_193 = arith.cmpi ne, %convert_element_type3A_191, %cond3A_192 : i32
        scf.if %cond3A_193 {
        } else {
        }
        %rem3A_194 = arith.constant 2 : i32
        %rem3A_195 = arith.remui %scan3A_123, %rem3A_194 : i32
        %rem3A_196 = arith.constant 2 : i32
        %rem3A_197 = arith.remui %scan3A_124, %rem3A_196 : i32
        %run_scoped3A_198 = arith.constant 0 : i32
        "tpu.trace_start"() <{level = 10 : i32, message = "ep_run_kernel"}> : () -> ()
        "tpu.region"() ({
          %run_scoped3A_264 = tpu.sem_alloc : memref<!tpu.dma_semaphore, #tpu.memory_space<semaphore_mem>>
          %dma_start3A_265 = arith.constant 0 : i32
          %dma_start3A_266 = arith.constant 0 : i32
          %dma_start3A_267 = tpu.memref_slice %run_scoped3A_8[%rem3A_197, %dma_start3A_265, %dma_start3A_266] : memref<2x128x128xf32, #tpu.memory_space<vmem>> -> memref<1x128x128xf32, #tpu.memory_space<vmem>>
          %dma_start3A_268 = tpu.memref_squeeze %dma_start3A_267 : memref<1x128x128xf32, #tpu.memory_space<vmem>> -> memref<128x128xf32, #tpu.memory_space<vmem>>
          %dma_start3A_269 = arith.constant 0 : i32
          %dma_start3A_270 = arith.constant 0 : i32
          %dma_start3A_271 = tpu.memref_slice %run_scoped3A[%rem3A_195, %dma_start3A_269, %dma_start3A_270] : memref<2x1x128xi32, #tpu.memory_space<vmem>> -> memref<1x1x128xi32, #tpu.memory_space<vmem>>
          %dma_start3A_272 = tpu.memref_squeeze %dma_start3A_271 : memref<1x1x128xi32, #tpu.memory_space<vmem>> -> memref<1x128xi32, #tpu.memory_space<vmem>>
          %dma_start3A_273 = arith.constant 0 : i32
          %dma_start3A_274 = tpu.memref_slice %dma_start3A_272[%run_scoped3A_198, %dma_start3A_273] : memref<1x128xi32, #tpu.memory_space<vmem>> -> memref<1x128xi32, #tpu.memory_space<vmem>>
          %dma_start3A_275 = tpu.memref_squeeze %dma_start3A_274 : memref<1x128xi32, #tpu.memory_space<vmem>> -> memref<128xi32, #tpu.memory_space<vmem>>
          %dma_start3A_276 = arith.constant 0 : i32
          %dma_start3A_277 = arith.constant 0 : i32
          %dma_start3A_278 = tpu.memref_slice %arg2[%dma_start3A_276, %dma_start3A_277] : memref<16384x128xf32, #tpu.memory_space<hbm>> -> memref<16384x128xf32, #tpu.memory_space<hbm>>
          tpu.enqueue_indirect_dma source(%dma_start3A_278 : memref<16384x128xf32, #tpu.memory_space<hbm>>) target(%dma_start3A_268 : memref<128x128xf32, #tpu.memory_space<vmem>>) offsets(%dma_start3A_275 : memref<128xi32, #tpu.memory_space<vmem>>) semaphore(%run_scoped3A_264 : memref<!tpu.dma_semaphore, #tpu.memory_space<semaphore_mem>>)
          %dma_wait3A_279 = arith.constant 0 : i32
          %dma_wait3A_280 = arith.constant 0 : i32
          %dma_wait3A_281 = tpu.memref_slice %run_scoped3A_8[%rem3A_197, %dma_wait3A_279, %dma_wait3A_280] : memref<2x128x128xf32, #tpu.memory_space<vmem>> -> memref<1x128x128xf32, #tpu.memory_space<vmem>>
          %dma_wait3A_282 = tpu.memref_squeeze %dma_wait3A_281 : memref<1x128x128xf32, #tpu.memory_space<vmem>> -> memref<128x128xf32, #tpu.memory_space<vmem>>
          %dma_wait3A_283 = arith.constant 0 : i32
          %dma_wait3A_284 = arith.constant 0 : i32
          %dma_wait3A_285 = tpu.memref_slice %run_scoped3A[%rem3A_195, %dma_wait3A_283, %dma_wait3A_284] : memref<2x1x128xi32, #tpu.memory_space<vmem>> -> memref<1x1x128xi32, #tpu.memory_space<vmem>>
          %dma_wait3A_286 = tpu.memref_squeeze %dma_wait3A_285 : memref<1x1x128xi32, #tpu.memory_space<vmem>> -> memref<1x128xi32, #tpu.memory_space<vmem>>
          %dma_wait3A_287 = arith.constant 0 : i32
          %dma_wait3A_288 = tpu.memref_slice %dma_wait3A_286[%run_scoped3A_198, %dma_wait3A_287] : memref<1x128xi32, #tpu.memory_space<vmem>> -> memref<1x128xi32, #tpu.memory_space<vmem>>
          %dma_wait3A_289 = tpu.memref_squeeze %dma_wait3A_288 : memref<1x128xi32, #tpu.memory_space<vmem>> -> memref<128xi32, #tpu.memory_space<vmem>>
          %dma_wait3A_290 = arith.constant 0 : i32
          %dma_wait3A_291 = arith.constant 0 : i32
          %dma_wait3A_292 = tpu.memref_slice %arg2[%dma_wait3A_290, %dma_wait3A_291] : memref<16384x128xf32, #tpu.memory_space<hbm>> -> memref<16384x128xf32, #tpu.memory_space<hbm>>
          tpu.wait_indirect_dma semaphore(%run_scoped3A_264 : memref<!tpu.dma_semaphore, #tpu.memory_space<semaphore_mem>>) src(%dma_wait3A_292 : memref<16384x128xf32, #tpu.memory_space<hbm>>) dst(%dma_wait3A_282 : memref<128x128xf32, #tpu.memory_space<vmem>>)
          tpu.yield
        }) : () -> ()
        "tpu.trace_stop"() : () -> ()
        %ne3A_199 = arith.cmpi ne, %add3A_131, %add3A_149 : i32
        %or3A_200 = arith.constant false
        %or3A_201 = arith.ori %or3A_200, %ne3A_199 : i1
        %or3A_202 = arith.ori %or3A_201, %eq3A_130 : i1
        %convert_element_type3A_203 = arith.extui %or3A_202 : i1 to i32
        %cond3A_204 = arith.constant 0 : i32
        %cond3A_205 = arith.cmpi ne, %convert_element_type3A_203, %cond3A_204 : i32
        scf.if %cond3A_205 {
        } else {
        }
        %and3A_206 = arith.constant false
        %and3A_207 = arith.andi %or3A_202, %and3A_206 : i1
        %ne3A_208 = arith.cmpi ne, %add3A_131, %add3A_149 : i32
        %or3A_209 = arith.constant false
        %or3A_210 = arith.ori %or3A_209, %ne3A_208 : i1
        %or3A_211 = arith.constant false
        %or3A_212 = arith.ori %or3A_210, %or3A_211 : i1
        %or3A_213 = arith.ori %or3A_212, %eq3A_130 : i1
        %convert_element_type3A_214 = arith.extui %or3A_213 : i1 to i32
        %cond3A_215 = arith.constant 0 : i32
        %cond3A_216 = arith.cmpi ne, %convert_element_type3A_214, %cond3A_215 : i32
        scf.if %cond3A_216 {
          "tpu.trace_start"() <{level = 10 : i32, message = "ep_copy_out"}> : () -> ()
          %rem3A_264 = arith.constant 2 : i32
          %rem3A_265 = arith.remui %scan3A_124, %rem3A_264 : i32
          %mul3A_266 = arith.constant 128 : i32
          %mul3A_267 = arith.muli %mul3A_266, %add3A_131 : i32
          %dma_start3A_268 = arith.constant 0 : i32
          %dma_start3A_269 = arith.constant 0 : i32
          %dma_start3A_270 = tpu.memref_slice %run_scoped3A_8[%rem3A_265, %dma_start3A_268, %dma_start3A_269] : memref<2x128x128xf32, #tpu.memory_space<vmem>> -> memref<1x128x128xf32, #tpu.memory_space<vmem>>
          %dma_start3A_271 = tpu.memref_squeeze %dma_start3A_270 : memref<1x128x128xf32, #tpu.memory_space<vmem>> -> memref<128x128xf32, #tpu.memory_space<vmem>>
          %dma_start3A_272 = arith.constant 0 : i32
          %dma_start3A_273 = tpu.memref_slice %arg4[%mul3A_267, %dma_start3A_272] : memref<8192x128xf32, #tpu.memory_space<hbm>> -> memref<128x128xf32, #tpu.memory_space<hbm>>
          %dma_start3A_274 = tpu.memref_slice %run_scoped3A_9[%rem3A_265] : memref<2x!tpu.dma_semaphore, #tpu.memory_space<semaphore_mem>> -> memref<1x!tpu.dma_semaphore, #tpu.memory_space<semaphore_mem>>
          %dma_start3A_275 = tpu.memref_squeeze %dma_start3A_274 : memref<1x!tpu.dma_semaphore, #tpu.memory_space<semaphore_mem>> -> memref<!tpu.dma_semaphore, #tpu.memory_space<semaphore_mem>>
          %dma_start3A_276 = arith.constant 0 : i32
          %dma_start3A_277 = tpu.memref_slice %arg4[%mul3A_267, %dma_start3A_276] : memref<8192x128xf32, #tpu.memory_space<hbm>> -> memref<128x128xf32, #tpu.memory_space<hbm>>
          %dma_start3A_278 = arith.constant 0 : i32
          %dma_start3A_279 = arith.constant 0 : i32
          %dma_start3A_280 = tpu.memref_slice %run_scoped3A_8[%rem3A_265, %dma_start3A_278, %dma_start3A_279] : memref<2x128x128xf32, #tpu.memory_space<vmem>> -> memref<1x128x128xf32, #tpu.memory_space<vmem>>
          %dma_start3A_281 = tpu.memref_squeeze %dma_start3A_280 : memref<1x128x128xf32, #tpu.memory_space<vmem>> -> memref<128x128xf32, #tpu.memory_space<vmem>>
          tpu.enqueue_dma source(%dma_start3A_281 : memref<128x128xf32, #tpu.memory_space<vmem>>) target(%dma_start3A_277 : memref<128x128xf32, #tpu.memory_space<hbm>>) target_semaphore(%dma_start3A_275 : memref<!tpu.dma_semaphore, #tpu.memory_space<semaphore_mem>>)
          "tpu.trace_stop"() : () -> ()
        } else {
        }
        %and3A_217 = arith.constant true
        %and3A_218 = arith.andi %or3A_213, %and3A_217 : i1
        %add3A_219 = arith.constant 1 : i32
        %add3A_220 = arith.addi %scan3A_124, %add3A_219 : i32
        %select_n3A_221 = arith.select %and3A_218, %add3A_220, %scan3A_124 : i32
        %ne3A_222 = arith.cmpi ne, %add3A_131, %add3A_140 : i32
        %or3A_223 = arith.constant false
        %or3A_224 = arith.ori %or3A_223, %ne3A_222 : i1
        %not3A_225 = arith.constant true
        %not3A_226 = arith.xori %eq3A_128, %not3A_225 : i1
        %and3A_227 = arith.andi %or3A_224, %not3A_226 : i1
        %convert_element_type3A_228 = arith.extui %and3A_227 : i1 to i32
        %cond3A_229 = arith.constant 0 : i32
        %cond3A_230 = arith.cmpi ne, %convert_element_type3A_228, %cond3A_229 : i32
        scf.if %cond3A_230 {
        } else {
        }
        %and3A_231 = arith.constant false
        %and3A_232 = arith.andi %and3A_227, %and3A_231 : i1
        %ne3A_233 = arith.cmpi ne, %add3A_131, %add3A_140 : i32
        %or3A_234 = arith.constant false
        %or3A_235 = arith.ori %or3A_234, %ne3A_233 : i1
        %or3A_236 = arith.constant false
        %or3A_237 = arith.ori %or3A_235, %or3A_236 : i1
        %not3A_238 = arith.constant true
        %not3A_239 = arith.xori %eq3A_128, %not3A_238 : i1
        %and3A_240 = arith.andi %or3A_237, %not3A_239 : i1
        %convert_element_type3A_241 = arith.extui %and3A_240 : i1 to i32
        %cond3A_242 = arith.constant 0 : i32
        %cond3A_243 = arith.cmpi ne, %convert_element_type3A_241, %cond3A_242 : i32
        scf.if %cond3A_243 {
          "tpu.trace_start"() <{level = 10 : i32, message = "ep_wait_out"}> : () -> ()
          %rem3A_264 = arith.constant 2 : i32
          %rem3A_265 = arith.remui %scan3A_125, %rem3A_264 : i32
          %mul3A_266 = arith.constant 128 : i32
          %mul3A_267 = arith.muli %mul3A_266, %add3A_140 : i32
          %dma_wait3A_268 = arith.constant 0 : i32
          %dma_wait3A_269 = arith.constant 0 : i32
          %dma_wait3A_270 = tpu.memref_slice %run_scoped3A_8[%rem3A_265, %dma_wait3A_268, %dma_wait3A_269] : memref<2x128x128xf32, #tpu.memory_space<vmem>> -> memref<1x128x128xf32, #tpu.memory_space<vmem>>
          %dma_wait3A_271 = tpu.memref_squeeze %dma_wait3A_270 : memref<1x128x128xf32, #tpu.memory_space<vmem>> -> memref<128x128xf32, #tpu.memory_space<vmem>>
          %dma_wait3A_272 = arith.constant 0 : i32
          %dma_wait3A_273 = tpu.memref_slice %arg4[%mul3A_267, %dma_wait3A_272] : memref<8192x128xf32, #tpu.memory_space<hbm>> -> memref<128x128xf32, #tpu.memory_space<hbm>>
          %dma_wait3A_274 = tpu.memref_slice %run_scoped3A_9[%rem3A_265] : memref<2x!tpu.dma_semaphore, #tpu.memory_space<semaphore_mem>> -> memref<1x!tpu.dma_semaphore, #tpu.memory_space<semaphore_mem>>
          %dma_wait3A_275 = tpu.memref_squeeze %dma_wait3A_274 : memref<1x!tpu.dma_semaphore, #tpu.memory_space<semaphore_mem>> -> memref<!tpu.dma_semaphore, #tpu.memory_space<semaphore_mem>>
          %dma_wait3A_276 = arith.constant 0 : i32
          %dma_wait3A_277 = tpu.memref_slice %arg4[%mul3A_267, %dma_wait3A_276] : memref<8192x128xf32, #tpu.memory_space<hbm>> -> memref<128x128xf32, #tpu.memory_space<hbm>>
          %dma_wait3A_278 = arith.constant 0 : i32
          %dma_wait3A_279 = arith.constant 0 : i32
          %dma_wait3A_280 = tpu.memref_slice %run_scoped3A_8[%rem3A_265, %dma_wait3A_278, %dma_wait3A_279] : memref<2x128x128xf32, #tpu.memory_space<vmem>> -> memref<1x128x128xf32, #tpu.memory_space<vmem>>
          %dma_wait3A_281 = tpu.memref_squeeze %dma_wait3A_280 : memref<1x128x128xf32, #tpu.memory_space<vmem>> -> memref<128x128xf32, #tpu.memory_space<vmem>>
          tpu.wait_dma2 semaphore(%dma_wait3A_275 : memref<!tpu.dma_semaphore, #tpu.memory_space<semaphore_mem>>) src(%dma_wait3A_281 : memref<128x128xf32, #tpu.memory_space<vmem>>) dst(%dma_wait3A_277 : memref<128x128xf32, #tpu.memory_space<hbm>>)
          "tpu.trace_stop"() : () -> ()
        } else {
        }
        %and3A_244 = arith.constant true
        %and3A_245 = arith.andi %and3A_240, %and3A_244 : i1
        %add3A_246 = arith.constant 1 : i32
        %add3A_247 = arith.addi %scan3A_125, %add3A_246 : i32
        %select_n3A_248 = arith.select %and3A_245, %add3A_247, %scan3A_125 : i32
        %ne3A_249 = arith.cmpi ne, %add3A_131, %add3A_149 : i32
        %or3A_250 = arith.constant false
        %or3A_251 = arith.ori %or3A_250, %ne3A_249 : i1
        %or3A_252 = arith.ori %or3A_251, %eq3A_130 : i1
        %add3A_253 = arith.constant 1 : i32
        %add3A_254 = arith.addi %scan3A_123, %add3A_253 : i32
        %select_n3A_255 = arith.select %or3A_252, %add3A_254, %scan3A_123 : i32
        %add3A_256 = arith.constant 1 : i32
        %add3A_257 = arith.addi %scan3A_126, %add3A_256 : i32
        %select_n3A_258 = arith.constant true
        %select_n3A_259 = arith.select %select_n3A_258, %add3A_257, %scan3A_126 : i32
        %eq3A_260 = arith.constant 2 : i32
        %eq3A_261 = arith.cmpi eq, %select_n3A_259, %eq3A_260 : i32
        %select_n3A_262 = arith.constant 0 : i32
        %select_n3A_263 = arith.select %eq3A_261, %select_n3A_262, %select_n3A_259 : i32
        scf.yield %select_n3A_167, %select_n3A_255, %select_n3A_221, %select_n3A_248, %select_n3A_263 : i32, i32, i32, i32, i32
      }
      %scan3A_68 = arith.constant 2 : i32
      %sub3A = arith.constant 1 : i32
      %sub3A_69 = arith.subi %scan3A_67#4, %sub3A : i32
      %select_n3A_70 = arith.constant true
      %select_n3A_71 = arith.select %select_n3A_70, %sub3A_69, %scan3A_67#4 : i32
      %eq3A_72 = arith.constant -1 : i32
      %eq3A_73 = arith.cmpi eq, %select_n3A_71, %eq3A_72 : i32
      %select_n3A_74 = arith.constant 1 : i32
      %select_n3A_75 = arith.select %eq3A_73, %select_n3A_74, %select_n3A_71 : i32
      %add3A_76 = arith.addi %select_n3A_75, %mul3A_6 : i32
      %sub3A_77 = arith.constant 1 : i32
      %sub3A_78 = arith.subi %select_n3A_75, %sub3A_77 : i32
      %select_n3A_79 = arith.constant true
      %select_n3A_80 = arith.select %select_n3A_79, %sub3A_78, %select_n3A_75 : i32
      %eq3A_81 = arith.constant -1 : i32
      %eq3A_82 = arith.cmpi eq, %select_n3A_80, %eq3A_81 : i32
      %select_n3A_83 = arith.constant 1 : i32
      %select_n3A_84 = arith.select %eq3A_82, %select_n3A_83, %select_n3A_80 : i32
      %add3A_85 = arith.addi %select_n3A_84, %mul3A_6 : i32
      %add3A_86 = arith.constant 1 : i32
      %add3A_87 = arith.addi %select_n3A_75, %add3A_86 : i32
      %select_n3A_88 = arith.constant true
      %select_n3A_89 = arith.select %select_n3A_88, %add3A_87, %select_n3A_75 : i32
      %eq3A_90 = arith.constant 2 : i32
      %eq3A_91 = arith.cmpi eq, %select_n3A_89, %eq3A_90 : i32
      %select_n3A_92 = arith.constant 0 : i32
      %select_n3A_93 = arith.select %eq3A_91, %select_n3A_92, %select_n3A_89 : i32
      %add3A_94 = arith.addi %select_n3A_93, %mul3A_6 : i32
      %add3A_95 = arith.constant 1 : i32
      %add3A_96 = arith.addi %select_n3A_93, %add3A_95 : i32
      %select_n3A_97 = arith.constant true
      %select_n3A_98 = arith.select %select_n3A_97, %add3A_96, %select_n3A_93 : i32
      %eq3A_99 = arith.constant 2 : i32
      %eq3A_100 = arith.cmpi eq, %select_n3A_98, %eq3A_99 : i32
      %select_n3A_101 = arith.constant 0 : i32
      %select_n3A_102 = arith.select %eq3A_100, %select_n3A_101, %select_n3A_98 : i32
      %add3A_103 = arith.addi %select_n3A_102, %mul3A_6 : i32
      "tpu.trace_start"() <{level = 10 : i32, message = "ep_finalize"}> : () -> ()
      %rem3A_104 = arith.constant 2 : i32
      %rem3A_105 = arith.remui %scan3A_67#3, %rem3A_104 : i32
      %mul3A_106 = arith.constant 128 : i32
      %mul3A_107 = arith.muli %mul3A_106, %add3A_76 : i32
      %dma_wait3A = arith.constant 0 : i32
      %dma_wait3A_108 = arith.constant 0 : i32
      %dma_wait3A_109 = tpu.memref_slice %run_scoped3A_8[%rem3A_105, %dma_wait3A, %dma_wait3A_108] : memref<2x128x128xf32, #tpu.memory_space<vmem>> -> memref<1x128x128xf32, #tpu.memory_space<vmem>>
      %dma_wait3A_110 = tpu.memref_squeeze %dma_wait3A_109 : memref<1x128x128xf32, #tpu.memory_space<vmem>> -> memref<128x128xf32, #tpu.memory_space<vmem>>
      %dma_wait3A_111 = arith.constant 0 : i32
      %dma_wait3A_112 = tpu.memref_slice %arg4[%mul3A_107, %dma_wait3A_111] : memref<8192x128xf32, #tpu.memory_space<hbm>> -> memref<128x128xf32, #tpu.memory_space<hbm>>
      %dma_wait3A_113 = tpu.memref_slice %run_scoped3A_9[%rem3A_105] : memref<2x!tpu.dma_semaphore, #tpu.memory_space<semaphore_mem>> -> memref<1x!tpu.dma_semaphore, #tpu.memory_space<semaphore_mem>>
      %dma_wait3A_114 = tpu.memref_squeeze %dma_wait3A_113 : memref<1x!tpu.dma_semaphore, #tpu.memory_space<semaphore_mem>> -> memref<!tpu.dma_semaphore, #tpu.memory_space<semaphore_mem>>
      %dma_wait3A_115 = arith.constant 0 : i32
      %dma_wait3A_116 = tpu.memref_slice %arg4[%mul3A_107, %dma_wait3A_115] : memref<8192x128xf32, #tpu.memory_space<hbm>> -> memref<128x128xf32, #tpu.memory_space<hbm>>
      %dma_wait3A_117 = arith.constant 0 : i32
      %dma_wait3A_118 = arith.constant 0 : i32
      %dma_wait3A_119 = tpu.memref_slice %run_scoped3A_8[%rem3A_105, %dma_wait3A_117, %dma_wait3A_118] : memref<2x128x128xf32, #tpu.memory_space<vmem>> -> memref<1x128x128xf32, #tpu.memory_space<vmem>>
      %dma_wait3A_120 = tpu.memref_squeeze %dma_wait3A_119 : memref<1x128x128xf32, #tpu.memory_space<vmem>> -> memref<128x128xf32, #tpu.memory_space<vmem>>
      tpu.wait_dma2 semaphore(%dma_wait3A_114 : memref<!tpu.dma_semaphore, #tpu.memory_space<semaphore_mem>>) src(%dma_wait3A_120 : memref<128x128xf32, #tpu.memory_space<vmem>>) dst(%dma_wait3A_116 : memref<128x128xf32, #tpu.memory_space<hbm>>)
      "tpu.trace_stop"() : () -> ()
      tpu.yield
    }) : () -> ()
    return
  }
}

#map = affine_map<(d0, d1) -> (0, 0)>
module attributes {stable_mosaic.version = 14 : i64} {
  func.func @gather_kernel(%arg0: i32, %arg1: i32, %arg2: memref<16384x128xf32, #tpu.memory_space<hbm>>, %arg3: memref<1x8192xi32, #tpu.memory_space<hbm>>, %arg4: memref<8192x128xf32, #tpu.memory_space<hbm>>) attributes {dimension_semantics = [#tpu.dimension_semantics<core_parallel>, #tpu.dimension_semantics<subcore_parallel>], iteration_bounds = array<i64: 2, 16>, scalar_prefetch = 0 : i64, scratch_operands = 0 : i64, tpu.core_type = #tpu.core_type<sc_vector_subcore>, window_params = [{transform_indices = #map}, {transform_indices = #map}, {transform_indices = #map}]} {
    %mul3A = arith.constant 1 : i32
    %mul3A_0 = arith.muli %arg1, %mul3A : i32
    %add3A = arith.constant 0 : i32
    %add3A_1 = arith.addi %add3A, %mul3A_0 : i32
    %mul3A_2 = arith.constant 16 : i32
    %mul3A_3 = arith.muli %arg0, %mul3A_2 : i32
    %add3A_4 = arith.addi %add3A_1, %mul3A_3 : i32
    %mul3A_5 = arith.constant 2 : i32
    %mul3A_6 = arith.muli %add3A_4, %mul3A_5 : i32
    "tpu.region"() ({
      %run_scoped3A = memref.alloca() : memref<2x1x128xi32, #tpu.memory_space<vmem>>
      %run_scoped3A_7 = tpu.sem_alloc : memref<2x!tpu.dma_semaphore, #tpu.memory_space<semaphore_mem>>
      %run_scoped3A_8 = memref.alloca() : memref<2x128x128xf32, #tpu.memory_space<vmem>>
      %run_scoped3A_9 = tpu.sem_alloc : memref<2x!tpu.dma_semaphore, #tpu.memory_space<semaphore_mem>>
      %add3A_10 = arith.constant 0 : i32
      %add3A_11 = arith.addi %add3A_10, %mul3A_6 : i32
      %select_n3A = arith.constant true
      %select_n3A_12 = arith.constant 0 : i32
      %select_n3A_13 = arith.constant -1 : i32
      %select_n3A_14 = arith.select %select_n3A, %select_n3A_13, %select_n3A_12 : i32
      %eq3A = arith.constant -1 : i32
      %eq3A_15 = arith.cmpi eq, %select_n3A_14, %eq3A : i32
      %select_n3A_16 = arith.constant 1 : i32
      %select_n3A_17 = arith.select %eq3A_15, %select_n3A_16, %select_n3A_14 : i32
      %add3A_18 = arith.addi %select_n3A_17, %mul3A_6 : i32
      %select_n3A_19 = arith.constant true
      %select_n3A_20 = arith.constant 0 : i32
      %select_n3A_21 = arith.constant 1 : i32
      %select_n3A_22 = arith.select %select_n3A_19, %select_n3A_21, %select_n3A_20 : i32
      %eq3A_23 = arith.constant 2 : i32
      %eq3A_24 = arith.cmpi eq, %select_n3A_22, %eq3A_23 : i32
      %select_n3A_25 = arith.constant 0 : i32
      %select_n3A_26 = arith.select %eq3A_24, %select_n3A_25, %select_n3A_22 : i32
      %add3A_27 = arith.addi %select_n3A_26, %mul3A_6 : i32
      %add3A_28 = arith.constant 1 : i32
      %add3A_29 = arith.addi %select_n3A_26, %add3A_28 : i32
      %select_n3A_30 = arith.constant true
      %select_n3A_31 = arith.select %select_n3A_30, %add3A_29, %select_n3A_26 : i32
      %eq3A_32 = arith.constant 2 : i32
      %eq3A_33 = arith.cmpi eq, %select_n3A_31, %eq3A_32 : i32
      %select_n3A_34 = arith.constant 0 : i32
      %select_n3A_35 = arith.select %eq3A_33, %select_n3A_34, %select_n3A_31 : i32
      %add3A_36 = arith.addi %select_n3A_35, %mul3A_6 : i32
      "tpu.trace_start"() <{level = 10 : i32, message = "ep_initialize_0"}> : () -> ()
      %rem3A = arith.constant 0 : i32
      %rem3A_37 = arith.constant 2 : i32
      %rem3A_38 = arith.remui %rem3A, %rem3A_37 : i32
      %mul3A_39 = arith.constant 128 : i32
      %mul3A_40 = arith.muli %mul3A_39, %add3A_11 : i32
      %dma_start3A = arith.constant 0 : i32
      %dma_start3A_41 = arith.constant 0 : i32
      %dma_start3A_42 = tpu.memref_slice %run_scoped3A[%rem3A_38, %dma_start3A, %dma_start3A_41] : memref<2x1x128xi32, #tpu.memory_space<vmem>> -> memref<1x1x128xi32, #tpu.memory_space<vmem>>
      %dma_start3A_43 = tpu.memref_squeeze %dma_start3A_42 : memref<1x1x128xi32, #tpu.memory_space<vmem>> -> memref<1x128xi32, #tpu.memory_space<vmem>>
      %dma_start3A_44 = arith.constant 0 : i32
      %dma_start3A_45 = tpu.memref_slice %arg3[%dma_start3A_44, %mul3A_40] : memref<1x8192xi32, #tpu.memory_space<hbm>> -> memref<1x128xi32, #tpu.memory_space<hbm>>
      %dma_start3A_46 = tpu.memref_slice %run_scoped3A_7[%rem3A_38] : memref<2x!tpu.dma_semaphore, #tpu.memory_space<semaphore_mem>> -> memref<1x!tpu.dma_semaphore, #tpu.memory_space<semaphore_mem>>
      %dma_start3A_47 = tpu.memref_squeeze %dma_start3A_46 : memref<1x!tpu.dma_semaphore, #tpu.memory_space<semaphore_mem>> -> memref<!tpu.dma_semaphore, #tpu.memory_space<semaphore_mem>>
      %dma_start3A_48 = arith.constant 0 : i32
      %dma_start3A_49 = arith.constant 0 : i32
      %dma_start3A_50 = tpu.memref_slice %run_scoped3A[%rem3A_38, %dma_start3A_48, %dma_start3A_49] : memref<2x1x128xi32, #tpu.memory_space<vmem>> -> memref<1x1x128xi32, #tpu.memory_space<vmem>>
      %dma_start3A_51 = tpu.memref_squeeze %dma_start3A_50 : memref<1x1x128xi32, #tpu.memory_space<vmem>> -> memref<1x128xi32, #tpu.memory_space<vmem>>
      %dma_start3A_52 = arith.constant 0 : i32
      %dma_start3A_53 = tpu.memref_slice %arg3[%dma_start3A_52, %mul3A_40] : memref<1x8192xi32, #tpu.memory_space<hbm>> -> memref<1x128xi32, #tpu.memory_space<hbm>>
      tpu.enqueue_dma source(%dma_start3A_53 : memref<1x128xi32, #tpu.memory_space<hbm>>) target(%dma_start3A_51 : memref<1x128xi32, #tpu.memory_space<vmem>>) target_semaphore(%dma_start3A_47 : memref<!tpu.dma_semaphore, #tpu.memory_space<semaphore_mem>>)
      %add3A_54 = arith.constant 0 : i32
      %add3A_55 = arith.constant 1 : i32
      %add3A_56 = arith.addi %add3A_54, %add3A_55 : i32
      %select_n3A_57 = arith.constant true
      %select_n3A_58 = arith.constant 0 : i32
      %select_n3A_59 = arith.select %select_n3A_57, %add3A_56, %select_n3A_58 : i32
      "tpu.trace_stop"() : () -> ()
      %scan3A = arith.constant 0 : i32
      %scan3A_60 = arith.constant 0 : i32
      %scan3A_61 = arith.constant 0 : i32
      %scan3A_62 = arith.constant 0 : i32
      %scan3A_63 = arith.constant 0 : i32
      %scan3A_64 = arith.constant 2 : i32
      %scan3A_65 = arith.addi %scan3A_63, %scan3A_64 : i32
      %scan3A_66 = arith.constant 1 : i32
      %scan3A_67:5 = scf.for %scan3A_121 = %scan3A_63 to %scan3A_65 step %scan3A_66 iter_args(%scan3A_122 = %select_n3A_59, %scan3A_123 = %scan3A, %scan3A_124 = %scan3A_60, %scan3A_125 = %scan3A_61, %scan3A_126 = %scan3A_62) -> (i32, i32, i32, i32, i32)  : i32 {
        %eq3A_127 = arith.constant 0 : i32
        %eq3A_128 = arith.cmpi eq, %scan3A_121, %eq3A_127 : i32
        %eq3A_129 = arith.constant 1 : i32
        %eq3A_130 = arith.cmpi eq, %scan3A_121, %eq3A_129 : i32
        %add3A_131 = arith.addi %scan3A_126, %mul3A_6 : i32
        %sub3A_132 = arith.constant 1 : i32
        %sub3A_133 = arith.subi %scan3A_126, %sub3A_132 : i32
        %select_n3A_134 = arith.constant true
        %select_n3A_135 = arith.select %select_n3A_134, %sub3A_133, %scan3A_126 : i32
        %eq3A_136 = arith.constant -1 : i32
        %eq3A_137 = arith.cmpi eq, %select_n3A_135, %eq3A_136 : i32
        %select_n3A_138 = arith.constant 1 : i32
        %select_n3A_139 = arith.select %eq3A_137, %select_n3A_138, %select_n3A_135 : i32
        %add3A_140 = arith.addi %select_n3A_139, %mul3A_6 : i32
        %add3A_141 = arith.constant 1 : i32
        %add3A_142 = arith.addi %scan3A_126, %add3A_141 : i32
        %select_n3A_143 = arith.constant true
        %select_n3A_144 = arith.select %select_n3A_143, %add3A_142, %scan3A_126 : i32
        %eq3A_145 = arith.constant 2 : i32
        %eq3A_146 = arith.cmpi eq, %select_n3A_144, %eq3A_145 : i32
        %select_n3A_147 = arith.constant 0 : i32
        %select_n3A_148 = arith.select %eq3A_146, %select_n3A_147, %select_n3A_144 : i32
        %add3A_149 = arith.addi %select_n3A_148, %mul3A_6 : i32
        %add3A_150 = arith.constant 1 : i32
        %add3A_151 = arith.addi %select_n3A_148, %add3A_150 : i32
        %select_n3A_152 = arith.constant true
        %select_n3A_153 = arith.select %select_n3A_152, %add3A_151, %select_n3A_148 : i32
        %eq3A_154 = arith.constant 2 : i32
        %eq3A_155 = arith.cmpi eq, %select_n3A_153, %eq3A_154 : i32
        %select_n3A_156 = arith.constant 0 : i32
        %select_n3A_157 = arith.select %eq3A_155, %select_n3A_156, %select_n3A_153 : i32
        %add3A_158 = arith.addi %select_n3A_157, %mul3A_6 : i32
        %ne3A = arith.cmpi ne, %add3A_131, %add3A_149 : i32
        %or3A = arith.constant false
        %or3A_159 = arith.ori %or3A, %ne3A : i1
        %ge3A = arith.constant 1 : i32
        %ge3A_160 = arith.cmpi sge, %scan3A_121, %ge3A : i32
        %not3A = arith.constant true
        %not3A_161 = arith.xori %ge3A_160, %not3A : i1
        %and3A = arith.andi %or3A_159, %not3A_161 : i1
        %convert_element_type3A = arith.extui %and3A : i1 to i32
        %cond3A = arith.constant 0 : i32
        %cond3A_162 = arith.cmpi ne, %convert_element_type3A, %cond3A : i32
        scf.if %cond3A_162 {
          "tpu.trace_start"() <{level = 10 : i32, message = "ep_copy_in"}> : () -> ()
          %rem3A_264 = arith.constant 2 : i32
          %rem3A_265 = arith.remui %scan3A_122, %rem3A_264 : i32
          %mul3A_266 = arith.constant 128 : i32
          %mul3A_267 = arith.muli %mul3A_266, %add3A_149 : i32
          %dma_start3A_268 = arith.constant 0 : i32
          %dma_start3A_269 = arith.constant 0 : i32
          %dma_start3A_270 = tpu.memref_slice %run_scoped3A[%rem3A_265, %dma_start3A_268, %dma_start3A_269] : memref<2x1x128xi32, #tpu.memory_space<vmem>> -> memref<1x1x128xi32, #tpu.memory_space<vmem>>
          %dma_start3A_271 = tpu.memref_squeeze %dma_start3A_270 : memref<1x1x128xi32, #tpu.memory_space<vmem>> -> memref<1x128xi32, #tpu.memory_space<vmem>>
          %dma_start3A_272 = arith.constant 0 : i32
          %dma_start3A_273 = tpu.memref_slice %arg3[%dma_start3A_272, %mul3A_267] : memref<1x8192xi32, #tpu.memory_space<hbm>> -> memref<1x128xi32, #tpu.memory_space<hbm>>
          %dma_start3A_274 = tpu.memref_slice %run_scoped3A_7[%rem3A_265] : memref<2x!tpu.dma_semaphore, #tpu.memory_space<semaphore_mem>> -> memref<1x!tpu.dma_semaphore, #tpu.memory_space<semaphore_mem>>
          %dma_start3A_275 = tpu.memref_squeeze %dma_start3A_274 : memref<1x!tpu.dma_semaphore, #tpu.memory_space<semaphore_mem>> -> memref<!tpu.dma_semaphore, #tpu.memory_space<semaphore_mem>>
          %dma_start3A_276 = arith.constant 0 : i32
          %dma_start3A_277 = arith.constant 0 : i32
          %dma_start3A_278 = tpu.memref_slice %run_scoped3A[%rem3A_265, %dma_start3A_276, %dma_start3A_277] : memref<2x1x128xi32, #tpu.memory_space<vmem>> -> memref<1x1x128xi32, #tpu.memory_space<vmem>>
          %dma_start3A_279 = tpu.memref_squeeze %dma_start3A_278 : memref<1x1x128xi32, #tpu.memory_space<vmem>> -> memref<1x128xi32, #tpu.memory_space<vmem>>
          %dma_start3A_280 = arith.constant 0 : i32
          %dma_start3A_281 = tpu.memref_slice %arg3[%dma_start3A_280, %mul3A_267] : memref<1x8192xi32, #tpu.memory_space<hbm>> -> memref<1x128xi32, #tpu.memory_space<hbm>>
          tpu.enqueue_dma source(%dma_start3A_281 : memref<1x128xi32, #tpu.memory_space<hbm>>) target(%dma_start3A_279 : memref<1x128xi32, #tpu.memory_space<vmem>>) target_semaphore(%dma_start3A_275 : memref<!tpu.dma_semaphore, #tpu.memory_space<semaphore_mem>>)
          "tpu.trace_stop"() : () -> ()
        } else {
        }
        %and3A_163 = arith.constant true
        %and3A_164 = arith.andi %and3A, %and3A_163 : i1
        %add3A_165 = arith.constant 1 : i32
        %add3A_166 = arith.addi %scan3A_122, %add3A_165 : i32
        %select_n3A_167 = arith.select %and3A_164, %add3A_166, %scan3A_122 : i32
        %ne3A_168 = arith.cmpi ne, %add3A_131, %add3A_149 : i32
        %or3A_169 = arith.constant false
        %or3A_170 = arith.ori %or3A_169, %ne3A_168 : i1
        %or3A_171 = arith.constant false
        %or3A_172 = arith.ori %or3A_170, %or3A_171 : i1
        %ge3A_173 = arith.constant 1 : i32
        %ge3A_174 = arith.cmpi sge, %scan3A_121, %ge3A_173 : i32
        %not3A_175 = arith.constant true
        %not3A_176 = arith.xori %ge3A_174, %not3A_175 : i1
        %and3A_177 = arith.andi %or3A_172, %not3A_176 : i1
        %ne3A_178 = arith.cmpi ne, %add3A_131, %add3A_140 : i32
        %or3A_179 = arith.constant false
        %or3A_180 = arith.ori %or3A_179, %ne3A_178 : i1
        %or3A_181 = arith.ori %or3A_180, %eq3A_128 : i1
        %convert_element_type3A_182 = arith.extui %or3A_181 : i1 to i32
        %cond3A_183 = arith.constant 0 : i32
        %cond3A_184 = arith.cmpi ne, %convert_element_type3A_182, %cond3A_183 : i32
        scf.if %cond3A_184 {
          "tpu.trace_start"() <{level = 10 : i32, message = "ep_wait_in"}> : () -> ()
          %mul3A_264 = arith.constant 128 : i32
          %mul3A_265 = arith.muli %mul3A_264, %add3A_131 : i32
          %rem3A_266 = arith.constant 2 : i32
          %rem3A_267 = arith.remui %scan3A_123, %rem3A_266 : i32
          %dma_wait3A_268 = arith.constant 0 : i32
          %dma_wait3A_269 = arith.constant 0 : i32
          %dma_wait3A_270 = tpu.memref_slice %run_scoped3A[%rem3A_267, %dma_wait3A_268, %dma_wait3A_269] : memref<2x1x128xi32, #tpu.memory_space<vmem>> -> memref<1x1x128xi32, #tpu.memory_space<vmem>>
          %dma_wait3A_271 = tpu.memref_squeeze %dma_wait3A_270 : memref<1x1x128xi32, #tpu.memory_space<vmem>> -> memref<1x128xi32, #tpu.memory_space<vmem>>
          %dma_wait3A_272 = arith.constant 0 : i32
          %dma_wait3A_273 = tpu.memref_slice %arg3[%dma_wait3A_272, %mul3A_265] : memref<1x8192xi32, #tpu.memory_space<hbm>> -> memref<1x128xi32, #tpu.memory_space<hbm>>
          %dma_wait3A_274 = tpu.memref_slice %run_scoped3A_7[%rem3A_267] : memref<2x!tpu.dma_semaphore, #tpu.memory_space<semaphore_mem>> -> memref<1x!tpu.dma_semaphore, #tpu.memory_space<semaphore_mem>>
          %dma_wait3A_275 = tpu.memref_squeeze %dma_wait3A_274 : memref<1x!tpu.dma_semaphore, #tpu.memory_space<semaphore_mem>> -> memref<!tpu.dma_semaphore, #tpu.memory_space<semaphore_mem>>
          %dma_wait3A_276 = arith.constant 0 : i32
          %dma_wait3A_277 = arith.constant 0 : i32
          %dma_wait3A_278 = tpu.memref_slice %run_scoped3A[%rem3A_267, %dma_wait3A_276, %dma_wait3A_277] : memref<2x1x128xi32, #tpu.memory_space<vmem>> -> memref<1x1x128xi32, #tpu.memory_space<vmem>>
          %dma_wait3A_279 = tpu.memref_squeeze %dma_wait3A_278 : memref<1x1x128xi32, #tpu.memory_space<vmem>> -> memref<1x128xi32, #tpu.memory_space<vmem>>
          %dma_wait3A_280 = arith.constant 0 : i32
          %dma_wait3A_281 = tpu.memref_slice %arg3[%dma_wait3A_280, %mul3A_265] : memref<1x8192xi32, #tpu.memory_space<hbm>> -> memref<1x128xi32, #tpu.memory_space<hbm>>
          tpu.wait_dma2 semaphore(%dma_wait3A_275 : memref<!tpu.dma_semaphore, #tpu.memory_space<semaphore_mem>>) src(%dma_wait3A_281 : memref<1x128xi32, #tpu.memory_space<hbm>>) dst(%dma_wait3A_279 : memref<1x128xi32, #tpu.memory_space<vmem>>)
          "tpu.trace_stop"() : () -> ()
        } else {
        }
        %ne3A_185 = arith.cmpi ne, %add3A_131, %add3A_140 : i32
        %or3A_186 = arith.constant false
        %or3A_187 = arith.ori %or3A_186, %ne3A_185 : i1
        %or3A_188 = arith.constant false
        %or3A_189 = arith.ori %or3A_187, %or3A_188 : i1
        %or3A_190 = arith.ori %or3A_189, %eq3A_128 : i1
        %convert_element_type3A_191 = arith.extui %or3A_190 : i1 to i32
        %cond3A_192 = arith.constant 0 : i32
        %cond3A_193 = arith.cmpi ne, %convert_element_type3A_191, %cond3A_192 : i32
        scf.if %cond3A_193 {
        } else {
        }
        %rem3A_194 = arith.constant 2 : i32
        %rem3A_195 = arith.remui %scan3A_123, %rem3A_194 : i32
        %rem3A_196 = arith.constant 2 : i32
        %rem3A_197 = arith.remui %scan3A_124, %rem3A_196 : i32
        %run_scoped3A_198 = arith.constant 0 : i32
        "tpu.trace_start"() <{level = 10 : i32, message = "ep_run_kernel"}> : () -> ()
        "tpu.region"() ({
          %run_scoped3A_264 = tpu.sem_alloc : memref<!tpu.dma_semaphore, #tpu.memory_space<semaphore_mem>>
          %dma_start3A_265 = arith.constant 0 : i32
          %dma_start3A_266 = arith.constant 0 : i32
          %dma_start3A_267 = tpu.memref_slice %run_scoped3A_8[%rem3A_197, %dma_start3A_265, %dma_start3A_266] : memref<2x128x128xf32, #tpu.memory_space<vmem>> -> memref<1x128x128xf32, #tpu.memory_space<vmem>>
          %dma_start3A_268 = tpu.memref_squeeze %dma_start3A_267 : memref<1x128x128xf32, #tpu.memory_space<vmem>> -> memref<128x128xf32, #tpu.memory_space<vmem>>
          %dma_start3A_269 = arith.constant 0 : i32
          %dma_start3A_270 = arith.constant 0 : i32
          %dma_start3A_271 = tpu.memref_slice %run_scoped3A[%rem3A_195, %dma_start3A_269, %dma_start3A_270] : memref<2x1x128xi32, #tpu.memory_space<vmem>> -> memref<1x1x128xi32, #tpu.memory_space<vmem>>
          %dma_start3A_272 = tpu.memref_squeeze %dma_start3A_271 : memref<1x1x128xi32, #tpu.memory_space<vmem>> -> memref<1x128xi32, #tpu.memory_space<vmem>>
          %dma_start3A_273 = arith.constant 0 : i32
          %dma_start3A_274 = tpu.memref_slice %dma_start3A_272[%run_scoped3A_198, %dma_start3A_273] : memref<1x128xi32, #tpu.memory_space<vmem>> -> memref<1x128xi32, #tpu.memory_space<vmem>>
          %dma_start3A_275 = tpu.memref_squeeze %dma_start3A_274 : memref<1x128xi32, #tpu.memory_space<vmem>> -> memref<128xi32, #tpu.memory_space<vmem>>
          %dma_start3A_276 = arith.constant 0 : i32
          %dma_start3A_277 = arith.constant 0 : i32
          %dma_start3A_278 = tpu.memref_slice %arg2[%dma_start3A_276, %dma_start3A_277] : memref<16384x128xf32, #tpu.memory_space<hbm>> -> memref<16384x128xf32, #tpu.memory_space<hbm>>
          tpu.enqueue_indirect_dma source(%dma_start3A_278 : memref<16384x128xf32, #tpu.memory_space<hbm>>) target(%dma_start3A_268 : memref<128x128xf32, #tpu.memory_space<vmem>>) offsets(%dma_start3A_275 : memref<128xi32, #tpu.memory_space<vmem>>) semaphore(%run_scoped3A_264 : memref<!tpu.dma_semaphore, #tpu.memory_space<semaphore_mem>>)
          %dma_wait3A_279 = arith.constant 0 : i32
          %dma_wait3A_280 = arith.constant 0 : i32
          %dma_wait3A_281 = tpu.memref_slice %run_scoped3A_8[%rem3A_197, %dma_wait3A_279, %dma_wait3A_280] : memref<2x128x128xf32, #tpu.memory_space<vmem>> -> memref<1x128x128xf32, #tpu.memory_space<vmem>>
          %dma_wait3A_282 = tpu.memref_squeeze %dma_wait3A_281 : memref<1x128x128xf32, #tpu.memory_space<vmem>> -> memref<128x128xf32, #tpu.memory_space<vmem>>
          %dma_wait3A_283 = arith.constant 0 : i32
          %dma_wait3A_284 = arith.constant 0 : i32
          %dma_wait3A_285 = tpu.memref_slice %run_scoped3A[%rem3A_195, %dma_wait3A_283, %dma_wait3A_284] : memref<2x1x128xi32, #tpu.memory_space<vmem>> -> memref<1x1x128xi32, #tpu.memory_space<vmem>>
          %dma_wait3A_286 = tpu.memref_squeeze %dma_wait3A_285 : memref<1x1x128xi32, #tpu.memory_space<vmem>> -> memref<1x128xi32, #tpu.memory_space<vmem>>
          %dma_wait3A_287 = arith.constant 0 : i32
          %dma_wait3A_288 = tpu.memref_slice %dma_wait3A_286[%run_scoped3A_198, %dma_wait3A_287] : memref<1x128xi32, #tpu.memory_space<vmem>> -> memref<1x128xi32, #tpu.memory_space<vmem>>
          %dma_wait3A_289 = tpu.memref_squeeze %dma_wait3A_288 : memref<1x128xi32, #tpu.memory_space<vmem>> -> memref<128xi32, #tpu.memory_space<vmem>>
          %dma_wait3A_290 = arith.constant 0 : i32
          %dma_wait3A_291 = arith.constant 0 : i32
          %dma_wait3A_292 = tpu.memref_slice %arg2[%dma_wait3A_290, %dma_wait3A_291] : memref<16384x128xf32, #tpu.memory_space<hbm>> -> memref<16384x128xf32, #tpu.memory_space<hbm>>
          tpu.wait_indirect_dma semaphore(%run_scoped3A_264 : memref<!tpu.dma_semaphore, #tpu.memory_space<semaphore_mem>>) src(%dma_wait3A_292 : memref<16384x128xf32, #tpu.memory_space<hbm>>) dst(%dma_wait3A_282 : memref<128x128xf32, #tpu.memory_space<vmem>>)
          tpu.yield
        }) : () -> ()
        "tpu.trace_stop"() : () -> ()
        %ne3A_199 = arith.cmpi ne, %add3A_131, %add3A_149 : i32
        %or3A_200 = arith.constant false
        %or3A_201 = arith.ori %or3A_200, %ne3A_199 : i1
        %or3A_202 = arith.ori %or3A_201, %eq3A_130 : i1
        %convert_element_type3A_203 = arith.extui %or3A_202 : i1 to i32
        %cond3A_204 = arith.constant 0 : i32
        %cond3A_205 = arith.cmpi ne, %convert_element_type3A_203, %cond3A_204 : i32
        scf.if %cond3A_205 {
        } else {
        }
        %and3A_206 = arith.constant false
        %and3A_207 = arith.andi %or3A_202, %and3A_206 : i1
        %ne3A_208 = arith.cmpi ne, %add3A_131, %add3A_149 : i32
        %or3A_209 = arith.constant false
        %or3A_210 = arith.ori %or3A_209, %ne3A_208 : i1
        %or3A_211 = arith.constant false
        %or3A_212 = arith.ori %or3A_210, %or3A_211 : i1
        %or3A_213 = arith.ori %or3A_212, %eq3A_130 : i1
        %convert_element_type3A_214 = arith.extui %or3A_213 : i1 to i32
        %cond3A_215 = arith.constant 0 : i32
        %cond3A_216 = arith.cmpi ne, %convert_element_type3A_214, %cond3A_215 : i32
        scf.if %cond3A_216 {
          "tpu.trace_start"() <{level = 10 : i32, message = "ep_copy_out"}> : () -> ()
          %rem3A_264 = arith.constant 2 : i32
          %rem3A_265 = arith.remui %scan3A_124, %rem3A_264 : i32
          %mul3A_266 = arith.constant 128 : i32
          %mul3A_267 = arith.muli %mul3A_266, %add3A_131 : i32
          %dma_start3A_268 = arith.constant 0 : i32
          %dma_start3A_269 = arith.constant 0 : i32
          %dma_start3A_270 = tpu.memref_slice %run_scoped3A_8[%rem3A_265, %dma_start3A_268, %dma_start3A_269] : memref<2x128x128xf32, #tpu.memory_space<vmem>> -> memref<1x128x128xf32, #tpu.memory_space<vmem>>
          %dma_start3A_271 = tpu.memref_squeeze %dma_start3A_270 : memref<1x128x128xf32, #tpu.memory_space<vmem>> -> memref<128x128xf32, #tpu.memory_space<vmem>>
          %dma_start3A_272 = arith.constant 0 : i32
          %dma_start3A_273 = tpu.memref_slice %arg4[%mul3A_267, %dma_start3A_272] : memref<8192x128xf32, #tpu.memory_space<hbm>> -> memref<128x128xf32, #tpu.memory_space<hbm>>
          %dma_start3A_274 = tpu.memref_slice %run_scoped3A_9[%rem3A_265] : memref<2x!tpu.dma_semaphore, #tpu.memory_space<semaphore_mem>> -> memref<1x!tpu.dma_semaphore, #tpu.memory_space<semaphore_mem>>
          %dma_start3A_275 = tpu.memref_squeeze %dma_start3A_274 : memref<1x!tpu.dma_semaphore, #tpu.memory_space<semaphore_mem>> -> memref<!tpu.dma_semaphore, #tpu.memory_space<semaphore_mem>>
          %dma_start3A_276 = arith.constant 0 : i32
          %dma_start3A_277 = tpu.memref_slice %arg4[%mul3A_267, %dma_start3A_276] : memref<8192x128xf32, #tpu.memory_space<hbm>> -> memref<128x128xf32, #tpu.memory_space<hbm>>
          %dma_start3A_278 = arith.constant 0 : i32
          %dma_start3A_279 = arith.constant 0 : i32
          %dma_start3A_280 = tpu.memref_slice %run_scoped3A_8[%rem3A_265, %dma_start3A_278, %dma_start3A_279] : memref<2x128x128xf32, #tpu.memory_space<vmem>> -> memref<1x128x128xf32, #tpu.memory_space<vmem>>
          %dma_start3A_281 = tpu.memref_squeeze %dma_start3A_280 : memref<1x128x128xf32, #tpu.memory_space<vmem>> -> memref<128x128xf32, #tpu.memory_space<vmem>>
          tpu.enqueue_dma source(%dma_start3A_281 : memref<128x128xf32, #tpu.memory_space<vmem>>) target(%dma_start3A_277 : memref<128x128xf32, #tpu.memory_space<hbm>>) target_semaphore(%dma_start3A_275 : memref<!tpu.dma_semaphore, #tpu.memory_space<semaphore_mem>>)
          "tpu.trace_stop"() : () -> ()
        } else {
        }
        %and3A_217 = arith.constant true
        %and3A_218 = arith.andi %or3A_213, %and3A_217 : i1
        %add3A_219 = arith.constant 1 : i32
        %add3A_220 = arith.addi %scan3A_124, %add3A_219 : i32
        %select_n3A_221 = arith.select %and3A_218, %add3A_220, %scan3A_124 : i32
        %ne3A_222 = arith.cmpi ne, %add3A_131, %add3A_140 : i32
        %or3A_223 = arith.constant false
        %or3A_224 = arith.ori %or3A_223, %ne3A_222 : i1
        %not3A_225 = arith.constant true
        %not3A_226 = arith.xori %eq3A_128, %not3A_225 : i1
        %and3A_227 = arith.andi %or3A_224, %not3A_226 : i1
        %convert_element_type3A_228 = arith.extui %and3A_227 : i1 to i32
        %cond3A_229 = arith.constant 0 : i32
        %cond3A_230 = arith.cmpi ne, %convert_element_type3A_228, %cond3A_229 : i32
        scf.if %cond3A_230 {
        } else {
        }
        %and3A_231 = arith.constant false
        %and3A_232 = arith.andi %and3A_227, %and3A_231 : i1
        %ne3A_233 = arith.cmpi ne, %add3A_131, %add3A_140 : i32
        %or3A_234 = arith.constant false
        %or3A_235 = arith.ori %or3A_234, %ne3A_233 : i1
        %or3A_236 = arith.constant false
        %or3A_237 = arith.ori %or3A_235, %or3A_236 : i1
        %not3A_238 = arith.constant true
        %not3A_239 = arith.xori %eq3A_128, %not3A_238 : i1
        %and3A_240 = arith.andi %or3A_237, %not3A_239 : i1
        %convert_element_type3A_241 = arith.extui %and3A_240 : i1 to i32
        %cond3A_242 = arith.constant 0 : i32
        %cond3A_243 = arith.cmpi ne, %convert_element_type3A_241, %cond3A_242 : i32
        scf.if %cond3A_243 {
          "tpu.trace_start"() <{level = 10 : i32, message = "ep_wait_out"}> : () -> ()
          %rem3A_264 = arith.constant 2 : i32
          %rem3A_265 = arith.remui %scan3A_125, %rem3A_264 : i32
          %mul3A_266 = arith.constant 128 : i32
          %mul3A_267 = arith.muli %mul3A_266, %add3A_140 : i32
          %dma_wait3A_268 = arith.constant 0 : i32
          %dma_wait3A_269 = arith.constant 0 : i32
          %dma_wait3A_270 = tpu.memref_slice %run_scoped3A_8[%rem3A_265, %dma_wait3A_268, %dma_wait3A_269] : memref<2x128x128xf32, #tpu.memory_space<vmem>> -> memref<1x128x128xf32, #tpu.memory_space<vmem>>
          %dma_wait3A_271 = tpu.memref_squeeze %dma_wait3A_270 : memref<1x128x128xf32, #tpu.memory_space<vmem>> -> memref<128x128xf32, #tpu.memory_space<vmem>>
          %dma_wait3A_272 = arith.constant 0 : i32
          %dma_wait3A_273 = tpu.memref_slice %arg4[%mul3A_267, %dma_wait3A_272] : memref<8192x128xf32, #tpu.memory_space<hbm>> -> memref<128x128xf32, #tpu.memory_space<hbm>>
          %dma_wait3A_274 = tpu.memref_slice %run_scoped3A_9[%rem3A_265] : memref<2x!tpu.dma_semaphore, #tpu.memory_space<semaphore_mem>> -> memref<1x!tpu.dma_semaphore, #tpu.memory_space<semaphore_mem>>
          %dma_wait3A_275 = tpu.memref_squeeze %dma_wait3A_274 : memref<1x!tpu.dma_semaphore, #tpu.memory_space<semaphore_mem>> -> memref<!tpu.dma_semaphore, #tpu.memory_space<semaphore_mem>>
          %dma_wait3A_276 = arith.constant 0 : i32
          %dma_wait3A_277 = tpu.memref_slice %arg4[%mul3A_267, %dma_wait3A_276] : memref<8192x128xf32, #tpu.memory_space<hbm>> -> memref<128x128xf32, #tpu.memory_space<hbm>>
          %dma_wait3A_278 = arith.constant 0 : i32
          %dma_wait3A_279 = arith.constant 0 : i32
          %dma_wait3A_280 = tpu.memref_slice %run_scoped3A_8[%rem3A_265, %dma_wait3A_278, %dma_wait3A_279] : memref<2x128x128xf32, #tpu.memory_space<vmem>> -> memref<1x128x128xf32, #tpu.memory_space<vmem>>
          %dma_wait3A_281 = tpu.memref_squeeze %dma_wait3A_280 : memref<1x128x128xf32, #tpu.memory_space<vmem>> -> memref<128x128xf32, #tpu.memory_space<vmem>>
          tpu.wait_dma2 semaphore(%dma_wait3A_275 : memref<!tpu.dma_semaphore, #tpu.memory_space<semaphore_mem>>) src(%dma_wait3A_281 : memref<128x128xf32, #tpu.memory_space<vmem>>) dst(%dma_wait3A_277 : memref<128x128xf32, #tpu.memory_space<hbm>>)
          "tpu.trace_stop"() : () -> ()
        } else {
        }
        %and3A_244 = arith.constant true
        %and3A_245 = arith.andi %and3A_240, %and3A_244 : i1
        %add3A_246 = arith.constant 1 : i32
        %add3A_247 = arith.addi %scan3A_125, %add3A_246 : i32
        %select_n3A_248 = arith.select %and3A_245, %add3A_247, %scan3A_125 : i32
        %ne3A_249 = arith.cmpi ne, %add3A_131, %add3A_149 : i32
        %or3A_250 = arith.constant false
        %or3A_251 = arith.ori %or3A_250, %ne3A_249 : i1
        %or3A_252 = arith.ori %or3A_251, %eq3A_130 : i1
        %add3A_253 = arith.constant 1 : i32
        %add3A_254 = arith.addi %scan3A_123, %add3A_253 : i32
        %select_n3A_255 = arith.select %or3A_252, %add3A_254, %scan3A_123 : i32
        %add3A_256 = arith.constant 1 : i32
        %add3A_257 = arith.addi %scan3A_126, %add3A_256 : i32
        %select_n3A_258 = arith.constant true
        %select_n3A_259 = arith.select %select_n3A_258, %add3A_257, %scan3A_126 : i32
        %eq3A_260 = arith.constant 2 : i32
        %eq3A_261 = arith.cmpi eq, %select_n3A_259, %eq3A_260 : i32
        %select_n3A_262 = arith.constant 0 : i32
        %select_n3A_263 = arith.select %eq3A_261, %select_n3A_262, %select_n3A_259 : i32
        scf.yield %select_n3A_167, %select_n3A_255, %select_n3A_221, %select_n3A_248, %select_n3A_263 : i32, i32, i32, i32, i32
      }
      %scan3A_68 = arith.constant 2 : i32
      %sub3A = arith.constant 1 : i32
      %sub3A_69 = arith.subi %scan3A_67#4, %sub3A : i32
      %select_n3A_70 = arith.constant true
      %select_n3A_71 = arith.select %select_n3A_70, %sub3A_69, %scan3A_67#4 : i32
      %eq3A_72 = arith.constant -1 : i32
      %eq3A_73 = arith.cmpi eq, %select_n3A_71, %eq3A_72 : i32
      %select_n3A_74 = arith.constant 1 : i32
      %select_n3A_75 = arith.select %eq3A_73, %select_n3A_74, %select_n3A_71 : i32
      %add3A_76 = arith.addi %select_n3A_75, %mul3A_6 : i32
      %sub3A_77 = arith.constant 1 : i32
      %sub3A_78 = arith.subi %select_n3A_75, %sub3A_77 : i32
      %select_n3A_79 = arith.constant true
      %select_n3A_80 = arith.select %select_n3A_79, %sub3A_78, %select_n3A_75 : i32
      %eq3A_81 = arith.constant -1 : i32
      %eq3A_82 = arith.cmpi eq, %select_n3A_80, %eq3A_81 : i32
      %select_n3A_83 = arith.constant 1 : i32
      %select_n3A_84 = arith.select %eq3A_82, %select_n3A_83, %select_n3A_80 : i32
      %add3A_85 = arith.addi %select_n3A_84, %mul3A_6 : i32
      %add3A_86 = arith.constant 1 : i32
      %add3A_87 = arith.addi %select_n3A_75, %add3A_86 : i32
      %select_n3A_88 = arith.constant true
      %select_n3A_89 = arith.select %select_n3A_88, %add3A_87, %select_n3A_75 : i32
      %eq3A_90 = arith.constant 2 : i32
      %eq3A_91 = arith.cmpi eq, %select_n3A_89, %eq3A_90 : i32
      %select_n3A_92 = arith.constant 0 : i32
      %select_n3A_93 = arith.select %eq3A_91, %select_n3A_92, %select_n3A_89 : i32
      %add3A_94 = arith.addi %select_n3A_93, %mul3A_6 : i32
      %add3A_95 = arith.constant 1 : i32
      %add3A_96 = arith.addi %select_n3A_93, %add3A_95 : i32
      %select_n3A_97 = arith.constant true
      %select_n3A_98 = arith.select %select_n3A_97, %add3A_96, %select_n3A_93 : i32
      %eq3A_99 = arith.constant 2 : i32
      %eq3A_100 = arith.cmpi eq, %select_n3A_98, %eq3A_99 : i32
      %select_n3A_101 = arith.constant 0 : i32
      %select_n3A_102 = arith.select %eq3A_100, %select_n3A_101, %select_n3A_98 : i32
      %add3A_103 = arith.addi %select_n3A_102, %mul3A_6 : i32
      "tpu.trace_start"() <{level = 10 : i32, message = "ep_finalize"}> : () -> ()
      %rem3A_104 = arith.constant 2 : i32
      %rem3A_105 = arith.remui %scan3A_67#3, %rem3A_104 : i32
      %mul3A_106 = arith.constant 128 : i32
      %mul3A_107 = arith.muli %mul3A_106, %add3A_76 : i32
      %dma_wait3A = arith.constant 0 : i32
      %dma_wait3A_108 = arith.constant 0 : i32
      %dma_wait3A_109 = tpu.memref_slice %run_scoped3A_8[%rem3A_105, %dma_wait3A, %dma_wait3A_108] : memref<2x128x128xf32, #tpu.memory_space<vmem>> -> memref<1x128x128xf32, #tpu.memory_space<vmem>>
      %dma_wait3A_110 = tpu.memref_squeeze %dma_wait3A_109 : memref<1x128x128xf32, #tpu.memory_space<vmem>> -> memref<128x128xf32, #tpu.memory_space<vmem>>
      %dma_wait3A_111 = arith.constant 0 : i32
      %dma_wait3A_112 = tpu.memref_slice %arg4[%mul3A_107, %dma_wait3A_111] : memref<8192x128xf32, #tpu.memory_space<hbm>> -> memref<128x128xf32, #tpu.memory_space<hbm>>
      %dma_wait3A_113 = tpu.memref_slice %run_scoped3A_9[%rem3A_105] : memref<2x!tpu.dma_semaphore, #tpu.memory_space<semaphore_mem>> -> memref<1x!tpu.dma_semaphore, #tpu.memory_space<semaphore_mem>>
      %dma_wait3A_114 = tpu.memref_squeeze %dma_wait3A_113 : memref<1x!tpu.dma_semaphore, #tpu.memory_space<semaphore_mem>> -> memref<!tpu.dma_semaphore, #tpu.memory_space<semaphore_mem>>
      %dma_wait3A_115 = arith.constant 0 : i32
      %dma_wait3A_116 = tpu.memref_slice %arg4[%mul3A_107, %dma_wait3A_115] : memref<8192x128xf32, #tpu.memory_space<hbm>> -> memref<128x128xf32, #tpu.memory_space<hbm>>
      %dma_wait3A_117 = arith.constant 0 : i32
      %dma_wait3A_118 = arith.constant 0 : i32
      %dma_wait3A_119 = tpu.memref_slice %run_scoped3A_8[%rem3A_105, %dma_wait3A_117, %dma_wait3A_118] : memref<2x128x128xf32, #tpu.memory_space<vmem>> -> memref<1x128x128xf32, #tpu.memory_space<vmem>>
      %dma_wait3A_120 = tpu.memref_squeeze %dma_wait3A_119 : memref<1x128x128xf32, #tpu.memory_space<vmem>> -> memref<128x128xf32, #tpu.memory_space<vmem>>
      tpu.wait_dma2 semaphore(%dma_wait3A_114 : memref<!tpu.dma_semaphore, #tpu.memory_space<semaphore_mem>>) src(%dma_wait3A_120 : memref<128x128xf32, #tpu.memory_space<vmem>>) dst(%dma_wait3A_116 : memref<128x128xf32, #tpu.memory_space<hbm>>)
      "tpu.trace_stop"() : () -> ()
      tpu.yield
    }) : () -> ()
    return
  }
}

#map = affine_map<(d0, d1) -> (0, 0)>
module attributes {stable_mosaic.version = 14 : i64} {
  func.func @gather_kernel(%arg0: i32, %arg1: i32, %arg2: memref<65536x256xf32, #tpu.memory_space<hbm>>, %arg3: memref<1x16384xi32, #tpu.memory_space<hbm>>, %arg4: memref<16384x256xf32, #tpu.memory_space<hbm>>) attributes {dimension_semantics = [#tpu.dimension_semantics<core_parallel>, #tpu.dimension_semantics<subcore_parallel>], iteration_bounds = array<i64: 2, 16>, scalar_prefetch = 0 : i64, scratch_operands = 0 : i64, tpu.core_type = #tpu.core_type<sc_vector_subcore>, window_params = [{transform_indices = #map}, {transform_indices = #map}, {transform_indices = #map}]} {
    %mul3A = arith.constant 1 : i32
    %mul3A_0 = arith.muli %arg1, %mul3A : i32
    %add3A = arith.constant 0 : i32
    %add3A_1 = arith.addi %add3A, %mul3A_0 : i32
    %mul3A_2 = arith.constant 16 : i32
    %mul3A_3 = arith.muli %arg0, %mul3A_2 : i32
    %add3A_4 = arith.addi %add3A_1, %mul3A_3 : i32
    %mul3A_5 = arith.constant 4 : i32
    %mul3A_6 = arith.muli %add3A_4, %mul3A_5 : i32
    "tpu.region"() ({
      %run_scoped3A = memref.alloca() : memref<2x1x128xi32, #tpu.memory_space<vmem>>
      %run_scoped3A_7 = tpu.sem_alloc : memref<2x!tpu.dma_semaphore, #tpu.memory_space<semaphore_mem>>
      %run_scoped3A_8 = memref.alloca() : memref<2x128x256xf32, #tpu.memory_space<vmem>>
      %run_scoped3A_9 = tpu.sem_alloc : memref<2x!tpu.dma_semaphore, #tpu.memory_space<semaphore_mem>>
      %add3A_10 = arith.constant 0 : i32
      %add3A_11 = arith.addi %add3A_10, %mul3A_6 : i32
      %select_n3A = arith.constant true
      %select_n3A_12 = arith.constant 0 : i32
      %select_n3A_13 = arith.constant -1 : i32
      %select_n3A_14 = arith.select %select_n3A, %select_n3A_13, %select_n3A_12 : i32
      %eq3A = arith.constant -1 : i32
      %eq3A_15 = arith.cmpi eq, %select_n3A_14, %eq3A : i32
      %select_n3A_16 = arith.constant 3 : i32
      %select_n3A_17 = arith.select %eq3A_15, %select_n3A_16, %select_n3A_14 : i32
      %add3A_18 = arith.addi %select_n3A_17, %mul3A_6 : i32
      %select_n3A_19 = arith.constant true
      %select_n3A_20 = arith.constant 0 : i32
      %select_n3A_21 = arith.constant 1 : i32
      %select_n3A_22 = arith.select %select_n3A_19, %select_n3A_21, %select_n3A_20 : i32
      %eq3A_23 = arith.constant 4 : i32
      %eq3A_24 = arith.cmpi eq, %select_n3A_22, %eq3A_23 : i32
      %select_n3A_25 = arith.constant 0 : i32
      %select_n3A_26 = arith.select %eq3A_24, %select_n3A_25, %select_n3A_22 : i32
      %add3A_27 = arith.addi %select_n3A_26, %mul3A_6 : i32
      %add3A_28 = arith.constant 1 : i32
      %add3A_29 = arith.addi %select_n3A_26, %add3A_28 : i32
      %select_n3A_30 = arith.constant true
      %select_n3A_31 = arith.select %select_n3A_30, %add3A_29, %select_n3A_26 : i32
      %eq3A_32 = arith.constant 4 : i32
      %eq3A_33 = arith.cmpi eq, %select_n3A_31, %eq3A_32 : i32
      %select_n3A_34 = arith.constant 0 : i32
      %select_n3A_35 = arith.select %eq3A_33, %select_n3A_34, %select_n3A_31 : i32
      %add3A_36 = arith.addi %select_n3A_35, %mul3A_6 : i32
      "tpu.trace_start"() <{level = 10 : i32, message = "ep_initialize_0"}> : () -> ()
      %rem3A = arith.constant 0 : i32
      %rem3A_37 = arith.constant 2 : i32
      %rem3A_38 = arith.remui %rem3A, %rem3A_37 : i32
      %mul3A_39 = arith.constant 128 : i32
      %mul3A_40 = arith.muli %mul3A_39, %add3A_11 : i32
      %dma_start3A = arith.constant 0 : i32
      %dma_start3A_41 = arith.constant 0 : i32
      %dma_start3A_42 = tpu.memref_slice %run_scoped3A[%rem3A_38, %dma_start3A, %dma_start3A_41] : memref<2x1x128xi32, #tpu.memory_space<vmem>> -> memref<1x1x128xi32, #tpu.memory_space<vmem>>
      %dma_start3A_43 = tpu.memref_squeeze %dma_start3A_42 : memref<1x1x128xi32, #tpu.memory_space<vmem>> -> memref<1x128xi32, #tpu.memory_space<vmem>>
      %dma_start3A_44 = arith.constant 0 : i32
      %dma_start3A_45 = tpu.memref_slice %arg3[%dma_start3A_44, %mul3A_40] : memref<1x16384xi32, #tpu.memory_space<hbm>> -> memref<1x128xi32, #tpu.memory_space<hbm>>
      %dma_start3A_46 = tpu.memref_slice %run_scoped3A_7[%rem3A_38] : memref<2x!tpu.dma_semaphore, #tpu.memory_space<semaphore_mem>> -> memref<1x!tpu.dma_semaphore, #tpu.memory_space<semaphore_mem>>
      %dma_start3A_47 = tpu.memref_squeeze %dma_start3A_46 : memref<1x!tpu.dma_semaphore, #tpu.memory_space<semaphore_mem>> -> memref<!tpu.dma_semaphore, #tpu.memory_space<semaphore_mem>>
      %dma_start3A_48 = arith.constant 0 : i32
      %dma_start3A_49 = arith.constant 0 : i32
      %dma_start3A_50 = tpu.memref_slice %run_scoped3A[%rem3A_38, %dma_start3A_48, %dma_start3A_49] : memref<2x1x128xi32, #tpu.memory_space<vmem>> -> memref<1x1x128xi32, #tpu.memory_space<vmem>>
      %dma_start3A_51 = tpu.memref_squeeze %dma_start3A_50 : memref<1x1x128xi32, #tpu.memory_space<vmem>> -> memref<1x128xi32, #tpu.memory_space<vmem>>
      %dma_start3A_52 = arith.constant 0 : i32
      %dma_start3A_53 = tpu.memref_slice %arg3[%dma_start3A_52, %mul3A_40] : memref<1x16384xi32, #tpu.memory_space<hbm>> -> memref<1x128xi32, #tpu.memory_space<hbm>>
      tpu.enqueue_dma source(%dma_start3A_53 : memref<1x128xi32, #tpu.memory_space<hbm>>) target(%dma_start3A_51 : memref<1x128xi32, #tpu.memory_space<vmem>>) target_semaphore(%dma_start3A_47 : memref<!tpu.dma_semaphore, #tpu.memory_space<semaphore_mem>>)
      %add3A_54 = arith.constant 0 : i32
      %add3A_55 = arith.constant 1 : i32
      %add3A_56 = arith.addi %add3A_54, %add3A_55 : i32
      %select_n3A_57 = arith.constant true
      %select_n3A_58 = arith.constant 0 : i32
      %select_n3A_59 = arith.select %select_n3A_57, %add3A_56, %select_n3A_58 : i32
      "tpu.trace_stop"() : () -> ()
      %scan3A = arith.constant 0 : i32
      %scan3A_60 = arith.constant 0 : i32
      %scan3A_61 = arith.constant 0 : i32
      %scan3A_62 = arith.constant 0 : i32
      %scan3A_63 = arith.constant 0 : i32
      %scan3A_64 = arith.constant 4 : i32
      %scan3A_65 = arith.addi %scan3A_63, %scan3A_64 : i32
      %scan3A_66 = arith.constant 1 : i32
      %scan3A_67:5 = scf.for %scan3A_121 = %scan3A_63 to %scan3A_65 step %scan3A_66 iter_args(%scan3A_122 = %select_n3A_59, %scan3A_123 = %scan3A, %scan3A_124 = %scan3A_60, %scan3A_125 = %scan3A_61, %scan3A_126 = %scan3A_62) -> (i32, i32, i32, i32, i32)  : i32 {
        %eq3A_127 = arith.constant 0 : i32
        %eq3A_128 = arith.cmpi eq, %scan3A_121, %eq3A_127 : i32
        %eq3A_129 = arith.constant 3 : i32
        %eq3A_130 = arith.cmpi eq, %scan3A_121, %eq3A_129 : i32
        %add3A_131 = arith.addi %scan3A_126, %mul3A_6 : i32
        %sub3A_132 = arith.constant 1 : i32
        %sub3A_133 = arith.subi %scan3A_126, %sub3A_132 : i32
        %select_n3A_134 = arith.constant true
        %select_n3A_135 = arith.select %select_n3A_134, %sub3A_133, %scan3A_126 : i32
        %eq3A_136 = arith.constant -1 : i32
        %eq3A_137 = arith.cmpi eq, %select_n3A_135, %eq3A_136 : i32
        %select_n3A_138 = arith.constant 3 : i32
        %select_n3A_139 = arith.select %eq3A_137, %select_n3A_138, %select_n3A_135 : i32
        %add3A_140 = arith.addi %select_n3A_139, %mul3A_6 : i32
        %add3A_141 = arith.constant 1 : i32
        %add3A_142 = arith.addi %scan3A_126, %add3A_141 : i32
        %select_n3A_143 = arith.constant true
        %select_n3A_144 = arith.select %select_n3A_143, %add3A_142, %scan3A_126 : i32
        %eq3A_145 = arith.constant 4 : i32
        %eq3A_146 = arith.cmpi eq, %select_n3A_144, %eq3A_145 : i32
        %select_n3A_147 = arith.constant 0 : i32
        %select_n3A_148 = arith.select %eq3A_146, %select_n3A_147, %select_n3A_144 : i32
        %add3A_149 = arith.addi %select_n3A_148, %mul3A_6 : i32
        %add3A_150 = arith.constant 1 : i32
        %add3A_151 = arith.addi %select_n3A_148, %add3A_150 : i32
        %select_n3A_152 = arith.constant true
        %select_n3A_153 = arith.select %select_n3A_152, %add3A_151, %select_n3A_148 : i32
        %eq3A_154 = arith.constant 4 : i32
        %eq3A_155 = arith.cmpi eq, %select_n3A_153, %eq3A_154 : i32
        %select_n3A_156 = arith.constant 0 : i32
        %select_n3A_157 = arith.select %eq3A_155, %select_n3A_156, %select_n3A_153 : i32
        %add3A_158 = arith.addi %select_n3A_157, %mul3A_6 : i32
        %ne3A = arith.cmpi ne, %add3A_131, %add3A_149 : i32
        %or3A = arith.constant false
        %or3A_159 = arith.ori %or3A, %ne3A : i1
        %ge3A = arith.constant 3 : i32
        %ge3A_160 = arith.cmpi sge, %scan3A_121, %ge3A : i32
        %not3A = arith.constant true
        %not3A_161 = arith.xori %ge3A_160, %not3A : i1
        %and3A = arith.andi %or3A_159, %not3A_161 : i1
        %convert_element_type3A = arith.extui %and3A : i1 to i32
        %cond3A = arith.constant 0 : i32
        %cond3A_162 = arith.cmpi ne, %convert_element_type3A, %cond3A : i32
        scf.if %cond3A_162 {
          "tpu.trace_start"() <{level = 10 : i32, message = "ep_copy_in"}> : () -> ()
          %rem3A_264 = arith.constant 2 : i32
          %rem3A_265 = arith.remui %scan3A_122, %rem3A_264 : i32
          %mul3A_266 = arith.constant 128 : i32
          %mul3A_267 = arith.muli %mul3A_266, %add3A_149 : i32
          %dma_start3A_268 = arith.constant 0 : i32
          %dma_start3A_269 = arith.constant 0 : i32
          %dma_start3A_270 = tpu.memref_slice %run_scoped3A[%rem3A_265, %dma_start3A_268, %dma_start3A_269] : memref<2x1x128xi32, #tpu.memory_space<vmem>> -> memref<1x1x128xi32, #tpu.memory_space<vmem>>
          %dma_start3A_271 = tpu.memref_squeeze %dma_start3A_270 : memref<1x1x128xi32, #tpu.memory_space<vmem>> -> memref<1x128xi32, #tpu.memory_space<vmem>>
          %dma_start3A_272 = arith.constant 0 : i32
          %dma_start3A_273 = tpu.memref_slice %arg3[%dma_start3A_272, %mul3A_267] : memref<1x16384xi32, #tpu.memory_space<hbm>> -> memref<1x128xi32, #tpu.memory_space<hbm>>
          %dma_start3A_274 = tpu.memref_slice %run_scoped3A_7[%rem3A_265] : memref<2x!tpu.dma_semaphore, #tpu.memory_space<semaphore_mem>> -> memref<1x!tpu.dma_semaphore, #tpu.memory_space<semaphore_mem>>
          %dma_start3A_275 = tpu.memref_squeeze %dma_start3A_274 : memref<1x!tpu.dma_semaphore, #tpu.memory_space<semaphore_mem>> -> memref<!tpu.dma_semaphore, #tpu.memory_space<semaphore_mem>>
          %dma_start3A_276 = arith.constant 0 : i32
          %dma_start3A_277 = arith.constant 0 : i32
          %dma_start3A_278 = tpu.memref_slice %run_scoped3A[%rem3A_265, %dma_start3A_276, %dma_start3A_277] : memref<2x1x128xi32, #tpu.memory_space<vmem>> -> memref<1x1x128xi32, #tpu.memory_space<vmem>>
          %dma_start3A_279 = tpu.memref_squeeze %dma_start3A_278 : memref<1x1x128xi32, #tpu.memory_space<vmem>> -> memref<1x128xi32, #tpu.memory_space<vmem>>
          %dma_start3A_280 = arith.constant 0 : i32
          %dma_start3A_281 = tpu.memref_slice %arg3[%dma_start3A_280, %mul3A_267] : memref<1x16384xi32, #tpu.memory_space<hbm>> -> memref<1x128xi32, #tpu.memory_space<hbm>>
          tpu.enqueue_dma source(%dma_start3A_281 : memref<1x128xi32, #tpu.memory_space<hbm>>) target(%dma_start3A_279 : memref<1x128xi32, #tpu.memory_space<vmem>>) target_semaphore(%dma_start3A_275 : memref<!tpu.dma_semaphore, #tpu.memory_space<semaphore_mem>>)
          "tpu.trace_stop"() : () -> ()
        } else {
        }
        %and3A_163 = arith.constant true
        %and3A_164 = arith.andi %and3A, %and3A_163 : i1
        %add3A_165 = arith.constant 1 : i32
        %add3A_166 = arith.addi %scan3A_122, %add3A_165 : i32
        %select_n3A_167 = arith.select %and3A_164, %add3A_166, %scan3A_122 : i32
        %ne3A_168 = arith.cmpi ne, %add3A_131, %add3A_149 : i32
        %or3A_169 = arith.constant false
        %or3A_170 = arith.ori %or3A_169, %ne3A_168 : i1
        %or3A_171 = arith.constant false
        %or3A_172 = arith.ori %or3A_170, %or3A_171 : i1
        %ge3A_173 = arith.constant 3 : i32
        %ge3A_174 = arith.cmpi sge, %scan3A_121, %ge3A_173 : i32
        %not3A_175 = arith.constant true
        %not3A_176 = arith.xori %ge3A_174, %not3A_175 : i1
        %and3A_177 = arith.andi %or3A_172, %not3A_176 : i1
        %ne3A_178 = arith.cmpi ne, %add3A_131, %add3A_140 : i32
        %or3A_179 = arith.constant false
        %or3A_180 = arith.ori %or3A_179, %ne3A_178 : i1
        %or3A_181 = arith.ori %or3A_180, %eq3A_128 : i1
        %convert_element_type3A_182 = arith.extui %or3A_181 : i1 to i32
        %cond3A_183 = arith.constant 0 : i32
        %cond3A_184 = arith.cmpi ne, %convert_element_type3A_182, %cond3A_183 : i32
        scf.if %cond3A_184 {
          "tpu.trace_start"() <{level = 10 : i32, message = "ep_wait_in"}> : () -> ()
          %mul3A_264 = arith.constant 128 : i32
          %mul3A_265 = arith.muli %mul3A_264, %add3A_131 : i32
          %rem3A_266 = arith.constant 2 : i32
          %rem3A_267 = arith.remui %scan3A_123, %rem3A_266 : i32
          %dma_wait3A_268 = arith.constant 0 : i32
          %dma_wait3A_269 = arith.constant 0 : i32
          %dma_wait3A_270 = tpu.memref_slice %run_scoped3A[%rem3A_267, %dma_wait3A_268, %dma_wait3A_269] : memref<2x1x128xi32, #tpu.memory_space<vmem>> -> memref<1x1x128xi32, #tpu.memory_space<vmem>>
          %dma_wait3A_271 = tpu.memref_squeeze %dma_wait3A_270 : memref<1x1x128xi32, #tpu.memory_space<vmem>> -> memref<1x128xi32, #tpu.memory_space<vmem>>
          %dma_wait3A_272 = arith.constant 0 : i32
          %dma_wait3A_273 = tpu.memref_slice %arg3[%dma_wait3A_272, %mul3A_265] : memref<1x16384xi32, #tpu.memory_space<hbm>> -> memref<1x128xi32, #tpu.memory_space<hbm>>
          %dma_wait3A_274 = tpu.memref_slice %run_scoped3A_7[%rem3A_267] : memref<2x!tpu.dma_semaphore, #tpu.memory_space<semaphore_mem>> -> memref<1x!tpu.dma_semaphore, #tpu.memory_space<semaphore_mem>>
          %dma_wait3A_275 = tpu.memref_squeeze %dma_wait3A_274 : memref<1x!tpu.dma_semaphore, #tpu.memory_space<semaphore_mem>> -> memref<!tpu.dma_semaphore, #tpu.memory_space<semaphore_mem>>
          %dma_wait3A_276 = arith.constant 0 : i32
          %dma_wait3A_277 = arith.constant 0 : i32
          %dma_wait3A_278 = tpu.memref_slice %run_scoped3A[%rem3A_267, %dma_wait3A_276, %dma_wait3A_277] : memref<2x1x128xi32, #tpu.memory_space<vmem>> -> memref<1x1x128xi32, #tpu.memory_space<vmem>>
          %dma_wait3A_279 = tpu.memref_squeeze %dma_wait3A_278 : memref<1x1x128xi32, #tpu.memory_space<vmem>> -> memref<1x128xi32, #tpu.memory_space<vmem>>
          %dma_wait3A_280 = arith.constant 0 : i32
          %dma_wait3A_281 = tpu.memref_slice %arg3[%dma_wait3A_280, %mul3A_265] : memref<1x16384xi32, #tpu.memory_space<hbm>> -> memref<1x128xi32, #tpu.memory_space<hbm>>
          tpu.wait_dma2 semaphore(%dma_wait3A_275 : memref<!tpu.dma_semaphore, #tpu.memory_space<semaphore_mem>>) src(%dma_wait3A_281 : memref<1x128xi32, #tpu.memory_space<hbm>>) dst(%dma_wait3A_279 : memref<1x128xi32, #tpu.memory_space<vmem>>)
          "tpu.trace_stop"() : () -> ()
        } else {
        }
        %ne3A_185 = arith.cmpi ne, %add3A_131, %add3A_140 : i32
        %or3A_186 = arith.constant false
        %or3A_187 = arith.ori %or3A_186, %ne3A_185 : i1
        %or3A_188 = arith.constant false
        %or3A_189 = arith.ori %or3A_187, %or3A_188 : i1
        %or3A_190 = arith.ori %or3A_189, %eq3A_128 : i1
        %convert_element_type3A_191 = arith.extui %or3A_190 : i1 to i32
        %cond3A_192 = arith.constant 0 : i32
        %cond3A_193 = arith.cmpi ne, %convert_element_type3A_191, %cond3A_192 : i32
        scf.if %cond3A_193 {
        } else {
        }
        %rem3A_194 = arith.constant 2 : i32
        %rem3A_195 = arith.remui %scan3A_123, %rem3A_194 : i32
        %rem3A_196 = arith.constant 2 : i32
        %rem3A_197 = arith.remui %scan3A_124, %rem3A_196 : i32
        %run_scoped3A_198 = arith.constant 0 : i32
        "tpu.trace_start"() <{level = 10 : i32, message = "ep_run_kernel"}> : () -> ()
        "tpu.region"() ({
          %run_scoped3A_264 = tpu.sem_alloc : memref<!tpu.dma_semaphore, #tpu.memory_space<semaphore_mem>>
          %dma_start3A_265 = arith.constant 0 : i32
          %dma_start3A_266 = arith.constant 0 : i32
          %dma_start3A_267 = tpu.memref_slice %run_scoped3A_8[%rem3A_197, %dma_start3A_265, %dma_start3A_266] : memref<2x128x256xf32, #tpu.memory_space<vmem>> -> memref<1x128x256xf32, #tpu.memory_space<vmem>>
          %dma_start3A_268 = tpu.memref_squeeze %dma_start3A_267 : memref<1x128x256xf32, #tpu.memory_space<vmem>> -> memref<128x256xf32, #tpu.memory_space<vmem>>
          %dma_start3A_269 = arith.constant 0 : i32
          %dma_start3A_270 = arith.constant 0 : i32
          %dma_start3A_271 = tpu.memref_slice %run_scoped3A[%rem3A_195, %dma_start3A_269, %dma_start3A_270] : memref<2x1x128xi32, #tpu.memory_space<vmem>> -> memref<1x1x128xi32, #tpu.memory_space<vmem>>
          %dma_start3A_272 = tpu.memref_squeeze %dma_start3A_271 : memref<1x1x128xi32, #tpu.memory_space<vmem>> -> memref<1x128xi32, #tpu.memory_space<vmem>>
          %dma_start3A_273 = arith.constant 0 : i32
          %dma_start3A_274 = tpu.memref_slice %dma_start3A_272[%run_scoped3A_198, %dma_start3A_273] : memref<1x128xi32, #tpu.memory_space<vmem>> -> memref<1x128xi32, #tpu.memory_space<vmem>>
          %dma_start3A_275 = tpu.memref_squeeze %dma_start3A_274 : memref<1x128xi32, #tpu.memory_space<vmem>> -> memref<128xi32, #tpu.memory_space<vmem>>
          %dma_start3A_276 = arith.constant 0 : i32
          %dma_start3A_277 = arith.constant 0 : i32
          %dma_start3A_278 = tpu.memref_slice %arg2[%dma_start3A_276, %dma_start3A_277] : memref<65536x256xf32, #tpu.memory_space<hbm>> -> memref<65536x256xf32, #tpu.memory_space<hbm>>
          tpu.enqueue_indirect_dma source(%dma_start3A_278 : memref<65536x256xf32, #tpu.memory_space<hbm>>) target(%dma_start3A_268 : memref<128x256xf32, #tpu.memory_space<vmem>>) offsets(%dma_start3A_275 : memref<128xi32, #tpu.memory_space<vmem>>) semaphore(%run_scoped3A_264 : memref<!tpu.dma_semaphore, #tpu.memory_space<semaphore_mem>>)
          %dma_wait3A_279 = arith.constant 0 : i32
          %dma_wait3A_280 = arith.constant 0 : i32
          %dma_wait3A_281 = tpu.memref_slice %run_scoped3A_8[%rem3A_197, %dma_wait3A_279, %dma_wait3A_280] : memref<2x128x256xf32, #tpu.memory_space<vmem>> -> memref<1x128x256xf32, #tpu.memory_space<vmem>>
          %dma_wait3A_282 = tpu.memref_squeeze %dma_wait3A_281 : memref<1x128x256xf32, #tpu.memory_space<vmem>> -> memref<128x256xf32, #tpu.memory_space<vmem>>
          %dma_wait3A_283 = arith.constant 0 : i32
          %dma_wait3A_284 = arith.constant 0 : i32
          %dma_wait3A_285 = tpu.memref_slice %run_scoped3A[%rem3A_195, %dma_wait3A_283, %dma_wait3A_284] : memref<2x1x128xi32, #tpu.memory_space<vmem>> -> memref<1x1x128xi32, #tpu.memory_space<vmem>>
          %dma_wait3A_286 = tpu.memref_squeeze %dma_wait3A_285 : memref<1x1x128xi32, #tpu.memory_space<vmem>> -> memref<1x128xi32, #tpu.memory_space<vmem>>
          %dma_wait3A_287 = arith.constant 0 : i32
          %dma_wait3A_288 = tpu.memref_slice %dma_wait3A_286[%run_scoped3A_198, %dma_wait3A_287] : memref<1x128xi32, #tpu.memory_space<vmem>> -> memref<1x128xi32, #tpu.memory_space<vmem>>
          %dma_wait3A_289 = tpu.memref_squeeze %dma_wait3A_288 : memref<1x128xi32, #tpu.memory_space<vmem>> -> memref<128xi32, #tpu.memory_space<vmem>>
          %dma_wait3A_290 = arith.constant 0 : i32
          %dma_wait3A_291 = arith.constant 0 : i32
          %dma_wait3A_292 = tpu.memref_slice %arg2[%dma_wait3A_290, %dma_wait3A_291] : memref<65536x256xf32, #tpu.memory_space<hbm>> -> memref<65536x256xf32, #tpu.memory_space<hbm>>
          tpu.wait_indirect_dma semaphore(%run_scoped3A_264 : memref<!tpu.dma_semaphore, #tpu.memory_space<semaphore_mem>>) src(%dma_wait3A_292 : memref<65536x256xf32, #tpu.memory_space<hbm>>) dst(%dma_wait3A_282 : memref<128x256xf32, #tpu.memory_space<vmem>>)
          tpu.yield
        }) : () -> ()
        "tpu.trace_stop"() : () -> ()
        %ne3A_199 = arith.cmpi ne, %add3A_131, %add3A_149 : i32
        %or3A_200 = arith.constant false
        %or3A_201 = arith.ori %or3A_200, %ne3A_199 : i1
        %or3A_202 = arith.ori %or3A_201, %eq3A_130 : i1
        %convert_element_type3A_203 = arith.extui %or3A_202 : i1 to i32
        %cond3A_204 = arith.constant 0 : i32
        %cond3A_205 = arith.cmpi ne, %convert_element_type3A_203, %cond3A_204 : i32
        scf.if %cond3A_205 {
        } else {
        }
        %and3A_206 = arith.constant false
        %and3A_207 = arith.andi %or3A_202, %and3A_206 : i1
        %ne3A_208 = arith.cmpi ne, %add3A_131, %add3A_149 : i32
        %or3A_209 = arith.constant false
        %or3A_210 = arith.ori %or3A_209, %ne3A_208 : i1
        %or3A_211 = arith.constant false
        %or3A_212 = arith.ori %or3A_210, %or3A_211 : i1
        %or3A_213 = arith.ori %or3A_212, %eq3A_130 : i1
        %convert_element_type3A_214 = arith.extui %or3A_213 : i1 to i32
        %cond3A_215 = arith.constant 0 : i32
        %cond3A_216 = arith.cmpi ne, %convert_element_type3A_214, %cond3A_215 : i32
        scf.if %cond3A_216 {
          "tpu.trace_start"() <{level = 10 : i32, message = "ep_copy_out"}> : () -> ()
          %rem3A_264 = arith.constant 2 : i32
          %rem3A_265 = arith.remui %scan3A_124, %rem3A_264 : i32
          %mul3A_266 = arith.constant 128 : i32
          %mul3A_267 = arith.muli %mul3A_266, %add3A_131 : i32
          %dma_start3A_268 = arith.constant 0 : i32
          %dma_start3A_269 = arith.constant 0 : i32
          %dma_start3A_270 = tpu.memref_slice %run_scoped3A_8[%rem3A_265, %dma_start3A_268, %dma_start3A_269] : memref<2x128x256xf32, #tpu.memory_space<vmem>> -> memref<1x128x256xf32, #tpu.memory_space<vmem>>
          %dma_start3A_271 = tpu.memref_squeeze %dma_start3A_270 : memref<1x128x256xf32, #tpu.memory_space<vmem>> -> memref<128x256xf32, #tpu.memory_space<vmem>>
          %dma_start3A_272 = arith.constant 0 : i32
          %dma_start3A_273 = tpu.memref_slice %arg4[%mul3A_267, %dma_start3A_272] : memref<16384x256xf32, #tpu.memory_space<hbm>> -> memref<128x256xf32, #tpu.memory_space<hbm>>
          %dma_start3A_274 = tpu.memref_slice %run_scoped3A_9[%rem3A_265] : memref<2x!tpu.dma_semaphore, #tpu.memory_space<semaphore_mem>> -> memref<1x!tpu.dma_semaphore, #tpu.memory_space<semaphore_mem>>
          %dma_start3A_275 = tpu.memref_squeeze %dma_start3A_274 : memref<1x!tpu.dma_semaphore, #tpu.memory_space<semaphore_mem>> -> memref<!tpu.dma_semaphore, #tpu.memory_space<semaphore_mem>>
          %dma_start3A_276 = arith.constant 0 : i32
          %dma_start3A_277 = tpu.memref_slice %arg4[%mul3A_267, %dma_start3A_276] : memref<16384x256xf32, #tpu.memory_space<hbm>> -> memref<128x256xf32, #tpu.memory_space<hbm>>
          %dma_start3A_278 = arith.constant 0 : i32
          %dma_start3A_279 = arith.constant 0 : i32
          %dma_start3A_280 = tpu.memref_slice %run_scoped3A_8[%rem3A_265, %dma_start3A_278, %dma_start3A_279] : memref<2x128x256xf32, #tpu.memory_space<vmem>> -> memref<1x128x256xf32, #tpu.memory_space<vmem>>
          %dma_start3A_281 = tpu.memref_squeeze %dma_start3A_280 : memref<1x128x256xf32, #tpu.memory_space<vmem>> -> memref<128x256xf32, #tpu.memory_space<vmem>>
          tpu.enqueue_dma source(%dma_start3A_281 : memref<128x256xf32, #tpu.memory_space<vmem>>) target(%dma_start3A_277 : memref<128x256xf32, #tpu.memory_space<hbm>>) target_semaphore(%dma_start3A_275 : memref<!tpu.dma_semaphore, #tpu.memory_space<semaphore_mem>>)
          "tpu.trace_stop"() : () -> ()
        } else {
        }
        %and3A_217 = arith.constant true
        %and3A_218 = arith.andi %or3A_213, %and3A_217 : i1
        %add3A_219 = arith.constant 1 : i32
        %add3A_220 = arith.addi %scan3A_124, %add3A_219 : i32
        %select_n3A_221 = arith.select %and3A_218, %add3A_220, %scan3A_124 : i32
        %ne3A_222 = arith.cmpi ne, %add3A_131, %add3A_140 : i32
        %or3A_223 = arith.constant false
        %or3A_224 = arith.ori %or3A_223, %ne3A_222 : i1
        %not3A_225 = arith.constant true
        %not3A_226 = arith.xori %eq3A_128, %not3A_225 : i1
        %and3A_227 = arith.andi %or3A_224, %not3A_226 : i1
        %convert_element_type3A_228 = arith.extui %and3A_227 : i1 to i32
        %cond3A_229 = arith.constant 0 : i32
        %cond3A_230 = arith.cmpi ne, %convert_element_type3A_228, %cond3A_229 : i32
        scf.if %cond3A_230 {
        } else {
        }
        %and3A_231 = arith.constant false
        %and3A_232 = arith.andi %and3A_227, %and3A_231 : i1
        %ne3A_233 = arith.cmpi ne, %add3A_131, %add3A_140 : i32
        %or3A_234 = arith.constant false
        %or3A_235 = arith.ori %or3A_234, %ne3A_233 : i1
        %or3A_236 = arith.constant false
        %or3A_237 = arith.ori %or3A_235, %or3A_236 : i1
        %not3A_238 = arith.constant true
        %not3A_239 = arith.xori %eq3A_128, %not3A_238 : i1
        %and3A_240 = arith.andi %or3A_237, %not3A_239 : i1
        %convert_element_type3A_241 = arith.extui %and3A_240 : i1 to i32
        %cond3A_242 = arith.constant 0 : i32
        %cond3A_243 = arith.cmpi ne, %convert_element_type3A_241, %cond3A_242 : i32
        scf.if %cond3A_243 {
          "tpu.trace_start"() <{level = 10 : i32, message = "ep_wait_out"}> : () -> ()
          %rem3A_264 = arith.constant 2 : i32
          %rem3A_265 = arith.remui %scan3A_125, %rem3A_264 : i32
          %mul3A_266 = arith.constant 128 : i32
          %mul3A_267 = arith.muli %mul3A_266, %add3A_140 : i32
          %dma_wait3A_268 = arith.constant 0 : i32
          %dma_wait3A_269 = arith.constant 0 : i32
          %dma_wait3A_270 = tpu.memref_slice %run_scoped3A_8[%rem3A_265, %dma_wait3A_268, %dma_wait3A_269] : memref<2x128x256xf32, #tpu.memory_space<vmem>> -> memref<1x128x256xf32, #tpu.memory_space<vmem>>
          %dma_wait3A_271 = tpu.memref_squeeze %dma_wait3A_270 : memref<1x128x256xf32, #tpu.memory_space<vmem>> -> memref<128x256xf32, #tpu.memory_space<vmem>>
          %dma_wait3A_272 = arith.constant 0 : i32
          %dma_wait3A_273 = tpu.memref_slice %arg4[%mul3A_267, %dma_wait3A_272] : memref<16384x256xf32, #tpu.memory_space<hbm>> -> memref<128x256xf32, #tpu.memory_space<hbm>>
          %dma_wait3A_274 = tpu.memref_slice %run_scoped3A_9[%rem3A_265] : memref<2x!tpu.dma_semaphore, #tpu.memory_space<semaphore_mem>> -> memref<1x!tpu.dma_semaphore, #tpu.memory_space<semaphore_mem>>
          %dma_wait3A_275 = tpu.memref_squeeze %dma_wait3A_274 : memref<1x!tpu.dma_semaphore, #tpu.memory_space<semaphore_mem>> -> memref<!tpu.dma_semaphore, #tpu.memory_space<semaphore_mem>>
          %dma_wait3A_276 = arith.constant 0 : i32
          %dma_wait3A_277 = tpu.memref_slice %arg4[%mul3A_267, %dma_wait3A_276] : memref<16384x256xf32, #tpu.memory_space<hbm>> -> memref<128x256xf32, #tpu.memory_space<hbm>>
          %dma_wait3A_278 = arith.constant 0 : i32
          %dma_wait3A_279 = arith.constant 0 : i32
          %dma_wait3A_280 = tpu.memref_slice %run_scoped3A_8[%rem3A_265, %dma_wait3A_278, %dma_wait3A_279] : memref<2x128x256xf32, #tpu.memory_space<vmem>> -> memref<1x128x256xf32, #tpu.memory_space<vmem>>
          %dma_wait3A_281 = tpu.memref_squeeze %dma_wait3A_280 : memref<1x128x256xf32, #tpu.memory_space<vmem>> -> memref<128x256xf32, #tpu.memory_space<vmem>>
          tpu.wait_dma2 semaphore(%dma_wait3A_275 : memref<!tpu.dma_semaphore, #tpu.memory_space<semaphore_mem>>) src(%dma_wait3A_281 : memref<128x256xf32, #tpu.memory_space<vmem>>) dst(%dma_wait3A_277 : memref<128x256xf32, #tpu.memory_space<hbm>>)
          "tpu.trace_stop"() : () -> ()
        } else {
        }
        %and3A_244 = arith.constant true
        %and3A_245 = arith.andi %and3A_240, %and3A_244 : i1
        %add3A_246 = arith.constant 1 : i32
        %add3A_247 = arith.addi %scan3A_125, %add3A_246 : i32
        %select_n3A_248 = arith.select %and3A_245, %add3A_247, %scan3A_125 : i32
        %ne3A_249 = arith.cmpi ne, %add3A_131, %add3A_149 : i32
        %or3A_250 = arith.constant false
        %or3A_251 = arith.ori %or3A_250, %ne3A_249 : i1
        %or3A_252 = arith.ori %or3A_251, %eq3A_130 : i1
        %add3A_253 = arith.constant 1 : i32
        %add3A_254 = arith.addi %scan3A_123, %add3A_253 : i32
        %select_n3A_255 = arith.select %or3A_252, %add3A_254, %scan3A_123 : i32
        %add3A_256 = arith.constant 1 : i32
        %add3A_257 = arith.addi %scan3A_126, %add3A_256 : i32
        %select_n3A_258 = arith.constant true
        %select_n3A_259 = arith.select %select_n3A_258, %add3A_257, %scan3A_126 : i32
        %eq3A_260 = arith.constant 4 : i32
        %eq3A_261 = arith.cmpi eq, %select_n3A_259, %eq3A_260 : i32
        %select_n3A_262 = arith.constant 0 : i32
        %select_n3A_263 = arith.select %eq3A_261, %select_n3A_262, %select_n3A_259 : i32
        scf.yield %select_n3A_167, %select_n3A_255, %select_n3A_221, %select_n3A_248, %select_n3A_263 : i32, i32, i32, i32, i32
      }
      %scan3A_68 = arith.constant 4 : i32
      %sub3A = arith.constant 1 : i32
      %sub3A_69 = arith.subi %scan3A_67#4, %sub3A : i32
      %select_n3A_70 = arith.constant true
      %select_n3A_71 = arith.select %select_n3A_70, %sub3A_69, %scan3A_67#4 : i32
      %eq3A_72 = arith.constant -1 : i32
      %eq3A_73 = arith.cmpi eq, %select_n3A_71, %eq3A_72 : i32
      %select_n3A_74 = arith.constant 3 : i32
      %select_n3A_75 = arith.select %eq3A_73, %select_n3A_74, %select_n3A_71 : i32
      %add3A_76 = arith.addi %select_n3A_75, %mul3A_6 : i32
      %sub3A_77 = arith.constant 1 : i32
      %sub3A_78 = arith.subi %select_n3A_75, %sub3A_77 : i32
      %select_n3A_79 = arith.constant true
      %select_n3A_80 = arith.select %select_n3A_79, %sub3A_78, %select_n3A_75 : i32
      %eq3A_81 = arith.constant -1 : i32
      %eq3A_82 = arith.cmpi eq, %select_n3A_80, %eq3A_81 : i32
      %select_n3A_83 = arith.constant 3 : i32
      %select_n3A_84 = arith.select %eq3A_82, %select_n3A_83, %select_n3A_80 : i32
      %add3A_85 = arith.addi %select_n3A_84, %mul3A_6 : i32
      %add3A_86 = arith.constant 1 : i32
      %add3A_87 = arith.addi %select_n3A_75, %add3A_86 : i32
      %select_n3A_88 = arith.constant true
      %select_n3A_89 = arith.select %select_n3A_88, %add3A_87, %select_n3A_75 : i32
      %eq3A_90 = arith.constant 4 : i32
      %eq3A_91 = arith.cmpi eq, %select_n3A_89, %eq3A_90 : i32
      %select_n3A_92 = arith.constant 0 : i32
      %select_n3A_93 = arith.select %eq3A_91, %select_n3A_92, %select_n3A_89 : i32
      %add3A_94 = arith.addi %select_n3A_93, %mul3A_6 : i32
      %add3A_95 = arith.constant 1 : i32
      %add3A_96 = arith.addi %select_n3A_93, %add3A_95 : i32
      %select_n3A_97 = arith.constant true
      %select_n3A_98 = arith.select %select_n3A_97, %add3A_96, %select_n3A_93 : i32
      %eq3A_99 = arith.constant 4 : i32
      %eq3A_100 = arith.cmpi eq, %select_n3A_98, %eq3A_99 : i32
      %select_n3A_101 = arith.constant 0 : i32
      %select_n3A_102 = arith.select %eq3A_100, %select_n3A_101, %select_n3A_98 : i32
      %add3A_103 = arith.addi %select_n3A_102, %mul3A_6 : i32
      "tpu.trace_start"() <{level = 10 : i32, message = "ep_finalize"}> : () -> ()
      %rem3A_104 = arith.constant 2 : i32
      %rem3A_105 = arith.remui %scan3A_67#3, %rem3A_104 : i32
      %mul3A_106 = arith.constant 128 : i32
      %mul3A_107 = arith.muli %mul3A_106, %add3A_76 : i32
      %dma_wait3A = arith.constant 0 : i32
      %dma_wait3A_108 = arith.constant 0 : i32
      %dma_wait3A_109 = tpu.memref_slice %run_scoped3A_8[%rem3A_105, %dma_wait3A, %dma_wait3A_108] : memref<2x128x256xf32, #tpu.memory_space<vmem>> -> memref<1x128x256xf32, #tpu.memory_space<vmem>>
      %dma_wait3A_110 = tpu.memref_squeeze %dma_wait3A_109 : memref<1x128x256xf32, #tpu.memory_space<vmem>> -> memref<128x256xf32, #tpu.memory_space<vmem>>
      %dma_wait3A_111 = arith.constant 0 : i32
      %dma_wait3A_112 = tpu.memref_slice %arg4[%mul3A_107, %dma_wait3A_111] : memref<16384x256xf32, #tpu.memory_space<hbm>> -> memref<128x256xf32, #tpu.memory_space<hbm>>
      %dma_wait3A_113 = tpu.memref_slice %run_scoped3A_9[%rem3A_105] : memref<2x!tpu.dma_semaphore, #tpu.memory_space<semaphore_mem>> -> memref<1x!tpu.dma_semaphore, #tpu.memory_space<semaphore_mem>>
      %dma_wait3A_114 = tpu.memref_squeeze %dma_wait3A_113 : memref<1x!tpu.dma_semaphore, #tpu.memory_space<semaphore_mem>> -> memref<!tpu.dma_semaphore, #tpu.memory_space<semaphore_mem>>
      %dma_wait3A_115 = arith.constant 0 : i32
      %dma_wait3A_116 = tpu.memref_slice %arg4[%mul3A_107, %dma_wait3A_115] : memref<16384x256xf32, #tpu.memory_space<hbm>> -> memref<128x256xf32, #tpu.memory_space<hbm>>
      %dma_wait3A_117 = arith.constant 0 : i32
      %dma_wait3A_118 = arith.constant 0 : i32
      %dma_wait3A_119 = tpu.memref_slice %run_scoped3A_8[%rem3A_105, %dma_wait3A_117, %dma_wait3A_118] : memref<2x128x256xf32, #tpu.memory_space<vmem>> -> memref<1x128x256xf32, #tpu.memory_space<vmem>>
      %dma_wait3A_120 = tpu.memref_squeeze %dma_wait3A_119 : memref<1x128x256xf32, #tpu.memory_space<vmem>> -> memref<128x256xf32, #tpu.memory_space<vmem>>
      tpu.wait_dma2 semaphore(%dma_wait3A_114 : memref<!tpu.dma_semaphore, #tpu.memory_space<semaphore_mem>>) src(%dma_wait3A_120 : memref<128x256xf32, #tpu.memory_space<vmem>>) dst(%dma_wait3A_116 : memref<128x256xf32, #tpu.memory_space<hbm>>)
      "tpu.trace_stop"() : () -> ()
      tpu.yield
    }) : () -> ()
    return
  }
}

#map = affine_map<(d0, d1) -> (0, 0)>
module attributes {stable_mosaic.version = 14 : i64} {
  func.func @gather_kernel(%arg0: i32, %arg1: i32, %arg2: memref<65536x256xf32, #tpu.memory_space<hbm>>, %arg3: memref<1x16384xi32, #tpu.memory_space<hbm>>, %arg4: memref<16384x256xf32, #tpu.memory_space<hbm>>) attributes {dimension_semantics = [#tpu.dimension_semantics<core_parallel>, #tpu.dimension_semantics<subcore_parallel>], iteration_bounds = array<i64: 2, 16>, scalar_prefetch = 0 : i64, scratch_operands = 0 : i64, tpu.core_type = #tpu.core_type<sc_vector_subcore>, window_params = [{transform_indices = #map}, {transform_indices = #map}, {transform_indices = #map}]} {
    %mul3A = arith.constant 1 : i32
    %mul3A_0 = arith.muli %arg1, %mul3A : i32
    %add3A = arith.constant 0 : i32
    %add3A_1 = arith.addi %add3A, %mul3A_0 : i32
    %mul3A_2 = arith.constant 16 : i32
    %mul3A_3 = arith.muli %arg0, %mul3A_2 : i32
    %add3A_4 = arith.addi %add3A_1, %mul3A_3 : i32
    %mul3A_5 = arith.constant 4 : i32
    %mul3A_6 = arith.muli %add3A_4, %mul3A_5 : i32
    "tpu.region"() ({
      %run_scoped3A = memref.alloca() : memref<2x1x128xi32, #tpu.memory_space<vmem>>
      %run_scoped3A_7 = tpu.sem_alloc : memref<2x!tpu.dma_semaphore, #tpu.memory_space<semaphore_mem>>
      %run_scoped3A_8 = memref.alloca() : memref<2x128x256xf32, #tpu.memory_space<vmem>>
      %run_scoped3A_9 = tpu.sem_alloc : memref<2x!tpu.dma_semaphore, #tpu.memory_space<semaphore_mem>>
      %add3A_10 = arith.constant 0 : i32
      %add3A_11 = arith.addi %add3A_10, %mul3A_6 : i32
      %select_n3A = arith.constant true
      %select_n3A_12 = arith.constant 0 : i32
      %select_n3A_13 = arith.constant -1 : i32
      %select_n3A_14 = arith.select %select_n3A, %select_n3A_13, %select_n3A_12 : i32
      %eq3A = arith.constant -1 : i32
      %eq3A_15 = arith.cmpi eq, %select_n3A_14, %eq3A : i32
      %select_n3A_16 = arith.constant 3 : i32
      %select_n3A_17 = arith.select %eq3A_15, %select_n3A_16, %select_n3A_14 : i32
      %add3A_18 = arith.addi %select_n3A_17, %mul3A_6 : i32
      %select_n3A_19 = arith.constant true
      %select_n3A_20 = arith.constant 0 : i32
      %select_n3A_21 = arith.constant 1 : i32
      %select_n3A_22 = arith.select %select_n3A_19, %select_n3A_21, %select_n3A_20 : i32
      %eq3A_23 = arith.constant 4 : i32
      %eq3A_24 = arith.cmpi eq, %select_n3A_22, %eq3A_23 : i32
      %select_n3A_25 = arith.constant 0 : i32
      %select_n3A_26 = arith.select %eq3A_24, %select_n3A_25, %select_n3A_22 : i32
      %add3A_27 = arith.addi %select_n3A_26, %mul3A_6 : i32
      %add3A_28 = arith.constant 1 : i32
      %add3A_29 = arith.addi %select_n3A_26, %add3A_28 : i32
      %select_n3A_30 = arith.constant true
      %select_n3A_31 = arith.select %select_n3A_30, %add3A_29, %select_n3A_26 : i32
      %eq3A_32 = arith.constant 4 : i32
      %eq3A_33 = arith.cmpi eq, %select_n3A_31, %eq3A_32 : i32
      %select_n3A_34 = arith.constant 0 : i32
      %select_n3A_35 = arith.select %eq3A_33, %select_n3A_34, %select_n3A_31 : i32
      %add3A_36 = arith.addi %select_n3A_35, %mul3A_6 : i32
      "tpu.trace_start"() <{level = 10 : i32, message = "ep_initialize_0"}> : () -> ()
      %rem3A = arith.constant 0 : i32
      %rem3A_37 = arith.constant 2 : i32
      %rem3A_38 = arith.remui %rem3A, %rem3A_37 : i32
      %mul3A_39 = arith.constant 128 : i32
      %mul3A_40 = arith.muli %mul3A_39, %add3A_11 : i32
      %dma_start3A = arith.constant 0 : i32
      %dma_start3A_41 = arith.constant 0 : i32
      %dma_start3A_42 = tpu.memref_slice %run_scoped3A[%rem3A_38, %dma_start3A, %dma_start3A_41] : memref<2x1x128xi32, #tpu.memory_space<vmem>> -> memref<1x1x128xi32, #tpu.memory_space<vmem>>
      %dma_start3A_43 = tpu.memref_squeeze %dma_start3A_42 : memref<1x1x128xi32, #tpu.memory_space<vmem>> -> memref<1x128xi32, #tpu.memory_space<vmem>>
      %dma_start3A_44 = arith.constant 0 : i32
      %dma_start3A_45 = tpu.memref_slice %arg3[%dma_start3A_44, %mul3A_40] : memref<1x16384xi32, #tpu.memory_space<hbm>> -> memref<1x128xi32, #tpu.memory_space<hbm>>
      %dma_start3A_46 = tpu.memref_slice %run_scoped3A_7[%rem3A_38] : memref<2x!tpu.dma_semaphore, #tpu.memory_space<semaphore_mem>> -> memref<1x!tpu.dma_semaphore, #tpu.memory_space<semaphore_mem>>
      %dma_start3A_47 = tpu.memref_squeeze %dma_start3A_46 : memref<1x!tpu.dma_semaphore, #tpu.memory_space<semaphore_mem>> -> memref<!tpu.dma_semaphore, #tpu.memory_space<semaphore_mem>>
      %dma_start3A_48 = arith.constant 0 : i32
      %dma_start3A_49 = arith.constant 0 : i32
      %dma_start3A_50 = tpu.memref_slice %run_scoped3A[%rem3A_38, %dma_start3A_48, %dma_start3A_49] : memref<2x1x128xi32, #tpu.memory_space<vmem>> -> memref<1x1x128xi32, #tpu.memory_space<vmem>>
      %dma_start3A_51 = tpu.memref_squeeze %dma_start3A_50 : memref<1x1x128xi32, #tpu.memory_space<vmem>> -> memref<1x128xi32, #tpu.memory_space<vmem>>
      %dma_start3A_52 = arith.constant 0 : i32
      %dma_start3A_53 = tpu.memref_slice %arg3[%dma_start3A_52, %mul3A_40] : memref<1x16384xi32, #tpu.memory_space<hbm>> -> memref<1x128xi32, #tpu.memory_space<hbm>>
      tpu.enqueue_dma source(%dma_start3A_53 : memref<1x128xi32, #tpu.memory_space<hbm>>) target(%dma_start3A_51 : memref<1x128xi32, #tpu.memory_space<vmem>>) target_semaphore(%dma_start3A_47 : memref<!tpu.dma_semaphore, #tpu.memory_space<semaphore_mem>>)
      %add3A_54 = arith.constant 0 : i32
      %add3A_55 = arith.constant 1 : i32
      %add3A_56 = arith.addi %add3A_54, %add3A_55 : i32
      %select_n3A_57 = arith.constant true
      %select_n3A_58 = arith.constant 0 : i32
      %select_n3A_59 = arith.select %select_n3A_57, %add3A_56, %select_n3A_58 : i32
      "tpu.trace_stop"() : () -> ()
      %scan3A = arith.constant 0 : i32
      %scan3A_60 = arith.constant 0 : i32
      %scan3A_61 = arith.constant 0 : i32
      %scan3A_62 = arith.constant 0 : i32
      %scan3A_63 = arith.constant 0 : i32
      %scan3A_64 = arith.constant 4 : i32
      %scan3A_65 = arith.addi %scan3A_63, %scan3A_64 : i32
      %scan3A_66 = arith.constant 1 : i32
      %scan3A_67:5 = scf.for %scan3A_121 = %scan3A_63 to %scan3A_65 step %scan3A_66 iter_args(%scan3A_122 = %select_n3A_59, %scan3A_123 = %scan3A, %scan3A_124 = %scan3A_60, %scan3A_125 = %scan3A_61, %scan3A_126 = %scan3A_62) -> (i32, i32, i32, i32, i32)  : i32 {
        %eq3A_127 = arith.constant 0 : i32
        %eq3A_128 = arith.cmpi eq, %scan3A_121, %eq3A_127 : i32
        %eq3A_129 = arith.constant 3 : i32
        %eq3A_130 = arith.cmpi eq, %scan3A_121, %eq3A_129 : i32
        %add3A_131 = arith.addi %scan3A_126, %mul3A_6 : i32
        %sub3A_132 = arith.constant 1 : i32
        %sub3A_133 = arith.subi %scan3A_126, %sub3A_132 : i32
        %select_n3A_134 = arith.constant true
        %select_n3A_135 = arith.select %select_n3A_134, %sub3A_133, %scan3A_126 : i32
        %eq3A_136 = arith.constant -1 : i32
        %eq3A_137 = arith.cmpi eq, %select_n3A_135, %eq3A_136 : i32
        %select_n3A_138 = arith.constant 3 : i32
        %select_n3A_139 = arith.select %eq3A_137, %select_n3A_138, %select_n3A_135 : i32
        %add3A_140 = arith.addi %select_n3A_139, %mul3A_6 : i32
        %add3A_141 = arith.constant 1 : i32
        %add3A_142 = arith.addi %scan3A_126, %add3A_141 : i32
        %select_n3A_143 = arith.constant true
        %select_n3A_144 = arith.select %select_n3A_143, %add3A_142, %scan3A_126 : i32
        %eq3A_145 = arith.constant 4 : i32
        %eq3A_146 = arith.cmpi eq, %select_n3A_144, %eq3A_145 : i32
        %select_n3A_147 = arith.constant 0 : i32
        %select_n3A_148 = arith.select %eq3A_146, %select_n3A_147, %select_n3A_144 : i32
        %add3A_149 = arith.addi %select_n3A_148, %mul3A_6 : i32
        %add3A_150 = arith.constant 1 : i32
        %add3A_151 = arith.addi %select_n3A_148, %add3A_150 : i32
        %select_n3A_152 = arith.constant true
        %select_n3A_153 = arith.select %select_n3A_152, %add3A_151, %select_n3A_148 : i32
        %eq3A_154 = arith.constant 4 : i32
        %eq3A_155 = arith.cmpi eq, %select_n3A_153, %eq3A_154 : i32
        %select_n3A_156 = arith.constant 0 : i32
        %select_n3A_157 = arith.select %eq3A_155, %select_n3A_156, %select_n3A_153 : i32
        %add3A_158 = arith.addi %select_n3A_157, %mul3A_6 : i32
        %ne3A = arith.cmpi ne, %add3A_131, %add3A_149 : i32
        %or3A = arith.constant false
        %or3A_159 = arith.ori %or3A, %ne3A : i1
        %ge3A = arith.constant 3 : i32
        %ge3A_160 = arith.cmpi sge, %scan3A_121, %ge3A : i32
        %not3A = arith.constant true
        %not3A_161 = arith.xori %ge3A_160, %not3A : i1
        %and3A = arith.andi %or3A_159, %not3A_161 : i1
        %convert_element_type3A = arith.extui %and3A : i1 to i32
        %cond3A = arith.constant 0 : i32
        %cond3A_162 = arith.cmpi ne, %convert_element_type3A, %cond3A : i32
        scf.if %cond3A_162 {
          "tpu.trace_start"() <{level = 10 : i32, message = "ep_copy_in"}> : () -> ()
          %rem3A_264 = arith.constant 2 : i32
          %rem3A_265 = arith.remui %scan3A_122, %rem3A_264 : i32
          %mul3A_266 = arith.constant 128 : i32
          %mul3A_267 = arith.muli %mul3A_266, %add3A_149 : i32
          %dma_start3A_268 = arith.constant 0 : i32
          %dma_start3A_269 = arith.constant 0 : i32
          %dma_start3A_270 = tpu.memref_slice %run_scoped3A[%rem3A_265, %dma_start3A_268, %dma_start3A_269] : memref<2x1x128xi32, #tpu.memory_space<vmem>> -> memref<1x1x128xi32, #tpu.memory_space<vmem>>
          %dma_start3A_271 = tpu.memref_squeeze %dma_start3A_270 : memref<1x1x128xi32, #tpu.memory_space<vmem>> -> memref<1x128xi32, #tpu.memory_space<vmem>>
          %dma_start3A_272 = arith.constant 0 : i32
          %dma_start3A_273 = tpu.memref_slice %arg3[%dma_start3A_272, %mul3A_267] : memref<1x16384xi32, #tpu.memory_space<hbm>> -> memref<1x128xi32, #tpu.memory_space<hbm>>
          %dma_start3A_274 = tpu.memref_slice %run_scoped3A_7[%rem3A_265] : memref<2x!tpu.dma_semaphore, #tpu.memory_space<semaphore_mem>> -> memref<1x!tpu.dma_semaphore, #tpu.memory_space<semaphore_mem>>
          %dma_start3A_275 = tpu.memref_squeeze %dma_start3A_274 : memref<1x!tpu.dma_semaphore, #tpu.memory_space<semaphore_mem>> -> memref<!tpu.dma_semaphore, #tpu.memory_space<semaphore_mem>>
          %dma_start3A_276 = arith.constant 0 : i32
          %dma_start3A_277 = arith.constant 0 : i32
          %dma_start3A_278 = tpu.memref_slice %run_scoped3A[%rem3A_265, %dma_start3A_276, %dma_start3A_277] : memref<2x1x128xi32, #tpu.memory_space<vmem>> -> memref<1x1x128xi32, #tpu.memory_space<vmem>>
          %dma_start3A_279 = tpu.memref_squeeze %dma_start3A_278 : memref<1x1x128xi32, #tpu.memory_space<vmem>> -> memref<1x128xi32, #tpu.memory_space<vmem>>
          %dma_start3A_280 = arith.constant 0 : i32
          %dma_start3A_281 = tpu.memref_slice %arg3[%dma_start3A_280, %mul3A_267] : memref<1x16384xi32, #tpu.memory_space<hbm>> -> memref<1x128xi32, #tpu.memory_space<hbm>>
          tpu.enqueue_dma source(%dma_start3A_281 : memref<1x128xi32, #tpu.memory_space<hbm>>) target(%dma_start3A_279 : memref<1x128xi32, #tpu.memory_space<vmem>>) target_semaphore(%dma_start3A_275 : memref<!tpu.dma_semaphore, #tpu.memory_space<semaphore_mem>>)
          "tpu.trace_stop"() : () -> ()
        } else {
        }
        %and3A_163 = arith.constant true
        %and3A_164 = arith.andi %and3A, %and3A_163 : i1
        %add3A_165 = arith.constant 1 : i32
        %add3A_166 = arith.addi %scan3A_122, %add3A_165 : i32
        %select_n3A_167 = arith.select %and3A_164, %add3A_166, %scan3A_122 : i32
        %ne3A_168 = arith.cmpi ne, %add3A_131, %add3A_149 : i32
        %or3A_169 = arith.constant false
        %or3A_170 = arith.ori %or3A_169, %ne3A_168 : i1
        %or3A_171 = arith.constant false
        %or3A_172 = arith.ori %or3A_170, %or3A_171 : i1
        %ge3A_173 = arith.constant 3 : i32
        %ge3A_174 = arith.cmpi sge, %scan3A_121, %ge3A_173 : i32
        %not3A_175 = arith.constant true
        %not3A_176 = arith.xori %ge3A_174, %not3A_175 : i1
        %and3A_177 = arith.andi %or3A_172, %not3A_176 : i1
        %ne3A_178 = arith.cmpi ne, %add3A_131, %add3A_140 : i32
        %or3A_179 = arith.constant false
        %or3A_180 = arith.ori %or3A_179, %ne3A_178 : i1
        %or3A_181 = arith.ori %or3A_180, %eq3A_128 : i1
        %convert_element_type3A_182 = arith.extui %or3A_181 : i1 to i32
        %cond3A_183 = arith.constant 0 : i32
        %cond3A_184 = arith.cmpi ne, %convert_element_type3A_182, %cond3A_183 : i32
        scf.if %cond3A_184 {
          "tpu.trace_start"() <{level = 10 : i32, message = "ep_wait_in"}> : () -> ()
          %mul3A_264 = arith.constant 128 : i32
          %mul3A_265 = arith.muli %mul3A_264, %add3A_131 : i32
          %rem3A_266 = arith.constant 2 : i32
          %rem3A_267 = arith.remui %scan3A_123, %rem3A_266 : i32
          %dma_wait3A_268 = arith.constant 0 : i32
          %dma_wait3A_269 = arith.constant 0 : i32
          %dma_wait3A_270 = tpu.memref_slice %run_scoped3A[%rem3A_267, %dma_wait3A_268, %dma_wait3A_269] : memref<2x1x128xi32, #tpu.memory_space<vmem>> -> memref<1x1x128xi32, #tpu.memory_space<vmem>>
          %dma_wait3A_271 = tpu.memref_squeeze %dma_wait3A_270 : memref<1x1x128xi32, #tpu.memory_space<vmem>> -> memref<1x128xi32, #tpu.memory_space<vmem>>
          %dma_wait3A_272 = arith.constant 0 : i32
          %dma_wait3A_273 = tpu.memref_slice %arg3[%dma_wait3A_272, %mul3A_265] : memref<1x16384xi32, #tpu.memory_space<hbm>> -> memref<1x128xi32, #tpu.memory_space<hbm>>
          %dma_wait3A_274 = tpu.memref_slice %run_scoped3A_7[%rem3A_267] : memref<2x!tpu.dma_semaphore, #tpu.memory_space<semaphore_mem>> -> memref<1x!tpu.dma_semaphore, #tpu.memory_space<semaphore_mem>>
          %dma_wait3A_275 = tpu.memref_squeeze %dma_wait3A_274 : memref<1x!tpu.dma_semaphore, #tpu.memory_space<semaphore_mem>> -> memref<!tpu.dma_semaphore, #tpu.memory_space<semaphore_mem>>
          %dma_wait3A_276 = arith.constant 0 : i32
          %dma_wait3A_277 = arith.constant 0 : i32
          %dma_wait3A_278 = tpu.memref_slice %run_scoped3A[%rem3A_267, %dma_wait3A_276, %dma_wait3A_277] : memref<2x1x128xi32, #tpu.memory_space<vmem>> -> memref<1x1x128xi32, #tpu.memory_space<vmem>>
          %dma_wait3A_279 = tpu.memref_squeeze %dma_wait3A_278 : memref<1x1x128xi32, #tpu.memory_space<vmem>> -> memref<1x128xi32, #tpu.memory_space<vmem>>
          %dma_wait3A_280 = arith.constant 0 : i32
          %dma_wait3A_281 = tpu.memref_slice %arg3[%dma_wait3A_280, %mul3A_265] : memref<1x16384xi32, #tpu.memory_space<hbm>> -> memref<1x128xi32, #tpu.memory_space<hbm>>
          tpu.wait_dma2 semaphore(%dma_wait3A_275 : memref<!tpu.dma_semaphore, #tpu.memory_space<semaphore_mem>>) src(%dma_wait3A_281 : memref<1x128xi32, #tpu.memory_space<hbm>>) dst(%dma_wait3A_279 : memref<1x128xi32, #tpu.memory_space<vmem>>)
          "tpu.trace_stop"() : () -> ()
        } else {
        }
        %ne3A_185 = arith.cmpi ne, %add3A_131, %add3A_140 : i32
        %or3A_186 = arith.constant false
        %or3A_187 = arith.ori %or3A_186, %ne3A_185 : i1
        %or3A_188 = arith.constant false
        %or3A_189 = arith.ori %or3A_187, %or3A_188 : i1
        %or3A_190 = arith.ori %or3A_189, %eq3A_128 : i1
        %convert_element_type3A_191 = arith.extui %or3A_190 : i1 to i32
        %cond3A_192 = arith.constant 0 : i32
        %cond3A_193 = arith.cmpi ne, %convert_element_type3A_191, %cond3A_192 : i32
        scf.if %cond3A_193 {
        } else {
        }
        %rem3A_194 = arith.constant 2 : i32
        %rem3A_195 = arith.remui %scan3A_123, %rem3A_194 : i32
        %rem3A_196 = arith.constant 2 : i32
        %rem3A_197 = arith.remui %scan3A_124, %rem3A_196 : i32
        %run_scoped3A_198 = arith.constant 0 : i32
        "tpu.trace_start"() <{level = 10 : i32, message = "ep_run_kernel"}> : () -> ()
        "tpu.region"() ({
          %run_scoped3A_264 = tpu.sem_alloc : memref<!tpu.dma_semaphore, #tpu.memory_space<semaphore_mem>>
          %dma_start3A_265 = arith.constant 0 : i32
          %dma_start3A_266 = arith.constant 0 : i32
          %dma_start3A_267 = tpu.memref_slice %run_scoped3A_8[%rem3A_197, %dma_start3A_265, %dma_start3A_266] : memref<2x128x256xf32, #tpu.memory_space<vmem>> -> memref<1x128x256xf32, #tpu.memory_space<vmem>>
          %dma_start3A_268 = tpu.memref_squeeze %dma_start3A_267 : memref<1x128x256xf32, #tpu.memory_space<vmem>> -> memref<128x256xf32, #tpu.memory_space<vmem>>
          %dma_start3A_269 = arith.constant 0 : i32
          %dma_start3A_270 = arith.constant 0 : i32
          %dma_start3A_271 = tpu.memref_slice %run_scoped3A[%rem3A_195, %dma_start3A_269, %dma_start3A_270] : memref<2x1x128xi32, #tpu.memory_space<vmem>> -> memref<1x1x128xi32, #tpu.memory_space<vmem>>
          %dma_start3A_272 = tpu.memref_squeeze %dma_start3A_271 : memref<1x1x128xi32, #tpu.memory_space<vmem>> -> memref<1x128xi32, #tpu.memory_space<vmem>>
          %dma_start3A_273 = arith.constant 0 : i32
          %dma_start3A_274 = tpu.memref_slice %dma_start3A_272[%run_scoped3A_198, %dma_start3A_273] : memref<1x128xi32, #tpu.memory_space<vmem>> -> memref<1x128xi32, #tpu.memory_space<vmem>>
          %dma_start3A_275 = tpu.memref_squeeze %dma_start3A_274 : memref<1x128xi32, #tpu.memory_space<vmem>> -> memref<128xi32, #tpu.memory_space<vmem>>
          %dma_start3A_276 = arith.constant 0 : i32
          %dma_start3A_277 = arith.constant 0 : i32
          %dma_start3A_278 = tpu.memref_slice %arg2[%dma_start3A_276, %dma_start3A_277] : memref<65536x256xf32, #tpu.memory_space<hbm>> -> memref<65536x256xf32, #tpu.memory_space<hbm>>
          tpu.enqueue_indirect_dma source(%dma_start3A_278 : memref<65536x256xf32, #tpu.memory_space<hbm>>) target(%dma_start3A_268 : memref<128x256xf32, #tpu.memory_space<vmem>>) offsets(%dma_start3A_275 : memref<128xi32, #tpu.memory_space<vmem>>) semaphore(%run_scoped3A_264 : memref<!tpu.dma_semaphore, #tpu.memory_space<semaphore_mem>>)
          %dma_wait3A_279 = arith.constant 0 : i32
          %dma_wait3A_280 = arith.constant 0 : i32
          %dma_wait3A_281 = tpu.memref_slice %run_scoped3A_8[%rem3A_197, %dma_wait3A_279, %dma_wait3A_280] : memref<2x128x256xf32, #tpu.memory_space<vmem>> -> memref<1x128x256xf32, #tpu.memory_space<vmem>>
          %dma_wait3A_282 = tpu.memref_squeeze %dma_wait3A_281 : memref<1x128x256xf32, #tpu.memory_space<vmem>> -> memref<128x256xf32, #tpu.memory_space<vmem>>
          %dma_wait3A_283 = arith.constant 0 : i32
          %dma_wait3A_284 = arith.constant 0 : i32
          %dma_wait3A_285 = tpu.memref_slice %run_scoped3A[%rem3A_195, %dma_wait3A_283, %dma_wait3A_284] : memref<2x1x128xi32, #tpu.memory_space<vmem>> -> memref<1x1x128xi32, #tpu.memory_space<vmem>>
          %dma_wait3A_286 = tpu.memref_squeeze %dma_wait3A_285 : memref<1x1x128xi32, #tpu.memory_space<vmem>> -> memref<1x128xi32, #tpu.memory_space<vmem>>
          %dma_wait3A_287 = arith.constant 0 : i32
          %dma_wait3A_288 = tpu.memref_slice %dma_wait3A_286[%run_scoped3A_198, %dma_wait3A_287] : memref<1x128xi32, #tpu.memory_space<vmem>> -> memref<1x128xi32, #tpu.memory_space<vmem>>
          %dma_wait3A_289 = tpu.memref_squeeze %dma_wait3A_288 : memref<1x128xi32, #tpu.memory_space<vmem>> -> memref<128xi32, #tpu.memory_space<vmem>>
          %dma_wait3A_290 = arith.constant 0 : i32
          %dma_wait3A_291 = arith.constant 0 : i32
          %dma_wait3A_292 = tpu.memref_slice %arg2[%dma_wait3A_290, %dma_wait3A_291] : memref<65536x256xf32, #tpu.memory_space<hbm>> -> memref<65536x256xf32, #tpu.memory_space<hbm>>
          tpu.wait_indirect_dma semaphore(%run_scoped3A_264 : memref<!tpu.dma_semaphore, #tpu.memory_space<semaphore_mem>>) src(%dma_wait3A_292 : memref<65536x256xf32, #tpu.memory_space<hbm>>) dst(%dma_wait3A_282 : memref<128x256xf32, #tpu.memory_space<vmem>>)
          tpu.yield
        }) : () -> ()
        "tpu.trace_stop"() : () -> ()
        %ne3A_199 = arith.cmpi ne, %add3A_131, %add3A_149 : i32
        %or3A_200 = arith.constant false
        %or3A_201 = arith.ori %or3A_200, %ne3A_199 : i1
        %or3A_202 = arith.ori %or3A_201, %eq3A_130 : i1
        %convert_element_type3A_203 = arith.extui %or3A_202 : i1 to i32
        %cond3A_204 = arith.constant 0 : i32
        %cond3A_205 = arith.cmpi ne, %convert_element_type3A_203, %cond3A_204 : i32
        scf.if %cond3A_205 {
        } else {
        }
        %and3A_206 = arith.constant false
        %and3A_207 = arith.andi %or3A_202, %and3A_206 : i1
        %ne3A_208 = arith.cmpi ne, %add3A_131, %add3A_149 : i32
        %or3A_209 = arith.constant false
        %or3A_210 = arith.ori %or3A_209, %ne3A_208 : i1
        %or3A_211 = arith.constant false
        %or3A_212 = arith.ori %or3A_210, %or3A_211 : i1
        %or3A_213 = arith.ori %or3A_212, %eq3A_130 : i1
        %convert_element_type3A_214 = arith.extui %or3A_213 : i1 to i32
        %cond3A_215 = arith.constant 0 : i32
        %cond3A_216 = arith.cmpi ne, %convert_element_type3A_214, %cond3A_215 : i32
        scf.if %cond3A_216 {
          "tpu.trace_start"() <{level = 10 : i32, message = "ep_copy_out"}> : () -> ()
          %rem3A_264 = arith.constant 2 : i32
          %rem3A_265 = arith.remui %scan3A_124, %rem3A_264 : i32
          %mul3A_266 = arith.constant 128 : i32
          %mul3A_267 = arith.muli %mul3A_266, %add3A_131 : i32
          %dma_start3A_268 = arith.constant 0 : i32
          %dma_start3A_269 = arith.constant 0 : i32
          %dma_start3A_270 = tpu.memref_slice %run_scoped3A_8[%rem3A_265, %dma_start3A_268, %dma_start3A_269] : memref<2x128x256xf32, #tpu.memory_space<vmem>> -> memref<1x128x256xf32, #tpu.memory_space<vmem>>
          %dma_start3A_271 = tpu.memref_squeeze %dma_start3A_270 : memref<1x128x256xf32, #tpu.memory_space<vmem>> -> memref<128x256xf32, #tpu.memory_space<vmem>>
          %dma_start3A_272 = arith.constant 0 : i32
          %dma_start3A_273 = tpu.memref_slice %arg4[%mul3A_267, %dma_start3A_272] : memref<16384x256xf32, #tpu.memory_space<hbm>> -> memref<128x256xf32, #tpu.memory_space<hbm>>
          %dma_start3A_274 = tpu.memref_slice %run_scoped3A_9[%rem3A_265] : memref<2x!tpu.dma_semaphore, #tpu.memory_space<semaphore_mem>> -> memref<1x!tpu.dma_semaphore, #tpu.memory_space<semaphore_mem>>
          %dma_start3A_275 = tpu.memref_squeeze %dma_start3A_274 : memref<1x!tpu.dma_semaphore, #tpu.memory_space<semaphore_mem>> -> memref<!tpu.dma_semaphore, #tpu.memory_space<semaphore_mem>>
          %dma_start3A_276 = arith.constant 0 : i32
          %dma_start3A_277 = tpu.memref_slice %arg4[%mul3A_267, %dma_start3A_276] : memref<16384x256xf32, #tpu.memory_space<hbm>> -> memref<128x256xf32, #tpu.memory_space<hbm>>
          %dma_start3A_278 = arith.constant 0 : i32
          %dma_start3A_279 = arith.constant 0 : i32
          %dma_start3A_280 = tpu.memref_slice %run_scoped3A_8[%rem3A_265, %dma_start3A_278, %dma_start3A_279] : memref<2x128x256xf32, #tpu.memory_space<vmem>> -> memref<1x128x256xf32, #tpu.memory_space<vmem>>
          %dma_start3A_281 = tpu.memref_squeeze %dma_start3A_280 : memref<1x128x256xf32, #tpu.memory_space<vmem>> -> memref<128x256xf32, #tpu.memory_space<vmem>>
          tpu.enqueue_dma source(%dma_start3A_281 : memref<128x256xf32, #tpu.memory_space<vmem>>) target(%dma_start3A_277 : memref<128x256xf32, #tpu.memory_space<hbm>>) target_semaphore(%dma_start3A_275 : memref<!tpu.dma_semaphore, #tpu.memory_space<semaphore_mem>>)
          "tpu.trace_stop"() : () -> ()
        } else {
        }
        %and3A_217 = arith.constant true
        %and3A_218 = arith.andi %or3A_213, %and3A_217 : i1
        %add3A_219 = arith.constant 1 : i32
        %add3A_220 = arith.addi %scan3A_124, %add3A_219 : i32
        %select_n3A_221 = arith.select %and3A_218, %add3A_220, %scan3A_124 : i32
        %ne3A_222 = arith.cmpi ne, %add3A_131, %add3A_140 : i32
        %or3A_223 = arith.constant false
        %or3A_224 = arith.ori %or3A_223, %ne3A_222 : i1
        %not3A_225 = arith.constant true
        %not3A_226 = arith.xori %eq3A_128, %not3A_225 : i1
        %and3A_227 = arith.andi %or3A_224, %not3A_226 : i1
        %convert_element_type3A_228 = arith.extui %and3A_227 : i1 to i32
        %cond3A_229 = arith.constant 0 : i32
        %cond3A_230 = arith.cmpi ne, %convert_element_type3A_228, %cond3A_229 : i32
        scf.if %cond3A_230 {
        } else {
        }
        %and3A_231 = arith.constant false
        %and3A_232 = arith.andi %and3A_227, %and3A_231 : i1
        %ne3A_233 = arith.cmpi ne, %add3A_131, %add3A_140 : i32
        %or3A_234 = arith.constant false
        %or3A_235 = arith.ori %or3A_234, %ne3A_233 : i1
        %or3A_236 = arith.constant false
        %or3A_237 = arith.ori %or3A_235, %or3A_236 : i1
        %not3A_238 = arith.constant true
        %not3A_239 = arith.xori %eq3A_128, %not3A_238 : i1
        %and3A_240 = arith.andi %or3A_237, %not3A_239 : i1
        %convert_element_type3A_241 = arith.extui %and3A_240 : i1 to i32
        %cond3A_242 = arith.constant 0 : i32
        %cond3A_243 = arith.cmpi ne, %convert_element_type3A_241, %cond3A_242 : i32
        scf.if %cond3A_243 {
          "tpu.trace_start"() <{level = 10 : i32, message = "ep_wait_out"}> : () -> ()
          %rem3A_264 = arith.constant 2 : i32
          %rem3A_265 = arith.remui %scan3A_125, %rem3A_264 : i32
          %mul3A_266 = arith.constant 128 : i32
          %mul3A_267 = arith.muli %mul3A_266, %add3A_140 : i32
          %dma_wait3A_268 = arith.constant 0 : i32
          %dma_wait3A_269 = arith.constant 0 : i32
          %dma_wait3A_270 = tpu.memref_slice %run_scoped3A_8[%rem3A_265, %dma_wait3A_268, %dma_wait3A_269] : memref<2x128x256xf32, #tpu.memory_space<vmem>> -> memref<1x128x256xf32, #tpu.memory_space<vmem>>
          %dma_wait3A_271 = tpu.memref_squeeze %dma_wait3A_270 : memref<1x128x256xf32, #tpu.memory_space<vmem>> -> memref<128x256xf32, #tpu.memory_space<vmem>>
          %dma_wait3A_272 = arith.constant 0 : i32
          %dma_wait3A_273 = tpu.memref_slice %arg4[%mul3A_267, %dma_wait3A_272] : memref<16384x256xf32, #tpu.memory_space<hbm>> -> memref<128x256xf32, #tpu.memory_space<hbm>>
          %dma_wait3A_274 = tpu.memref_slice %run_scoped3A_9[%rem3A_265] : memref<2x!tpu.dma_semaphore, #tpu.memory_space<semaphore_mem>> -> memref<1x!tpu.dma_semaphore, #tpu.memory_space<semaphore_mem>>
          %dma_wait3A_275 = tpu.memref_squeeze %dma_wait3A_274 : memref<1x!tpu.dma_semaphore, #tpu.memory_space<semaphore_mem>> -> memref<!tpu.dma_semaphore, #tpu.memory_space<semaphore_mem>>
          %dma_wait3A_276 = arith.constant 0 : i32
          %dma_wait3A_277 = tpu.memref_slice %arg4[%mul3A_267, %dma_wait3A_276] : memref<16384x256xf32, #tpu.memory_space<hbm>> -> memref<128x256xf32, #tpu.memory_space<hbm>>
          %dma_wait3A_278 = arith.constant 0 : i32
          %dma_wait3A_279 = arith.constant 0 : i32
          %dma_wait3A_280 = tpu.memref_slice %run_scoped3A_8[%rem3A_265, %dma_wait3A_278, %dma_wait3A_279] : memref<2x128x256xf32, #tpu.memory_space<vmem>> -> memref<1x128x256xf32, #tpu.memory_space<vmem>>
          %dma_wait3A_281 = tpu.memref_squeeze %dma_wait3A_280 : memref<1x128x256xf32, #tpu.memory_space<vmem>> -> memref<128x256xf32, #tpu.memory_space<vmem>>
          tpu.wait_dma2 semaphore(%dma_wait3A_275 : memref<!tpu.dma_semaphore, #tpu.memory_space<semaphore_mem>>) src(%dma_wait3A_281 : memref<128x256xf32, #tpu.memory_space<vmem>>) dst(%dma_wait3A_277 : memref<128x256xf32, #tpu.memory_space<hbm>>)
          "tpu.trace_stop"() : () -> ()
        } else {
        }
        %and3A_244 = arith.constant true
        %and3A_245 = arith.andi %and3A_240, %and3A_244 : i1
        %add3A_246 = arith.constant 1 : i32
        %add3A_247 = arith.addi %scan3A_125, %add3A_246 : i32
        %select_n3A_248 = arith.select %and3A_245, %add3A_247, %scan3A_125 : i32
        %ne3A_249 = arith.cmpi ne, %add3A_131, %add3A_149 : i32
        %or3A_250 = arith.constant false
        %or3A_251 = arith.ori %or3A_250, %ne3A_249 : i1
        %or3A_252 = arith.ori %or3A_251, %eq3A_130 : i1
        %add3A_253 = arith.constant 1 : i32
        %add3A_254 = arith.addi %scan3A_123, %add3A_253 : i32
        %select_n3A_255 = arith.select %or3A_252, %add3A_254, %scan3A_123 : i32
        %add3A_256 = arith.constant 1 : i32
        %add3A_257 = arith.addi %scan3A_126, %add3A_256 : i32
        %select_n3A_258 = arith.constant true
        %select_n3A_259 = arith.select %select_n3A_258, %add3A_257, %scan3A_126 : i32
        %eq3A_260 = arith.constant 4 : i32
        %eq3A_261 = arith.cmpi eq, %select_n3A_259, %eq3A_260 : i32
        %select_n3A_262 = arith.constant 0 : i32
        %select_n3A_263 = arith.select %eq3A_261, %select_n3A_262, %select_n3A_259 : i32
        scf.yield %select_n3A_167, %select_n3A_255, %select_n3A_221, %select_n3A_248, %select_n3A_263 : i32, i32, i32, i32, i32
      }
      %scan3A_68 = arith.constant 4 : i32
      %sub3A = arith.constant 1 : i32
      %sub3A_69 = arith.subi %scan3A_67#4, %sub3A : i32
      %select_n3A_70 = arith.constant true
      %select_n3A_71 = arith.select %select_n3A_70, %sub3A_69, %scan3A_67#4 : i32
      %eq3A_72 = arith.constant -1 : i32
      %eq3A_73 = arith.cmpi eq, %select_n3A_71, %eq3A_72 : i32
      %select_n3A_74 = arith.constant 3 : i32
      %select_n3A_75 = arith.select %eq3A_73, %select_n3A_74, %select_n3A_71 : i32
      %add3A_76 = arith.addi %select_n3A_75, %mul3A_6 : i32
      %sub3A_77 = arith.constant 1 : i32
      %sub3A_78 = arith.subi %select_n3A_75, %sub3A_77 : i32
      %select_n3A_79 = arith.constant true
      %select_n3A_80 = arith.select %select_n3A_79, %sub3A_78, %select_n3A_75 : i32
      %eq3A_81 = arith.constant -1 : i32
      %eq3A_82 = arith.cmpi eq, %select_n3A_80, %eq3A_81 : i32
      %select_n3A_83 = arith.constant 3 : i32
      %select_n3A_84 = arith.select %eq3A_82, %select_n3A_83, %select_n3A_80 : i32
      %add3A_85 = arith.addi %select_n3A_84, %mul3A_6 : i32
      %add3A_86 = arith.constant 1 : i32
      %add3A_87 = arith.addi %select_n3A_75, %add3A_86 : i32
      %select_n3A_88 = arith.constant true
      %select_n3A_89 = arith.select %select_n3A_88, %add3A_87, %select_n3A_75 : i32
      %eq3A_90 = arith.constant 4 : i32
      %eq3A_91 = arith.cmpi eq, %select_n3A_89, %eq3A_90 : i32
      %select_n3A_92 = arith.constant 0 : i32
      %select_n3A_93 = arith.select %eq3A_91, %select_n3A_92, %select_n3A_89 : i32
      %add3A_94 = arith.addi %select_n3A_93, %mul3A_6 : i32
      %add3A_95 = arith.constant 1 : i32
      %add3A_96 = arith.addi %select_n3A_93, %add3A_95 : i32
      %select_n3A_97 = arith.constant true
      %select_n3A_98 = arith.select %select_n3A_97, %add3A_96, %select_n3A_93 : i32
      %eq3A_99 = arith.constant 4 : i32
      %eq3A_100 = arith.cmpi eq, %select_n3A_98, %eq3A_99 : i32
      %select_n3A_101 = arith.constant 0 : i32
      %select_n3A_102 = arith.select %eq3A_100, %select_n3A_101, %select_n3A_98 : i32
      %add3A_103 = arith.addi %select_n3A_102, %mul3A_6 : i32
      "tpu.trace_start"() <{level = 10 : i32, message = "ep_finalize"}> : () -> ()
      %rem3A_104 = arith.constant 2 : i32
      %rem3A_105 = arith.remui %scan3A_67#3, %rem3A_104 : i32
      %mul3A_106 = arith.constant 128 : i32
      %mul3A_107 = arith.muli %mul3A_106, %add3A_76 : i32
      %dma_wait3A = arith.constant 0 : i32
      %dma_wait3A_108 = arith.constant 0 : i32
      %dma_wait3A_109 = tpu.memref_slice %run_scoped3A_8[%rem3A_105, %dma_wait3A, %dma_wait3A_108] : memref<2x128x256xf32, #tpu.memory_space<vmem>> -> memref<1x128x256xf32, #tpu.memory_space<vmem>>
      %dma_wait3A_110 = tpu.memref_squeeze %dma_wait3A_109 : memref<1x128x256xf32, #tpu.memory_space<vmem>> -> memref<128x256xf32, #tpu.memory_space<vmem>>
      %dma_wait3A_111 = arith.constant 0 : i32
      %dma_wait3A_112 = tpu.memref_slice %arg4[%mul3A_107, %dma_wait3A_111] : memref<16384x256xf32, #tpu.memory_space<hbm>> -> memref<128x256xf32, #tpu.memory_space<hbm>>
      %dma_wait3A_113 = tpu.memref_slice %run_scoped3A_9[%rem3A_105] : memref<2x!tpu.dma_semaphore, #tpu.memory_space<semaphore_mem>> -> memref<1x!tpu.dma_semaphore, #tpu.memory_space<semaphore_mem>>
      %dma_wait3A_114 = tpu.memref_squeeze %dma_wait3A_113 : memref<1x!tpu.dma_semaphore, #tpu.memory_space<semaphore_mem>> -> memref<!tpu.dma_semaphore, #tpu.memory_space<semaphore_mem>>
      %dma_wait3A_115 = arith.constant 0 : i32
      %dma_wait3A_116 = tpu.memref_slice %arg4[%mul3A_107, %dma_wait3A_115] : memref<16384x256xf32, #tpu.memory_space<hbm>> -> memref<128x256xf32, #tpu.memory_space<hbm>>
      %dma_wait3A_117 = arith.constant 0 : i32
      %dma_wait3A_118 = arith.constant 0 : i32
      %dma_wait3A_119 = tpu.memref_slice %run_scoped3A_8[%rem3A_105, %dma_wait3A_117, %dma_wait3A_118] : memref<2x128x256xf32, #tpu.memory_space<vmem>> -> memref<1x128x256xf32, #tpu.memory_space<vmem>>
      %dma_wait3A_120 = tpu.memref_squeeze %dma_wait3A_119 : memref<1x128x256xf32, #tpu.memory_space<vmem>> -> memref<128x256xf32, #tpu.memory_space<vmem>>
      tpu.wait_dma2 semaphore(%dma_wait3A_114 : memref<!tpu.dma_semaphore, #tpu.memory_space<semaphore_mem>>) src(%dma_wait3A_120 : memref<128x256xf32, #tpu.memory_space<vmem>>) dst(%dma_wait3A_116 : memref<128x256xf32, #tpu.memory_space<hbm>>)
      "tpu.trace_stop"() : () -> ()
      tpu.yield
    }) : () -> ()
    return
  }
}

module attributes {stable_mosaic.version = 14 : i64} {
  func.func @_topk_body(%arg0: i32, %arg1: i32, %arg2: memref<1x4096x128xf32, #tpu.memory_space<vmem>>, %arg3: memref<256x128xf32, #tpu.memory_space<vmem>>, %arg4: memref<256x128xf32, #tpu.memory_space<vmem>>, %arg5: memref<256x16x256xf32, #tpu.memory_space<vmem>>, %arg6: memref<1x256x8xf32, #tpu.memory_space<vmem>>, %arg7: memref<1x256x8xf32, #tpu.memory_space<vmem>>) attributes {dimension_semantics = [#tpu.dimension_semantics<arbitrary>, #tpu.dimension_semantics<arbitrary>], iteration_bounds = array<i64: 4, 4>, scalar_prefetch = 0 : i64, scratch_operands = 0 : i64, tpu.core_type = #tpu.core_type<tc>, window_params = [{transform_indices = @transform_0, window_bounds = array<i64: 1, 4096, 128>}, {transform_indices = @transform_1, window_bounds = array<i64: 256, 128>}, {transform_indices = @transform_2, window_bounds = array<i64: 256, 128>}, {transform_indices = @transform_3, window_bounds = array<i64: 256, 16, 256>}, {transform_indices = @transform_4, window_bounds = array<i64: 1, 256, 8>}, {transform_indices = @transform_5, window_bounds = array<i64: 1, 256, 8>}]} {
    %get3A = arith.constant 0 : index
    %get3A_0 = arith.constant 0 : index
    %get3A_1 = arith.constant 0 : index
    %get3A_2 = vector.load %arg2[%get3A, %get3A_0, %get3A_1] : memref<1x4096x128xf32, #tpu.memory_space<vmem>>, vector<1x4096x128xf32>
    %get3A_3 = vector.shape_cast %get3A_2 : vector<1x4096x128xf32> to vector<4096x128xf32>
    %get3A_4 = arith.constant 0 : index
    %get3A_5 = arith.constant 0 : index
    %get3A_6 = vector.load %arg3[%get3A_4, %get3A_5] : memref<256x128xf32, #tpu.memory_space<vmem>>, vector<256x128xf32>
    %get3A_7 = arith.constant 0 : index
    %get3A_8 = arith.constant 0 : index
    %get3A_9 = vector.load %arg4[%get3A_7, %get3A_8] : memref<256x128xf32, #tpu.memory_space<vmem>>, vector<256x128xf32>
    %get3A_10 = arith.constant 0 : index
    %get3A_11 = arith.constant 0 : index
    %get3A_12 = arith.constant 0 : index
    %get3A_13 = vector.load %arg5[%get3A_10, %get3A_11, %get3A_12] : memref<256x16x256xf32, #tpu.memory_space<vmem>>, vector<256x16x256xf32>
    %dot_general3A = arith.constant dense<0.000000e+00> : vector<256x4096xf32>
    %dot_general3A_14 = tpu.matmul %get3A_6, %get3A_3, %dot_general3A {dimension_numbers = #tpu.dot_dimension_numbers<[1], [1], [0], [0], [0, 0, 1, 0], [], []>, transpose_lhs_hint = false} : vector<256x128xf32>, vector<4096x128xf32>, vector<256x4096xf32> -> vector<256x4096xf32>
    %broadcast_in_dim3A = arith.constant 1.000000e+00 : f32
    %broadcast_in_dim3A_15 = vector.broadcast %broadcast_in_dim3A : f32 to vector<1x128xf32>
    %mul3A = arith.mulf %get3A_3, %get3A_3 : vector<4096x128xf32>
    %dot_general3A_16 = arith.constant dense<0.000000e+00> : vector<1x4096xf32>
    %dot_general3A_17 = tpu.matmul %broadcast_in_dim3A_15, %mul3A, %dot_general3A_16 {dimension_numbers = #tpu.dot_dimension_numbers<[1], [1], [0], [0], [0, 0, 1, 0], [], []>, transpose_lhs_hint = false} : vector<1x128xf32>, vector<4096x128xf32>, vector<1x4096xf32> -> vector<1x4096xf32>
    %mul3A_18 = arith.mulf %get3A_6, %get3A_6 : vector<256x128xf32>
    %reduce_sum3A = arith.constant dense<0.000000e+00> : vector<256xf32>
    %reduce_sum3A_19 = vector.multi_reduction <add>, %mul3A_18, %reduce_sum3A [1] : vector<256x128xf32> to vector<256xf32>
    %broadcast_in_dim3A_20 = vector.shape_cast %reduce_sum3A_19 : vector<256xf32> to vector<256x1xf32>
    %mul3A_21 = arith.mulf %get3A_6, %get3A_9 : vector<256x128xf32>
    %reduce_sum3A_22 = arith.constant dense<0.000000e+00> : vector<256xf32>
    %reduce_sum3A_23 = vector.multi_reduction <add>, %mul3A_21, %reduce_sum3A_22 [1] : vector<256x128xf32> to vector<256xf32>
    %broadcast_in_dim3A_24 = vector.shape_cast %reduce_sum3A_23 : vector<256xf32> to vector<256x1xf32>
    %mul3A_25 = arith.constant 2.000000e+00 : f32
    %mul3A_26 = vector.broadcast %mul3A_25 : f32 to vector<256x4096xf32>
    %mul3A_27 = arith.mulf %mul3A_26, %dot_general3A_14 : vector<256x4096xf32>
    %sub3A = vector.broadcast %dot_general3A_17 : vector<1x4096xf32> to vector<256x4096xf32>
    %sub3A_28 = arith.subf %sub3A, %mul3A_27 : vector<256x4096xf32>
    %slice3A = vector.extract_strided_slice %sub3A_28 {offsets = [0, 0], sizes = [256, 256], strides = [1, 1]} : vector<256x4096xf32> to vector<256x256xf32>
    %broadcast_in_dim3A_29 = arith.constant 0x7F800000 : f32
    %broadcast_in_dim3A_30 = vector.broadcast %broadcast_in_dim3A_29 : f32 to vector<256x256xf32>
    %slice3A_31 = vector.extract_strided_slice %sub3A_28 {offsets = [0, 256], sizes = [256, 256], strides = [1, 1]} : vector<256x4096xf32> to vector<256x256xf32>
    %max3A = arith.maximumf %slice3A, %slice3A_31 : vector<256x256xf32>
    %min3A = arith.minimumf %broadcast_in_dim3A_30, %max3A : vector<256x256xf32>
    %min3A_32 = arith.minimumf %slice3A, %slice3A_31 : vector<256x256xf32>
    %slice3A_33 = vector.extract_strided_slice %sub3A_28 {offsets = [0, 512], sizes = [256, 256], strides = [1, 1]} : vector<256x4096xf32> to vector<256x256xf32>
    %max3A_34 = arith.maximumf %min3A_32, %slice3A_33 : vector<256x256xf32>
    %min3A_35 = arith.minimumf %min3A, %max3A_34 : vector<256x256xf32>
    %min3A_36 = arith.minimumf %min3A_32, %slice3A_33 : vector<256x256xf32>
    %slice3A_37 = vector.extract_strided_slice %sub3A_28 {offsets = [0, 768], sizes = [256, 256], strides = [1, 1]} : vector<256x4096xf32> to vector<256x256xf32>
    %max3A_38 = arith.maximumf %min3A_36, %slice3A_37 : vector<256x256xf32>
    %min3A_39 = arith.minimumf %min3A_35, %max3A_38 : vector<256x256xf32>
    %min3A_40 = arith.minimumf %min3A_36, %slice3A_37 : vector<256x256xf32>
    %slice3A_41 = vector.extract_strided_slice %sub3A_28 {offsets = [0, 1024], sizes = [256, 256], strides = [1, 1]} : vector<256x4096xf32> to vector<256x256xf32>
    %max3A_42 = arith.maximumf %min3A_40, %slice3A_41 : vector<256x256xf32>
    %min3A_43 = arith.minimumf %min3A_39, %max3A_42 : vector<256x256xf32>
    %min3A_44 = arith.minimumf %min3A_40, %slice3A_41 : vector<256x256xf32>
    %slice3A_45 = vector.extract_strided_slice %sub3A_28 {offsets = [0, 1280], sizes = [256, 256], strides = [1, 1]} : vector<256x4096xf32> to vector<256x256xf32>
    %max3A_46 = arith.maximumf %min3A_44, %slice3A_45 : vector<256x256xf32>
    %min3A_47 = arith.minimumf %min3A_43, %max3A_46 : vector<256x256xf32>
    %min3A_48 = arith.minimumf %min3A_44, %slice3A_45 : vector<256x256xf32>
    %slice3A_49 = vector.extract_strided_slice %sub3A_28 {offsets = [0, 1536], sizes = [256, 256], strides = [1, 1]} : vector<256x4096xf32> to vector<256x256xf32>
    %max3A_50 = arith.maximumf %min3A_48, %slice3A_49 : vector<256x256xf32>
    %min3A_51 = arith.minimumf %min3A_47, %max3A_50 : vector<256x256xf32>
    %min3A_52 = arith.minimumf %min3A_48, %slice3A_49 : vector<256x256xf32>
    %slice3A_53 = vector.extract_strided_slice %sub3A_28 {offsets = [0, 1792], sizes = [256, 256], strides = [1, 1]} : vector<256x4096xf32> to vector<256x256xf32>
    %max3A_54 = arith.maximumf %min3A_52, %slice3A_53 : vector<256x256xf32>
    %min3A_55 = arith.minimumf %min3A_51, %max3A_54 : vector<256x256xf32>
    %min3A_56 = arith.minimumf %min3A_52, %slice3A_53 : vector<256x256xf32>
    %slice3A_57 = vector.extract_strided_slice %sub3A_28 {offsets = [0, 2048], sizes = [256, 256], strides = [1, 1]} : vector<256x4096xf32> to vector<256x256xf32>
    %max3A_58 = arith.maximumf %min3A_56, %slice3A_57 : vector<256x256xf32>
    %min3A_59 = arith.minimumf %min3A_55, %max3A_58 : vector<256x256xf32>
    %min3A_60 = arith.minimumf %min3A_56, %slice3A_57 : vector<256x256xf32>
    %slice3A_61 = vector.extract_strided_slice %sub3A_28 {offsets = [0, 2304], sizes = [256, 256], strides = [1, 1]} : vector<256x4096xf32> to vector<256x256xf32>
    %max3A_62 = arith.maximumf %min3A_60, %slice3A_61 : vector<256x256xf32>
    %min3A_63 = arith.minimumf %min3A_59, %max3A_62 : vector<256x256xf32>
    %min3A_64 = arith.minimumf %min3A_60, %slice3A_61 : vector<256x256xf32>
    %slice3A_65 = vector.extract_strided_slice %sub3A_28 {offsets = [0, 2560], sizes = [256, 256], strides = [1, 1]} : vector<256x4096xf32> to vector<256x256xf32>
    %max3A_66 = arith.maximumf %min3A_64, %slice3A_65 : vector<256x256xf32>
    %min3A_67 = arith.minimumf %min3A_63, %max3A_66 : vector<256x256xf32>
    %min3A_68 = arith.minimumf %min3A_64, %slice3A_65 : vector<256x256xf32>
    %slice3A_69 = vector.extract_strided_slice %sub3A_28 {offsets = [0, 2816], sizes = [256, 256], strides = [1, 1]} : vector<256x4096xf32> to vector<256x256xf32>
    %max3A_70 = arith.maximumf %min3A_68, %slice3A_69 : vector<256x256xf32>
    %min3A_71 = arith.minimumf %min3A_67, %max3A_70 : vector<256x256xf32>
    %min3A_72 = arith.minimumf %min3A_68, %slice3A_69 : vector<256x256xf32>
    %slice3A_73 = vector.extract_strided_slice %sub3A_28 {offsets = [0, 3072], sizes = [256, 256], strides = [1, 1]} : vector<256x4096xf32> to vector<256x256xf32>
    %max3A_74 = arith.maximumf %min3A_72, %slice3A_73 : vector<256x256xf32>
    %min3A_75 = arith.minimumf %min3A_71, %max3A_74 : vector<256x256xf32>
    %min3A_76 = arith.minimumf %min3A_72, %slice3A_73 : vector<256x256xf32>
    %slice3A_77 = vector.extract_strided_slice %sub3A_28 {offsets = [0, 3328], sizes = [256, 256], strides = [1, 1]} : vector<256x4096xf32> to vector<256x256xf32>
    %max3A_78 = arith.maximumf %min3A_76, %slice3A_77 : vector<256x256xf32>
    %min3A_79 = arith.minimumf %min3A_75, %max3A_78 : vector<256x256xf32>
    %min3A_80 = arith.minimumf %min3A_76, %slice3A_77 : vector<256x256xf32>
    %slice3A_81 = vector.extract_strided_slice %sub3A_28 {offsets = [0, 3584], sizes = [256, 256], strides = [1, 1]} : vector<256x4096xf32> to vector<256x256xf32>
    %max3A_82 = arith.maximumf %min3A_80, %slice3A_81 : vector<256x256xf32>
    %min3A_83 = arith.minimumf %min3A_79, %max3A_82 : vector<256x256xf32>
    %min3A_84 = arith.minimumf %min3A_80, %slice3A_81 : vector<256x256xf32>
    %slice3A_85 = vector.extract_strided_slice %sub3A_28 {offsets = [0, 3840], sizes = [256, 256], strides = [1, 1]} : vector<256x4096xf32> to vector<256x256xf32>
    %max3A_86 = arith.maximumf %min3A_84, %slice3A_85 : vector<256x256xf32>
    %min3A_87 = arith.minimumf %min3A_83, %max3A_86 : vector<256x256xf32>
    %min3A_88 = arith.minimumf %min3A_84, %slice3A_85 : vector<256x256xf32>
    %concatenate3A = tpu.concatenate %min3A_88, %min3A_87 in 1 : vector<256x256xf32>, vector<256x256xf32> -> vector<256x512xf32>
    %reduce_min3A = arith.constant dense<0x7F800000> : vector<256xf32>
    %reduce_min3A_89 = vector.multi_reduction <minimumf>, %concatenate3A, %reduce_min3A [1] : vector<256x512xf32> to vector<256xf32>
    %broadcast_in_dim3A_90 = vector.shape_cast %reduce_min3A_89 : vector<256xf32> to vector<256x1xf32>
    %gt3A = vector.broadcast %broadcast_in_dim3A_90 : vector<256x1xf32> to vector<256x512xf32>
    %gt3A_91 = arith.cmpf ogt, %concatenate3A, %gt3A : vector<256x512xf32>
    %jit3A = arith.constant 0x7F800000 : f32
    %broadcast_in_dim3A_92 = vector.broadcast %jit3A : f32 to vector<256x512xf32>
    %select_n3A = arith.select %gt3A_91, %concatenate3A, %broadcast_in_dim3A_92 : vector<256x512xi1>, vector<256x512xf32>
    %reduce_min3A_93 = arith.constant dense<0x7F800000> : vector<256xf32>
    %reduce_min3A_94 = vector.multi_reduction <minimumf>, %select_n3A, %reduce_min3A_93 [1] : vector<256x512xf32> to vector<256xf32>
    %broadcast_in_dim3A_95 = vector.shape_cast %reduce_min3A_94 : vector<256xf32> to vector<256x1xf32>
    %gt3A_96 = vector.broadcast %broadcast_in_dim3A_95 : vector<256x1xf32> to vector<256x512xf32>
    %gt3A_97 = arith.cmpf ogt, %concatenate3A, %gt3A_96 : vector<256x512xf32>
    %jit3A_98 = arith.constant 0x7F800000 : f32
    %broadcast_in_dim3A_99 = vector.broadcast %jit3A_98 : f32 to vector<256x512xf32>
    %select_n3A_100 = arith.select %gt3A_97, %concatenate3A, %broadcast_in_dim3A_99 : vector<256x512xi1>, vector<256x512xf32>
    %reduce_min3A_101 = arith.constant dense<0x7F800000> : vector<256xf32>
    %reduce_min3A_102 = vector.multi_reduction <minimumf>, %select_n3A_100, %reduce_min3A_101 [1] : vector<256x512xf32> to vector<256xf32>
    %broadcast_in_dim3A_103 = vector.shape_cast %reduce_min3A_102 : vector<256xf32> to vector<256x1xf32>
    %gt3A_104 = vector.broadcast %broadcast_in_dim3A_103 : vector<256x1xf32> to vector<256x512xf32>
    %gt3A_105 = arith.cmpf ogt, %concatenate3A, %gt3A_104 : vector<256x512xf32>
    %jit3A_106 = arith.constant 0x7F800000 : f32
    %broadcast_in_dim3A_107 = vector.broadcast %jit3A_106 : f32 to vector<256x512xf32>
    %select_n3A_108 = arith.select %gt3A_105, %concatenate3A, %broadcast_in_dim3A_107 : vector<256x512xi1>, vector<256x512xf32>
    %reduce_min3A_109 = arith.constant dense<0x7F800000> : vector<256xf32>
    %reduce_min3A_110 = vector.multi_reduction <minimumf>, %select_n3A_108, %reduce_min3A_109 [1] : vector<256x512xf32> to vector<256xf32>
    %broadcast_in_dim3A_111 = vector.shape_cast %reduce_min3A_110 : vector<256xf32> to vector<256x1xf32>
    %gt3A_112 = vector.broadcast %broadcast_in_dim3A_111 : vector<256x1xf32> to vector<256x512xf32>
    %gt3A_113 = arith.cmpf ogt, %concatenate3A, %gt3A_112 : vector<256x512xf32>
    %jit3A_114 = arith.constant 0x7F800000 : f32
    %broadcast_in_dim3A_115 = vector.broadcast %jit3A_114 : f32 to vector<256x512xf32>
    %select_n3A_116 = arith.select %gt3A_113, %concatenate3A, %broadcast_in_dim3A_115 : vector<256x512xi1>, vector<256x512xf32>
    %reduce_min3A_117 = arith.constant dense<0x7F800000> : vector<256xf32>
    %reduce_min3A_118 = vector.multi_reduction <minimumf>, %select_n3A_116, %reduce_min3A_117 [1] : vector<256x512xf32> to vector<256xf32>
    %broadcast_in_dim3A_119 = vector.shape_cast %reduce_min3A_118 : vector<256xf32> to vector<256x1xf32>
    %gt3A_120 = vector.broadcast %broadcast_in_dim3A_119 : vector<256x1xf32> to vector<256x512xf32>
    %gt3A_121 = arith.cmpf ogt, %concatenate3A, %gt3A_120 : vector<256x512xf32>
    %jit3A_122 = arith.constant 0x7F800000 : f32
    %broadcast_in_dim3A_123 = vector.broadcast %jit3A_122 : f32 to vector<256x512xf32>
    %select_n3A_124 = arith.select %gt3A_121, %concatenate3A, %broadcast_in_dim3A_123 : vector<256x512xi1>, vector<256x512xf32>
    %reduce_min3A_125 = arith.constant dense<0x7F800000> : vector<256xf32>
    %reduce_min3A_126 = vector.multi_reduction <minimumf>, %select_n3A_124, %reduce_min3A_125 [1] : vector<256x512xf32> to vector<256xf32>
    %broadcast_in_dim3A_127 = vector.shape_cast %reduce_min3A_126 : vector<256xf32> to vector<256x1xf32>
    %gt3A_128 = vector.broadcast %broadcast_in_dim3A_127 : vector<256x1xf32> to vector<256x512xf32>
    %gt3A_129 = arith.cmpf ogt, %concatenate3A, %gt3A_128 : vector<256x512xf32>
    %jit3A_130 = arith.constant 0x7F800000 : f32
    %broadcast_in_dim3A_131 = vector.broadcast %jit3A_130 : f32 to vector<256x512xf32>
    %select_n3A_132 = arith.select %gt3A_129, %concatenate3A, %broadcast_in_dim3A_131 : vector<256x512xi1>, vector<256x512xf32>
    %reduce_min3A_133 = arith.constant dense<0x7F800000> : vector<256xf32>
    %reduce_min3A_134 = vector.multi_reduction <minimumf>, %select_n3A_132, %reduce_min3A_133 [1] : vector<256x512xf32> to vector<256xf32>
    %broadcast_in_dim3A_135 = vector.shape_cast %reduce_min3A_134 : vector<256xf32> to vector<256x1xf32>
    %gt3A_136 = vector.broadcast %broadcast_in_dim3A_135 : vector<256x1xf32> to vector<256x512xf32>
    %gt3A_137 = arith.cmpf ogt, %concatenate3A, %gt3A_136 : vector<256x512xf32>
    %jit3A_138 = arith.constant 0x7F800000 : f32
    %broadcast_in_dim3A_139 = vector.broadcast %jit3A_138 : f32 to vector<256x512xf32>
    %select_n3A_140 = arith.select %gt3A_137, %concatenate3A, %broadcast_in_dim3A_139 : vector<256x512xi1>, vector<256x512xf32>
    %reduce_min3A_141 = arith.constant dense<0x7F800000> : vector<256xf32>
    %reduce_min3A_142 = vector.multi_reduction <minimumf>, %select_n3A_140, %reduce_min3A_141 [1] : vector<256x512xf32> to vector<256xf32>
    %broadcast_in_dim3A_143 = vector.shape_cast %reduce_min3A_142 : vector<256xf32> to vector<256x1xf32>
    %gt3A_144 = vector.broadcast %broadcast_in_dim3A_143 : vector<256x1xf32> to vector<256x512xf32>
    %gt3A_145 = arith.cmpf ogt, %concatenate3A, %gt3A_144 : vector<256x512xf32>
    %jit3A_146 = arith.constant 0x7F800000 : f32
    %broadcast_in_dim3A_147 = vector.broadcast %jit3A_146 : f32 to vector<256x512xf32>
    %select_n3A_148 = arith.select %gt3A_145, %concatenate3A, %broadcast_in_dim3A_147 : vector<256x512xi1>, vector<256x512xf32>
    %reduce_min3A_149 = arith.constant dense<0x7F800000> : vector<256xf32>
    %reduce_min3A_150 = vector.multi_reduction <minimumf>, %select_n3A_148, %reduce_min3A_149 [1] : vector<256x512xf32> to vector<256xf32>
    %broadcast_in_dim3A_151 = vector.shape_cast %reduce_min3A_150 : vector<256xf32> to vector<256x1xf32>
    %ge3A = vector.broadcast %broadcast_in_dim3A_95 : vector<256x1xf32> to vector<256x4096xf32>
    %ge3A_152 = arith.cmpf oge, %sub3A_28, %ge3A : vector<256x4096xf32>
    %le3A = vector.broadcast %broadcast_in_dim3A_151 : vector<256x1xf32> to vector<256x4096xf32>
    %le3A_153 = arith.cmpf ole, %sub3A_28, %le3A : vector<256x4096xf32>
    %and3A = arith.andi %ge3A_152, %le3A_153 : vector<256x4096xi1>
    %add3A = vector.broadcast %broadcast_in_dim3A_20 : vector<256x1xf32> to vector<256x4096xf32>
    %add3A_154 = arith.addf %sub3A_28, %add3A : vector<256x4096xf32>
    %max3A_155 = arith.constant 0.000000e+00 : f32
    %max3A_156 = vector.broadcast %max3A_155 : f32 to vector<256x4096xf32>
    %max3A_157 = arith.maximumf %add3A_154, %max3A_156 : vector<256x4096xf32>
    %sqrt3A = math.sqrt %max3A_157 : vector<256x4096xf32>
    %neg3A = arith.constant 0.000000e+00 : f32
    %neg3A_158 = vector.broadcast %neg3A : f32 to vector<256x4096xf32>
    %neg3A_159 = arith.subf %neg3A_158, %sqrt3A : vector<256x4096xf32>
    %exp3A = math.exp %neg3A_159 : vector<256x4096xf32>
    %jit3A_160 = arith.constant 0.000000e+00 : f32
    %broadcast_in_dim3A_161 = vector.broadcast %jit3A_160 : f32 to vector<256x4096xf32>
    %select_n3A_162 = arith.select %and3A, %exp3A, %broadcast_in_dim3A_161 : vector<256x4096xi1>, vector<256x4096xf32>
    %reduce_sum3A_163 = arith.constant dense<0.000000e+00> : vector<256xf32>
    %reduce_sum3A_164 = vector.multi_reduction <add>, %select_n3A_162, %reduce_sum3A_163 [1] : vector<256x4096xf32> to vector<256xf32>
    %broadcast_in_dim3A_165 = vector.shape_cast %reduce_sum3A_164 : vector<256xf32> to vector<256x1xf32>
    %broadcast_in_dim3A_166 = arith.constant 0.000000e+00 : f32
    %broadcast_in_dim3A_167 = vector.broadcast %broadcast_in_dim3A_166 : f32 to vector<256x1xf32>
    %slice3A_168 = vector.extract_strided_slice %select_n3A_162 {offsets = [0, 0], sizes = [256, 256], strides = [1, 1]} : vector<256x4096xf32> to vector<256x256xf32>
    %slice3A_169 = vector.extract_strided_slice %get3A_13 {offsets = [0, 0, 0], sizes = [256, 1, 256], strides = [1, 1, 1]} : vector<256x16x256xf32> to vector<256x1x256xf32>
    %squeeze3A = vector.shape_cast %slice3A_169 : vector<256x1x256xf32> to vector<256x256xf32>
    %mul3A_170 = arith.mulf %slice3A_168, %squeeze3A : vector<256x256xf32>
    %reduce_sum3A_171 = arith.constant dense<0.000000e+00> : vector<256xf32>
    %reduce_sum3A_172 = vector.multi_reduction <add>, %mul3A_170, %reduce_sum3A_171 [1] : vector<256x256xf32> to vector<256xf32>
    %broadcast_in_dim3A_173 = vector.shape_cast %reduce_sum3A_172 : vector<256xf32> to vector<256x1xf32>
    %add3A_174 = arith.addf %broadcast_in_dim3A_167, %broadcast_in_dim3A_173 : vector<256x1xf32>
    %slice3A_175 = vector.extract_strided_slice %select_n3A_162 {offsets = [0, 256], sizes = [256, 256], strides = [1, 1]} : vector<256x4096xf32> to vector<256x256xf32>
    %slice3A_176 = vector.extract_strided_slice %get3A_13 {offsets = [0, 1, 0], sizes = [256, 1, 256], strides = [1, 1, 1]} : vector<256x16x256xf32> to vector<256x1x256xf32>
    %squeeze3A_177 = vector.shape_cast %slice3A_176 : vector<256x1x256xf32> to vector<256x256xf32>
    %mul3A_178 = arith.mulf %slice3A_175, %squeeze3A_177 : vector<256x256xf32>
    %reduce_sum3A_179 = arith.constant dense<0.000000e+00> : vector<256xf32>
    %reduce_sum3A_180 = vector.multi_reduction <add>, %mul3A_178, %reduce_sum3A_179 [1] : vector<256x256xf32> to vector<256xf32>
    %broadcast_in_dim3A_181 = vector.shape_cast %reduce_sum3A_180 : vector<256xf32> to vector<256x1xf32>
    %add3A_182 = arith.addf %add3A_174, %broadcast_in_dim3A_181 : vector<256x1xf32>
    %slice3A_183 = vector.extract_strided_slice %select_n3A_162 {offsets = [0, 512], sizes = [256, 256], strides = [1, 1]} : vector<256x4096xf32> to vector<256x256xf32>
    %slice3A_184 = vector.extract_strided_slice %get3A_13 {offsets = [0, 2, 0], sizes = [256, 1, 256], strides = [1, 1, 1]} : vector<256x16x256xf32> to vector<256x1x256xf32>
    %squeeze3A_185 = vector.shape_cast %slice3A_184 : vector<256x1x256xf32> to vector<256x256xf32>
    %mul3A_186 = arith.mulf %slice3A_183, %squeeze3A_185 : vector<256x256xf32>
    %reduce_sum3A_187 = arith.constant dense<0.000000e+00> : vector<256xf32>
    %reduce_sum3A_188 = vector.multi_reduction <add>, %mul3A_186, %reduce_sum3A_187 [1] : vector<256x256xf32> to vector<256xf32>
    %broadcast_in_dim3A_189 = vector.shape_cast %reduce_sum3A_188 : vector<256xf32> to vector<256x1xf32>
    %add3A_190 = arith.addf %add3A_182, %broadcast_in_dim3A_189 : vector<256x1xf32>
    %slice3A_191 = vector.extract_strided_slice %select_n3A_162 {offsets = [0, 768], sizes = [256, 256], strides = [1, 1]} : vector<256x4096xf32> to vector<256x256xf32>
    %slice3A_192 = vector.extract_strided_slice %get3A_13 {offsets = [0, 3, 0], sizes = [256, 1, 256], strides = [1, 1, 1]} : vector<256x16x256xf32> to vector<256x1x256xf32>
    %squeeze3A_193 = vector.shape_cast %slice3A_192 : vector<256x1x256xf32> to vector<256x256xf32>
    %mul3A_194 = arith.mulf %slice3A_191, %squeeze3A_193 : vector<256x256xf32>
    %reduce_sum3A_195 = arith.constant dense<0.000000e+00> : vector<256xf32>
    %reduce_sum3A_196 = vector.multi_reduction <add>, %mul3A_194, %reduce_sum3A_195 [1] : vector<256x256xf32> to vector<256xf32>
    %broadcast_in_dim3A_197 = vector.shape_cast %reduce_sum3A_196 : vector<256xf32> to vector<256x1xf32>
    %add3A_198 = arith.addf %add3A_190, %broadcast_in_dim3A_197 : vector<256x1xf32>
    %slice3A_199 = vector.extract_strided_slice %select_n3A_162 {offsets = [0, 1024], sizes = [256, 256], strides = [1, 1]} : vector<256x4096xf32> to vector<256x256xf32>
    %slice3A_200 = vector.extract_strided_slice %get3A_13 {offsets = [0, 4, 0], sizes = [256, 1, 256], strides = [1, 1, 1]} : vector<256x16x256xf32> to vector<256x1x256xf32>
    %squeeze3A_201 = vector.shape_cast %slice3A_200 : vector<256x1x256xf32> to vector<256x256xf32>
    %mul3A_202 = arith.mulf %slice3A_199, %squeeze3A_201 : vector<256x256xf32>
    %reduce_sum3A_203 = arith.constant dense<0.000000e+00> : vector<256xf32>
    %reduce_sum3A_204 = vector.multi_reduction <add>, %mul3A_202, %reduce_sum3A_203 [1] : vector<256x256xf32> to vector<256xf32>
    %broadcast_in_dim3A_205 = vector.shape_cast %reduce_sum3A_204 : vector<256xf32> to vector<256x1xf32>
    %add3A_206 = arith.addf %add3A_198, %broadcast_in_dim3A_205 : vector<256x1xf32>
    %slice3A_207 = vector.extract_strided_slice %select_n3A_162 {offsets = [0, 1280], sizes = [256, 256], strides = [1, 1]} : vector<256x4096xf32> to vector<256x256xf32>
    %slice3A_208 = vector.extract_strided_slice %get3A_13 {offsets = [0, 5, 0], sizes = [256, 1, 256], strides = [1, 1, 1]} : vector<256x16x256xf32> to vector<256x1x256xf32>
    %squeeze3A_209 = vector.shape_cast %slice3A_208 : vector<256x1x256xf32> to vector<256x256xf32>
    %mul3A_210 = arith.mulf %slice3A_207, %squeeze3A_209 : vector<256x256xf32>
    %reduce_sum3A_211 = arith.constant dense<0.000000e+00> : vector<256xf32>
    %reduce_sum3A_212 = vector.multi_reduction <add>, %mul3A_210, %reduce_sum3A_211 [1] : vector<256x256xf32> to vector<256xf32>
    %broadcast_in_dim3A_213 = vector.shape_cast %reduce_sum3A_212 : vector<256xf32> to vector<256x1xf32>
    %add3A_214 = arith.addf %add3A_206, %broadcast_in_dim3A_213 : vector<256x1xf32>
    %slice3A_215 = vector.extract_strided_slice %select_n3A_162 {offsets = [0, 1536], sizes = [256, 256], strides = [1, 1]} : vector<256x4096xf32> to vector<256x256xf32>
    %slice3A_216 = vector.extract_strided_slice %get3A_13 {offsets = [0, 6, 0], sizes = [256, 1, 256], strides = [1, 1, 1]} : vector<256x16x256xf32> to vector<256x1x256xf32>
    %squeeze3A_217 = vector.shape_cast %slice3A_216 : vector<256x1x256xf32> to vector<256x256xf32>
    %mul3A_218 = arith.mulf %slice3A_215, %squeeze3A_217 : vector<256x256xf32>
    %reduce_sum3A_219 = arith.constant dense<0.000000e+00> : vector<256xf32>
    %reduce_sum3A_220 = vector.multi_reduction <add>, %mul3A_218, %reduce_sum3A_219 [1] : vector<256x256xf32> to vector<256xf32>
    %broadcast_in_dim3A_221 = vector.shape_cast %reduce_sum3A_220 : vector<256xf32> to vector<256x1xf32>
    %add3A_222 = arith.addf %add3A_214, %broadcast_in_dim3A_221 : vector<256x1xf32>
    %slice3A_223 = vector.extract_strided_slice %select_n3A_162 {offsets = [0, 1792], sizes = [256, 256], strides = [1, 1]} : vector<256x4096xf32> to vector<256x256xf32>
    %slice3A_224 = vector.extract_strided_slice %get3A_13 {offsets = [0, 7, 0], sizes = [256, 1, 256], strides = [1, 1, 1]} : vector<256x16x256xf32> to vector<256x1x256xf32>
    %squeeze3A_225 = vector.shape_cast %slice3A_224 : vector<256x1x256xf32> to vector<256x256xf32>
    %mul3A_226 = arith.mulf %slice3A_223, %squeeze3A_225 : vector<256x256xf32>
    %reduce_sum3A_227 = arith.constant dense<0.000000e+00> : vector<256xf32>
    %reduce_sum3A_228 = vector.multi_reduction <add>, %mul3A_226, %reduce_sum3A_227 [1] : vector<256x256xf32> to vector<256xf32>
    %broadcast_in_dim3A_229 = vector.shape_cast %reduce_sum3A_228 : vector<256xf32> to vector<256x1xf32>
    %add3A_230 = arith.addf %add3A_222, %broadcast_in_dim3A_229 : vector<256x1xf32>
    %slice3A_231 = vector.extract_strided_slice %select_n3A_162 {offsets = [0, 2048], sizes = [256, 256], strides = [1, 1]} : vector<256x4096xf32> to vector<256x256xf32>
    %slice3A_232 = vector.extract_strided_slice %get3A_13 {offsets = [0, 8, 0], sizes = [256, 1, 256], strides = [1, 1, 1]} : vector<256x16x256xf32> to vector<256x1x256xf32>
    %squeeze3A_233 = vector.shape_cast %slice3A_232 : vector<256x1x256xf32> to vector<256x256xf32>
    %mul3A_234 = arith.mulf %slice3A_231, %squeeze3A_233 : vector<256x256xf32>
    %reduce_sum3A_235 = arith.constant dense<0.000000e+00> : vector<256xf32>
    %reduce_sum3A_236 = vector.multi_reduction <add>, %mul3A_234, %reduce_sum3A_235 [1] : vector<256x256xf32> to vector<256xf32>
    %broadcast_in_dim3A_237 = vector.shape_cast %reduce_sum3A_236 : vector<256xf32> to vector<256x1xf32>
    %add3A_238 = arith.addf %add3A_230, %broadcast_in_dim3A_237 : vector<256x1xf32>
    %slice3A_239 = vector.extract_strided_slice %select_n3A_162 {offsets = [0, 2304], sizes = [256, 256], strides = [1, 1]} : vector<256x4096xf32> to vector<256x256xf32>
    %slice3A_240 = vector.extract_strided_slice %get3A_13 {offsets = [0, 9, 0], sizes = [256, 1, 256], strides = [1, 1, 1]} : vector<256x16x256xf32> to vector<256x1x256xf32>
    %squeeze3A_241 = vector.shape_cast %slice3A_240 : vector<256x1x256xf32> to vector<256x256xf32>
    %mul3A_242 = arith.mulf %slice3A_239, %squeeze3A_241 : vector<256x256xf32>
    %reduce_sum3A_243 = arith.constant dense<0.000000e+00> : vector<256xf32>
    %reduce_sum3A_244 = vector.multi_reduction <add>, %mul3A_242, %reduce_sum3A_243 [1] : vector<256x256xf32> to vector<256xf32>
    %broadcast_in_dim3A_245 = vector.shape_cast %reduce_sum3A_244 : vector<256xf32> to vector<256x1xf32>
    %add3A_246 = arith.addf %add3A_238, %broadcast_in_dim3A_245 : vector<256x1xf32>
    %slice3A_247 = vector.extract_strided_slice %select_n3A_162 {offsets = [0, 2560], sizes = [256, 256], strides = [1, 1]} : vector<256x4096xf32> to vector<256x256xf32>
    %slice3A_248 = vector.extract_strided_slice %get3A_13 {offsets = [0, 10, 0], sizes = [256, 1, 256], strides = [1, 1, 1]} : vector<256x16x256xf32> to vector<256x1x256xf32>
    %squeeze3A_249 = vector.shape_cast %slice3A_248 : vector<256x1x256xf32> to vector<256x256xf32>
    %mul3A_250 = arith.mulf %slice3A_247, %squeeze3A_249 : vector<256x256xf32>
    %reduce_sum3A_251 = arith.constant dense<0.000000e+00> : vector<256xf32>
    %reduce_sum3A_252 = vector.multi_reduction <add>, %mul3A_250, %reduce_sum3A_251 [1] : vector<256x256xf32> to vector<256xf32>
    %broadcast_in_dim3A_253 = vector.shape_cast %reduce_sum3A_252 : vector<256xf32> to vector<256x1xf32>
    %add3A_254 = arith.addf %add3A_246, %broadcast_in_dim3A_253 : vector<256x1xf32>
    %slice3A_255 = vector.extract_strided_slice %select_n3A_162 {offsets = [0, 2816], sizes = [256, 256], strides = [1, 1]} : vector<256x4096xf32> to vector<256x256xf32>
    %slice3A_256 = vector.extract_strided_slice %get3A_13 {offsets = [0, 11, 0], sizes = [256, 1, 256], strides = [1, 1, 1]} : vector<256x16x256xf32> to vector<256x1x256xf32>
    %squeeze3A_257 = vector.shape_cast %slice3A_256 : vector<256x1x256xf32> to vector<256x256xf32>
    %mul3A_258 = arith.mulf %slice3A_255, %squeeze3A_257 : vector<256x256xf32>
    %reduce_sum3A_259 = arith.constant dense<0.000000e+00> : vector<256xf32>
    %reduce_sum3A_260 = vector.multi_reduction <add>, %mul3A_258, %reduce_sum3A_259 [1] : vector<256x256xf32> to vector<256xf32>
    %broadcast_in_dim3A_261 = vector.shape_cast %reduce_sum3A_260 : vector<256xf32> to vector<256x1xf32>
    %add3A_262 = arith.addf %add3A_254, %broadcast_in_dim3A_261 : vector<256x1xf32>
    %slice3A_263 = vector.extract_strided_slice %select_n3A_162 {offsets = [0, 3072], sizes = [256, 256], strides = [1, 1]} : vector<256x4096xf32> to vector<256x256xf32>
    %slice3A_264 = vector.extract_strided_slice %get3A_13 {offsets = [0, 12, 0], sizes = [256, 1, 256], strides = [1, 1, 1]} : vector<256x16x256xf32> to vector<256x1x256xf32>
    %squeeze3A_265 = vector.shape_cast %slice3A_264 : vector<256x1x256xf32> to vector<256x256xf32>
    %mul3A_266 = arith.mulf %slice3A_263, %squeeze3A_265 : vector<256x256xf32>
    %reduce_sum3A_267 = arith.constant dense<0.000000e+00> : vector<256xf32>
    %reduce_sum3A_268 = vector.multi_reduction <add>, %mul3A_266, %reduce_sum3A_267 [1] : vector<256x256xf32> to vector<256xf32>
    %broadcast_in_dim3A_269 = vector.shape_cast %reduce_sum3A_268 : vector<256xf32> to vector<256x1xf32>
    %add3A_270 = arith.addf %add3A_262, %broadcast_in_dim3A_269 : vector<256x1xf32>
    %slice3A_271 = vector.extract_strided_slice %select_n3A_162 {offsets = [0, 3328], sizes = [256, 256], strides = [1, 1]} : vector<256x4096xf32> to vector<256x256xf32>
    %slice3A_272 = vector.extract_strided_slice %get3A_13 {offsets = [0, 13, 0], sizes = [256, 1, 256], strides = [1, 1, 1]} : vector<256x16x256xf32> to vector<256x1x256xf32>
    %squeeze3A_273 = vector.shape_cast %slice3A_272 : vector<256x1x256xf32> to vector<256x256xf32>
    %mul3A_274 = arith.mulf %slice3A_271, %squeeze3A_273 : vector<256x256xf32>
    %reduce_sum3A_275 = arith.constant dense<0.000000e+00> : vector<256xf32>
    %reduce_sum3A_276 = vector.multi_reduction <add>, %mul3A_274, %reduce_sum3A_275 [1] : vector<256x256xf32> to vector<256xf32>
    %broadcast_in_dim3A_277 = vector.shape_cast %reduce_sum3A_276 : vector<256xf32> to vector<256x1xf32>
    %add3A_278 = arith.addf %add3A_270, %broadcast_in_dim3A_277 : vector<256x1xf32>
    %slice3A_279 = vector.extract_strided_slice %select_n3A_162 {offsets = [0, 3584], sizes = [256, 256], strides = [1, 1]} : vector<256x4096xf32> to vector<256x256xf32>
    %slice3A_280 = vector.extract_strided_slice %get3A_13 {offsets = [0, 14, 0], sizes = [256, 1, 256], strides = [1, 1, 1]} : vector<256x16x256xf32> to vector<256x1x256xf32>
    %squeeze3A_281 = vector.shape_cast %slice3A_280 : vector<256x1x256xf32> to vector<256x256xf32>
    %mul3A_282 = arith.mulf %slice3A_279, %squeeze3A_281 : vector<256x256xf32>
    %reduce_sum3A_283 = arith.constant dense<0.000000e+00> : vector<256xf32>
    %reduce_sum3A_284 = vector.multi_reduction <add>, %mul3A_282, %reduce_sum3A_283 [1] : vector<256x256xf32> to vector<256xf32>
    %broadcast_in_dim3A_285 = vector.shape_cast %reduce_sum3A_284 : vector<256xf32> to vector<256x1xf32>
    %add3A_286 = arith.addf %add3A_278, %broadcast_in_dim3A_285 : vector<256x1xf32>
    %slice3A_287 = vector.extract_strided_slice %select_n3A_162 {offsets = [0, 3840], sizes = [256, 256], strides = [1, 1]} : vector<256x4096xf32> to vector<256x256xf32>
    %slice3A_288 = vector.extract_strided_slice %get3A_13 {offsets = [0, 15, 0], sizes = [256, 1, 256], strides = [1, 1, 1]} : vector<256x16x256xf32> to vector<256x1x256xf32>
    %squeeze3A_289 = vector.shape_cast %slice3A_288 : vector<256x1x256xf32> to vector<256x256xf32>
    %mul3A_290 = arith.mulf %slice3A_287, %squeeze3A_289 : vector<256x256xf32>
    %reduce_sum3A_291 = arith.constant dense<0.000000e+00> : vector<256xf32>
    %reduce_sum3A_292 = vector.multi_reduction <add>, %mul3A_290, %reduce_sum3A_291 [1] : vector<256x256xf32> to vector<256xf32>
    %broadcast_in_dim3A_293 = vector.shape_cast %reduce_sum3A_292 : vector<256xf32> to vector<256x1xf32>
    %add3A_294 = arith.addf %add3A_286, %broadcast_in_dim3A_293 : vector<256x1xf32>
    %dot_general3A_295 = arith.constant dense<0.000000e+00> : vector<256x128xf32>
    %dot_general3A_296 = tpu.matmul %select_n3A_162, %get3A_3, %dot_general3A_295 {dimension_numbers = #tpu.dot_dimension_numbers<[1], [0], [0], [1], [0, 0, 1, 1], [], []>, transpose_lhs_hint = false} : vector<256x4096xf32>, vector<4096x128xf32>, vector<256x128xf32> -> vector<256x128xf32>
    %mul3A_297 = arith.mulf %dot_general3A_296, %get3A_9 : vector<256x128xf32>
    %reduce_sum3A_298 = arith.constant dense<0.000000e+00> : vector<256xf32>
    %reduce_sum3A_299 = vector.multi_reduction <add>, %mul3A_297, %reduce_sum3A_298 [1] : vector<256x128xf32> to vector<256xf32>
    %broadcast_in_dim3A_300 = vector.shape_cast %reduce_sum3A_299 : vector<256xf32> to vector<256x1xf32>
    %div3A = arith.constant 1.000000e+00 : f32
    %div3A_301 = vector.broadcast %div3A : f32 to vector<256x1xf32>
    %div3A_302 = arith.divf %div3A_301, %broadcast_in_dim3A_165 : vector<256x1xf32>
    %mul3A_303 = arith.mulf %add3A_294, %div3A_302 : vector<256x1xf32>
    %broadcast_in_dim3A_304 = vector.shape_cast %mul3A_303 : vector<256x1xf32> to vector<256x1xf32>
    %broadcast_in_dim3A_305 = vector.broadcast %broadcast_in_dim3A_304 : vector<256x1xf32> to vector<256x8xf32>
    %swap3A = arith.constant 0 : index
    %swap3A_306 = arith.constant 0 : index
    %swap3A_307 = arith.constant 0 : index
    %swap3A_308 = vector.load %arg6[%swap3A, %swap3A_306, %swap3A_307] : memref<1x256x8xf32, #tpu.memory_space<vmem>>, vector<1x256x8xf32>
    %swap3A_309 = vector.shape_cast %swap3A_308 : vector<1x256x8xf32> to vector<256x8xf32>
    %swap3A_310 = vector.shape_cast %broadcast_in_dim3A_305 : vector<256x8xf32> to vector<1x256x8xf32>
    tpu.vector_store %arg6[%swap3A, %swap3A_306, %swap3A_307], %swap3A_310 {strides = array<i32>} : memref<1x256x8xf32, #tpu.memory_space<vmem>>, vector<1x256x8xf32>,
    %mul3A_311 = arith.mulf %broadcast_in_dim3A_300, %div3A_302 : vector<256x1xf32>
    %sub3A_312 = arith.subf %broadcast_in_dim3A_24, %mul3A_311 : vector<256x1xf32>
    %broadcast_in_dim3A_313 = vector.shape_cast %sub3A_312 : vector<256x1xf32> to vector<256x1xf32>
    %broadcast_in_dim3A_314 = vector.broadcast %broadcast_in_dim3A_313 : vector<256x1xf32> to vector<256x8xf32>
    %swap3A_315 = arith.constant 0 : index
    %swap3A_316 = arith.constant 0 : index
    %swap3A_317 = arith.constant 0 : index
    %swap3A_318 = vector.load %arg7[%swap3A_315, %swap3A_316, %swap3A_317] : memref<1x256x8xf32, #tpu.memory_space<vmem>>, vector<1x256x8xf32>
    %swap3A_319 = vector.shape_cast %swap3A_318 : vector<1x256x8xf32> to vector<256x8xf32>
    %swap3A_320 = vector.shape_cast %broadcast_in_dim3A_314 : vector<256x8xf32> to vector<1x256x8xf32>
    tpu.vector_store %arg7[%swap3A_315, %swap3A_316, %swap3A_317], %swap3A_320 {strides = array<i32>} : memref<1x256x8xf32, #tpu.memory_space<vmem>>, vector<1x256x8xf32>,
    return
  }
  func.func @transform_0(%arg0: i32, %arg1: i32) -> (i32, i32, i32) {
    %c0_i32 = arith.constant 0 : i32
    %c0_i32_0 = arith.constant 0 : i32
    %c0_i32_1 = arith.constant 0 : i32
    return %arg0, %c0_i32, %c0_i32_0 : i32, i32, i32
  }
  func.func @transform_1(%arg0: i32, %arg1: i32) -> (i32, i32) {
    %mul3A = arith.constant 4 : i32
    %mul3A_0 = arith.muli %arg0, %mul3A : i32
    %add3A = arith.addi %mul3A_0, %arg1 : i32
    %c0_i32 = arith.constant 0 : i32
    %c0_i32_1 = arith.constant 0 : i32
    return %add3A, %c0_i32 : i32, i32
  }
  func.func @transform_2(%arg0: i32, %arg1: i32) -> (i32, i32) {
    %mul3A = arith.constant 4 : i32
    %mul3A_0 = arith.muli %arg0, %mul3A : i32
    %add3A = arith.addi %mul3A_0, %arg1 : i32
    %c0_i32 = arith.constant 0 : i32
    %c0_i32_1 = arith.constant 0 : i32
    return %add3A, %c0_i32 : i32, i32
  }
  func.func @transform_3(%arg0: i32, %arg1: i32) -> (i32, i32, i32) {
    %c0_i32 = arith.constant 0 : i32
    %c0_i32_0 = arith.constant 0 : i32
    %c0_i32_1 = arith.constant 0 : i32
    return %arg1, %c0_i32, %c0_i32_0 : i32, i32, i32
  }
  func.func @transform_4(%arg0: i32, %arg1: i32) -> (i32, i32, i32) {
    %c0_i32 = arith.constant 0 : i32
    %c0_i32_0 = arith.constant 0 : i32
    return %arg0, %arg1, %c0_i32 : i32, i32, i32
  }
  func.func @transform_5(%arg0: i32, %arg1: i32) -> (i32, i32, i32) {
    %c0_i32 = arith.constant 0 : i32
    %c0_i32_0 = arith.constant 0 : i32
    return %arg0, %arg1, %c0_i32 : i32, i32, i32
  }
}

module attributes {stable_mosaic.version = 14 : i64} {
  func.func @_combine_body(%arg0: memref<4x1024xf32, #tpu.memory_space<vmem>>, %arg1: memref<4x1024xf32, #tpu.memory_space<vmem>>, %arg2: memref<1024xf32, #tpu.memory_space<vmem>>) attributes {dimension_semantics = [], scalar_prefetch = 0 : i64, scratch_operands = 0 : i64, tpu.core_type = #tpu.core_type<tc>} {
    %get3A = arith.constant 0 : index
    %get3A_0 = arith.constant 0 : index
    %get3A_1 = vector.load %arg0[%get3A, %get3A_0] : memref<4x1024xf32, #tpu.memory_space<vmem>>, vector<4x1024xf32>
    %get3A_2 = arith.constant 0 : index
    %get3A_3 = arith.constant 0 : index
    %get3A_4 = vector.load %arg1[%get3A_2, %get3A_3] : memref<4x1024xf32, #tpu.memory_space<vmem>>, vector<4x1024xf32>
    %add3A = arith.addf %get3A_1, %get3A_4 : vector<4x1024xf32>
    %mul3A = arith.constant 5.000000e-01 : f32
    %mul3A_5 = vector.broadcast %mul3A : f32 to vector<4x1024xf32>
    %mul3A_6 = arith.mulf %mul3A_5, %add3A : vector<4x1024xf32>
    %reduce_sum3A = arith.constant dense<0.000000e+00> : vector<1024xf32>
    %reduce_sum3A_7 = vector.multi_reduction <add>, %mul3A_6, %reduce_sum3A [0] : vector<4x1024xf32> to vector<1024xf32>
    %div3A = arith.constant 4.000000e+00 : f32
    %div3A_8 = vector.broadcast %div3A : f32 to vector<1024xf32>
    %div3A_9 = arith.divf %reduce_sum3A_7, %div3A_8 : vector<1024xf32>
    %logistic3A = arith.negf %div3A_9 : vector<1024xf32>
    %logistic3A_10 = math.exp %logistic3A : vector<1024xf32>
    %logistic3A_11 = arith.constant 1.000000e+00 : f32
    %logistic3A_12 = vector.broadcast %logistic3A_11 : f32 to vector<1024xf32>
    %logistic3A_13 = arith.addf %logistic3A_12, %logistic3A_10 : vector<1024xf32>
    %logistic3A_14 = arith.divf %logistic3A_12, %logistic3A_13 : vector<1024xf32>
    %swap3A = arith.constant 0 : index
    %swap3A_15 = vector.load %arg2[%swap3A] : memref<1024xf32, #tpu.memory_space<vmem>>, vector<1024xf32>
    tpu.vector_store %arg2[%swap3A], %logistic3A_14 {strides = array<i32>} : memref<1024xf32, #tpu.memory_space<vmem>>, vector<1024xf32>,
    return
  }
}

</mosaic_0001>

<sc_bundles>
// kernel: kernel.12.cloned.1.call-start
scs
__scs_entry_jumppad:
0x0: {  	(pc) =	sbr.rel $0x88, $3  }
0x1: {  	(tag) =	ssettag $0x0;
	lr =	simm.s32 $0x1  }
0x2: {  	[smem:$0x3F9C] =	sst lr;
	_ =	strace $0xD0000000  }
0x3: {  	_ = 	snop  }
0x4: {  	_ = 	snop  }
0x5: {  	_ = 	snop  }
0x6: {  	_ = 	snop  }
0x7: {  	_ = 	snop  }
__scs_overlays_trampoline_lowered:
0x8: {  	[smem:$0x3FAB] =	sst s0  }
0x9: {  	[smem:$0x3FAC] =	sst s1  }
0xa: {  	[smem:$0x3FAD] =	sst s2  }
0xb: {  	[smem:$0x3FAE] =	sst s3  }
0xc: {  	[smem:$0x3FAF] =	sst s4  }
0xd: {  	[smem:$0x3FB0] =	sst s5  }
0xe: {  	[smem:$0x3FB1] =	sst s6  }
0xf: {  	[smem:$0x3FB2] =	sst s7  }
0x10: {  	[smem:$0x3FB3] =	sst s8  }
0x11: {  	[smem:$0x3FB4] =	sst s9;
	s0 =	simm.s32 @!p0 $0x0  }
0x12: {  	s1 =	sld [smem:$0x3F9A];
	s0 =	simm.s32 @p0 $0x1  }
0x13: {  	[smem:$0x3FB5] =	sst s0;
	s0 =	simm.s32 @!p1 $0x0  }
0x14: {  	s2 =	sld [smem:$0x3F99];
	s0 =	simm.s32 @p1 $0x1  }
0x15: {  	[smem:$0x3FB6] =	sst s0;
	s0 =	simm.s32 @!p2 $0x0  }
0x16: {  	s3 =	sld [smem:$0x3FDB];
	s0 =	simm.s32 @p2 $0x1  }
0x17: {  	s4 =	simm.s32 $0x1BF5;
	[smem:$0x3FB8] =	sst s0  }
0x18: {  	s0 =	sld [smem:$0x3F9B];
	_ =	swait.ge [sflag:s4], $0x0  }
0x19: {  	s7 =	sld [smem:$0x3F9C]  }
0x1a: {  	s8 =	sadd.s32 $0xFFFFE003, lr  }
0x1b: {  	s9 =	sadd.s32 $0xFFFFFEF7, lr;
	s5 =	simm.s32 $0xFFFFFFFF;
	p2 =	slt.u32 s8, $0xFFFFF086  }
0x1c: {  	p1 =	slt.u32 s9, $0xF7A;
	s5 =	simm.s32 @!p2 $0x0  }
0x1d: {  	s5 =	simm.s32 @p1 $0x1;
	p0 =	seq.s32 s7, s2  }
0x1e: {  	s7 =	smul.u32 @!p0 $0xF7A, s2;
	p2 =	seq.s32 @!p0 s5, $0x0  }
0x1f: {  	s9 =	smul.u32 $0xF7A, s1;
	s8 =	simm.s32 @!p0 $0x1BF5;
	p2 =	por !p2, p0  }
0x20: {  	[sflag:s8] =	ssyncset.s32 @!p0 $0xFFFFF086;
	s6 =	sadd.s32 @!p0 s3, s7;
	s7 =	simm.s32 @!p0 $0x108  }
0x21: {  	s3 =	sadd.s32 s3, s9;
	s6 =	sadd.s32 @!p0 $0x88, s6;
	s7 =	simm.s32 @p2 $0x1082  }
0x22: {  	[simem:s7], [sflag:s8] =	dma.local @!p0 [hbm:s6], $0xF7A  }
0x23: {  	s9 =	sor.u32 $0xD0000000, s2;
	s6 =	simm.s32 $0x108;
	_ =	swait.ge @!p0 [sflag:s8], $0x0  }
0x24: {  	s3 =	sadd.s32 $0x88, s3;
	s6 =	simm.s32 @!p1 $0x1082;
	[sflag:s4] =	ssyncset.s32 $0xFFFFF086  }
0x25: {  	[simem:s6], [sflag:s4] =	dma.local [hbm:s3], $0xF7A  }
0x26: {  	[smem:$0x3F9C] =	sst s1;
	(tag) =	ssettag s2;
	_ =	strace s9  }
0x27: {  	s1 =	sld [smem:$0x3FAC]  }
0x28: {  	s2 =	sld [smem:$0x3FAD]  }
0x29: {  	s4 =	sld [smem:$0x3FAF]  }
0x2a: {  	p0 =	seq.s32 s5, $0x0;
	s5 =	sld [smem:$0x3FB0]  }
0x2b: {  	s6 =	sld [smem:$0x3FB1]  }
0x2c: {  	s7 =	sld [smem:$0x3FB2]  }
0x2d: {  	s3 =	simm.s32 $0x108;
	s8 =	sld [smem:$0x3FB3]  }
0x2e: {  	s3 =	simm.s32 @!p0 $0x1082;
	s9 =	sld [smem:$0x3FB4]  }
0x2f: {  	lr =	sadd.s32 s0, s3;
	s0 =	sld [smem:$0x3FAB]  }
0x30: {  	s3 =	sld [smem:$0x3FAE]  }
0x31: {  	[smem:$0x3FB7] =	sst s10  }
0x32: {  	s10 =	sld [smem:$0x3FB5];
	_ =	sdelay $0x3  }
0x33: {  	p0 =	seq.s32 s10, $0x1;
	s10 =	sld [smem:$0x3FB7];
	_ =	sdelay $0x3  }
0x34: {  	[smem:$0x3FB7] =	sst s10  }
0x35: {  	s10 =	sld [smem:$0x3FB6];
	_ =	sdelay $0x3  }
0x36: {  	p1 =	seq.s32 s10, $0x1;
	s10 =	sld [smem:$0x3FB7];
	_ =	sdelay $0x3  }
0x37: {  	[smem:$0x3FB7] =	sst s10  }
0x38: {  	s10 =	sld [smem:$0x3FB8]  }
0x39: {  	_ = 	snop;
	(pc) =	sbr.ind lr, $3  }
0x3a: {  	_ = 	snop  }
0x3b: {  	_ = 	snop  }
0x3c: {  	p2 =	seq.s32 s10, $0x1;
	s10 =	sld [smem:$0x3FB7]  }
0x3d: {  	_ =	shalt  }
0x3e: {  	_ =	shalt  }
0x3f: {  	_ =	shalt  }
0x40: {  	_ =	shalt  }
0x41: {  	_ =	shalt  }
0x42: {  	_ =	shalt  }
0x43: {  	_ =	shalt  }
0x44: {  	_ =	shalt  }
0x45: {  	_ =	shalt  }
0x46: {  	_ =	shalt  }
0x47: {  	_ =	shalt  }
0x48: {  	_ =	shalt  }
0x49: {  	_ =	shalt  }
0x4a: {  	_ =	shalt  }
0x4b: {  	_ =	shalt  }
0x4c: {  	_ =	shalt  }
0x4d: {  	_ =	shalt  }
0x4e: {  	_ =	shalt  }
0x4f: {  	_ =	shalt  }
0x50: {  	_ =	shalt  }
0x51: {  	_ =	shalt  }
0x52: {  	_ =	shalt  }
0x53: {  	_ =	shalt  }
0x54: {  	_ =	shalt  }
0x55: {  	_ =	shalt  }
0x56: {  	_ =	shalt  }
0x57: {  	_ =	shalt  }
0x58: {  	_ =	shalt  }
0x59: {  	_ =	shalt  }
0x5a: {  	_ =	shalt  }
0x5b: {  	_ =	shalt  }
0x5c: {  	_ =	shalt  }
0x5d: {  	_ =	shalt  }
0x5e: {  	_ =	shalt  }
0x5f: {  	_ =	shalt  }
0x60: {  	_ =	shalt  }
0x61: {  	_ =	shalt  }
0x62: {  	_ =	shalt  }
0x63: {  	_ =	shalt  }
0x64: {  	_ =	shalt  }
0x65: {  	_ =	shalt  }
0x66: {  	_ =	shalt  }
0x67: {  	_ =	shalt  }
0x68: {  	_ =	shalt  }
0x69: {  	_ =	shalt  }
0x6a: {  	_ =	shalt  }
0x6b: {  	_ =	shalt  }
0x6c: {  	_ =	shalt  }
0x6d: {  	_ =	shalt  }
0x6e: {  	_ =	shalt  }
0x6f: {  	_ =	shalt  }
0x70: {  	_ =	shalt  }
0x71: {  	_ =	shalt  }
0x72: {  	_ =	shalt  }
0x73: {  	_ =	shalt  }
0x74: {  	_ =	shalt  }
0x75: {  	_ =	shalt  }
0x76: {  	_ =	shalt  }
0x77: {  	_ =	shalt  }
0x78: {  	_ =	shalt  }
0x79: {  	_ =	shalt  }
0x7a: {  	_ =	shalt  }
0x7b: {  	_ =	shalt  }
0x7c: {  	_ =	shalt  }
0x7d: {  	_ =	shalt  }
0x7e: {  	_ =	shalt  }
0x7f: {  	_ =	shalt  }
0x80: {  	_ =	shalt  }
0x81: {  	_ =	shalt  }
0x82: {  	_ =	shalt  }
0x83: {  	_ =	shalt  }
0x84: {  	_ =	shalt  }
0x85: {  	_ =	shalt  }
0x86: {  	_ =	shalt  }
0x87: {  	_ =	shalt  }
.Lfunc_end0:
.L_simem_size_0:
called_computation.2_lowered:
.L_overlay_start_0:
0x88: {  	s2 =	sld [smem:$0x3FD9]  }
0x89: {  	s3 =	sld [smem:$0x3FFE];
	_ =	sdelay $0x1  }
0x8a: {  	s1 =	srdreg.scid  }
0x8b: {  	s0 =	sand.u32 $0x1, s1  }
0x8c: {  	s17 =	sshll.u32 s0, $0xA;
	s2 =	sadd.s32 s3, s2  }
0x8d: {  	s2 =	sadd.s32 s2, s17  }
0x8e: {  	[smem:$0x3FC3] =	sst s2  }
0x8f: {  	_ = 	snop  }
0x90: {  	s18 =	sld [smem:$0x3FC8];
	(tm) =	ssettm $0x1  }
0x91: {  	s19 =	sld [smem:$0x3FFB];
	_ =	sdelay $0x3  }
0x92: {  	_ =	strace s19  }
0x93: {  	s2 =	sld [smem:$0x3FFC];
	_ =	sdelay $0x3  }
0x94: {  	_ =	strace s2  }
0x95: {  	s2 =	sld [smem:$0x3FFD];
	_ =	sdelay $0x3  }
0x96: {  	_ =	strace s2  }
0x97: {  	_ =	strace $0x8FFFFFFF  }
0x98: {  	s20 =	sld [smem:$0x3FDB];
	_ =	sdelay $0x1  }
0x99: {  	s4 =	simm.s32 $_scs_section_size  }
0x9a: {  	s5 =	simm.s32 $_size__tile_overlayer_lowered;
	s6 =	simm.s32 $_tile_overlayer_lowered  }
0x9b: {  	s7 =	simm.s32 $0x1BFF;
	s21 =	sshll.u32 s6, $0x1;
	s4 =	sadd.s32 s4, s20  }
0x9c: {  	s22 =	simm.s32 $0x0;
	s5 =	sshll.u32 s5, $0x1;
	s6 =	sadd.s32 s21, s4  }
0x9d: {  	[timem:s22], [sflag:s7] =	dma.local [hbm:s6], s5  }
0x9e: {  	_ =	swait.ge [sflag:s7], s5  }
0x9f: {  	s5 =	ssub.s32 $0x0, s5;
	[sflag:s7] =	ssyncset.done $0x0  }
0xa0: {  	[sflag:s7] =	ssyncadd.s32 s5;
	_ =	sdelay $0x1  }
0xa1: {  	s23 =	simm.s32 $0x1B8B  }
0xa2: {  	_ =	swait.ge [sflag:s23], $0x1  }
0xa3: {  	[sflag:s23] =	ssyncset.done $0x0  }
0xa4: {  	[sflag:s23] =	ssyncadd.s32 $0xFFFFFFFF  }
0xa5: {  	s5 =	sld [smem:$0x0]  }
0xa6: {  	s6 =	sand.u32 $0xFFFFFFFE, s1  }
0xa7: {  	p0 =	sne.s32 s1, s6  }
0xa8: {  	s6 =	sshll.u32 @p0 s6, $0xE  }
0xa9: {  	s6 =	sadd.s32 @p0 $0x11B8D, s6;
	s7 =	sshll.u32 @p0 s5, $0x11  }
0xaa: {  	s6 =	sor.u32 @p0 s7, s6  }
0xab: {  	[sflag:s6] =	ssyncadd.remote.s32 @p0 $0x1;
	_ =	sdelay $0x1  }
0xac: {  	s6 =	simm.s32 @p0 $0x1B8D  }
0xad: {  	_ =	swait.eq @p0 [sflag:s6], $0x1  }
0xae: {  	[sflag:s6] =	ssyncadd.s32 @p0 $0xFFFFFFFF  }
0xaf: {  	s7 =	sshll.u32 @!p0 s1, $0xE  }
0xb0: {  	s7 =	sor.u32 @!p0 $0x4000, s7;
	s6 =	simm.s32 @!p0 $0x1B8D  }
0xb1: {  	s5 =	sshll.u32 @!p0 s5, $0x11;
	s7 =	sadd.s32 @!p0 $0x11B8D, s7;
	_ =	swait.eq @!p0 [sflag:s6], $0x1  }
0xb2: {  	s5 =	sor.u32 @!p0 s5, s7;
	[sflag:s6] =	ssyncadd.s32 @!p0 $0xFFFFFFFF  }
0xb3: {  	s25 =	simm.s32 $0x1B8E;
	s24 =	sld [smem:$0x3FFE];
	[sflag:s5] =	ssyncadd.remote.s32 @!p0 $0x1  }
0xb4: {  	s26 =	simm.s32 $execute0_lowered;
	[smem:$0x3FD2] =	sst s25  }
0xb5: {  	s6 =	sshll.u32 s26, $0x1;
	_ =	strace $0x80000053;
	[dreg:$0x1] =	wrdreg $0xFFFFFFFF  }
0xb6: {  	s28 =	simm.s32 $_size_execute0_lowered;
	s4 =	sadd.s32 s4, s6;
	[dreg:$0x0] =	wrdreg $0x0  }
0xb7: {  	s6 =	sshll.u32 s28, $0x1;
	[dreg:$0x2] =	wrdreg s4  }
0xb8: {  	[dreg:$0x3] =	wrdreg s6  }
0xb9: {  	[dreg:$0x4] =	wrdreg $0xC0  }
0xba: {  	_ =	task [dreg:s22], $0x5FFFF  }
0xbb: {  	[dreg:$0x1] =	wrdreg $0xFFFFFFFF  }
0xbc: {  	[dreg:$0x0] =	wrdreg $0x60  }
0xbd: {  	[dreg:$0x2] =	wrdreg s18  }
0xbe: {  	[dreg:$0x3] =	wrdreg s24  }
0xbf: {  	[dreg:$0x4] =	wrdreg $0xA  }
0xc0: {  	_ =	task.clear_ibuf [dreg:s22], $0x5FFFF;
	_ =	strace $0x90000053  }
0xc1: {  	s29 =	simm.s32 $0xA;
	_ =	strace $0x8000005C  }
0xc2: {  	_ =	swait.ge [sflag:s29], $0x1  }
0xc3: {  	[sflag:s29] =	ssyncadd.s32 $0xFFFFFFFF  }
0xc4: {  	_ =	strace $0x9000005C  }
0xc5: {  	_ =	sfence  }
0xc6: {  	s30 =	sld [smem:$0x0];
	_ =	sdelay $0x2  }
0xc7: {  	s31 =	sshll.u32 s1, $0xD;
	s1 =	sshrl.u32 s1, $0x2  }
0xc8: {  	s4 =	sand.u32 $0x4000, s31;
	s1 =	sadd.s32 s1, s30  }
0xc9: {  	s0 =	sor.u32 s4, s0;
	s1 =	sshll.u32 s1, $0x11  }
0xca: {  	s0 =	sor.u32 s1, s0  }
0xcb: {  	s0 =	sadd.s32 $0x8F2B, s0  }
0xcc: {  	[sflag:s0] =	ssyncadd.remote.s32 $0x1  }
0xcd: {  	_ =	sfence.sel $0xFFFF  }
0xce: {  	[dreg:$0x0] =	wrdreg $0xFFFFFFFF;
	(pc) =	sbr.abs _section_cstart, $3  }
0xcf: {  	[dreg:$0x1] =	wrdreg $0xFFFFFFFF  }
0xd0: {  	_ =	task.clear_ibuf [dreg:s22], $0x2FFFF;
	_ =	strace $0x9FFFFFFF  }
0xd1: {  	(tm) =	ssettm $0x7FFFFFFF  }
tec
execute0_lowered:
.L_overlay_start_1:
0x0: {  	(tag) =	ssettag $0x1  }
0x1: {  	s0 =	srdreg.scid  }
0x2: {  	s15 =	sand.u32 $0x1, s0  }
0x3: {  	s2 =	rddreg [dreg:$0x0];
	s1 =	stileid.u32;
	s4 =	sshll.u32 s15, $0x4  }
0x4: {  	s10 =	rddreg [dreg:$0x1];
	s3 =	simm.s32 $0x0;
	s11 =	sor.u32 s1, s4  }
0x5: {  	[smem:$0x7FF] =	sst s3;
	s4 =	sshll.u32 s11, $0x5  }
0x6: {  	s0 =	rddreg [dreg:$0x2];
	_ =	strace $0x80000054;
	s5 =	sadd.s32 s4, s10  }
0x7: {  	_ =	strace $0x80000055;
	s4 =	sadd.s32 $0x222A00, s5  }
0x8: {  	[tilespmem:s3], [sflag:$0x1] =	stream.linear.gather [hbm4b:s4+s3], $0x80, $0x200038;
	[tilespmem:$0x8100] =	vst v63  }
0x9: {  	_ =	strace $0x90000055  }
0xa: {  	s6 =	simm.s32 $0x80;
	s5 =	sadd.s32 $0x222A10, s5;
	_ =	strace $0x80000056  }
0xb: {  	[tilespmem:s6], [sflag:$0x2] =	stream.linear.gather [hbm4b:s5+s3], $0x80, $0x200038;
	[tilespmem:$0x8100] =	vst v63  }
0xc: {  	_ =	strace $0x90000056  }
0xd: {  	s7 =	simm.s32 $0x1;
	_ =	strace $0x80000057  }
0xe: {  	_ =	swait.ge [sflag:s7], $0x80  }
0xf: {  	[sflag:s7] =	ssyncset.done $0x0  }
0x10: {  	[sflag:s7] =	ssyncadd.s32 $0xFFFFFF80  }
0x11: {  	_ =	strace $0x90000057  }
0x12: {  	s8 =	simm.s32 $0x100;
	s9 =	simm.s32 $0x5;
	_ =	strace $0x80000058  }
0x13: {  	[tilespmem:s8], [sflag:$0x5] =	stream.indirect.gather [hbm4b:s2+s6], $0x80, s3, s6, $0x2000b8;
	[tilespmem:$0x8100] =	vst v63  }
0x14: {  	_ =	swait.ge [sflag:s9], $0x4000  }
0x15: {  	[sflag:s9] =	ssyncset.done $0x0  }
0x16: {  	s11 =	sshll.u32 s11, $0xC;
	[sflag:s9] =	ssyncadd.s32 $0xFFFFC000  }
0x17: {  	s13 =	sadd.s32 s11, s10;
	_ =	strace $0x90000058  }
0x18: {  	s10 =	sadd.s32 $0x222E00, s13;
	_ =	strace $0x80000059  }
0x19: {  	[hbm4b:s10+s3] =	stream.linear.scatter [tilespmem:s8], [sflag:$0x3], $0x4000, $0x200038;
	[tilespmem:$0x8100] =	vst v63  }
0x1a: {  	_ =	strace $0x90000059  }
0x1b: {  	s11 =	simm.s32 $0x2;
	_ =	strace $0x80000057  }
0x1c: {  	_ =	swait.ge [sflag:s11], $0x80  }
0x1d: {  	[sflag:s11] =	ssyncset.done $0x0  }
0x1e: {  	[sflag:s11] =	ssyncadd.s32 $0xFFFFFF80  }
0x1f: {  	_ =	strace $0x90000057  }
0x20: {  	s12 =	simm.s32 $0x4100;
	_ =	strace $0x80000058  }
0x21: {  	[tilespmem:s12], [sflag:$0x5] =	stream.indirect.gather [hbm4b:s2+s6], $0x80, s6, s6, $0x2000b8;
	[tilespmem:$0x8100] =	vst v63  }
0x22: {  	_ =	swait.ge [sflag:s9], $0x4000  }
0x23: {  	[sflag:s9] =	ssyncset.done $0x0  }
0x24: {  	[sflag:s9] =	ssyncadd.s32 $0xFFFFC000  }
0x25: {  	_ =	strace $0x90000058  }
0x26: {  	s13 =	sadd.s32 $0x223600, s13;
	_ =	strace $0x80000059  }
0x27: {  	[hbm4b:s13+s3] =	stream.linear.scatter [tilespmem:s12], [sflag:$0x4], $0x4000, $0x200038;
	[tilespmem:$0x8100] =	vst v63  }
0x28: {  	s15 =	ssub.s32 $0x2, s15;
	_ =	strace $0x90000059  }
0x29: {  	s14 =	simm.s32 $0x3;
	s16 =	sshrl.u32 s15, $0x1;
	_ =	strace $0x8000005A  }
0x2a: {  	s16 =	ssub.s32 s15, s16;
	_ =	swait.ge [sflag:s14], $0x4000  }
0x2b: {  	s16 =	smax.u32 s16, $0x1;
	[sflag:s14] =	ssyncset.done $0x0  }
0x2c: {  	p0 =	sne.s32 s16, $0x1;
	[sflag:s14] =	ssyncadd.s32 $0xFFFFC000  }
.Ltmp0:
0x2d: {  	_ =	strace $0x9000005A;
	(pc) =	sbr.rel @!p0 .LBB2_2-.Ltmp0, $4  }
0x2e: {  	s15 =	simm.s32 $0x4;
	_ =	strace $0x8000005B  }
0x2f: {  	_ =	swait.ge [sflag:s15], $0x4000  }
0x30: {  	[sflag:s15] =	ssyncset.done $0x0  }
0x31: {  	s16 =	sadd.s32 $0xFFFFFFFF, s16;
	[sflag:s15] =	ssyncadd.s32 $0xFFFFC000  }
.LBB2_1:
0x32: {  	p0 =	sne.s32 s16, $0x1;
	s16 =	sadd.s32 $0xFFFFFFFF, s16;
	_ =	strace $0x9000005B  }
0x33: {  	_ =	strace $0x80000055  }
0x34: {  	[tilespmem:s3], [sflag:$0x1] =	stream.linear.gather [hbm4b:s4+s3], $0x80, $0x200038;
	[tilespmem:$0x8100] =	vst v63  }
0x35: {  	_ =	strace $0x90000055  }
0x36: {  	_ =	strace $0x80000056  }
0x37: {  	[tilespmem:s6], [sflag:$0x2] =	stream.linear.gather [hbm4b:s5+s3], $0x80, $0x200038;
	[tilespmem:$0x8100] =	vst v63  }
0x38: {  	_ =	strace $0x90000056  }
0x39: {  	_ =	strace $0x80000057  }
0x3a: {  	_ =	swait.ge [sflag:s7], $0x80  }
0x3b: {  	[sflag:s7] =	ssyncset.done $0x0  }
0x3c: {  	[sflag:s7] =	ssyncadd.s32 $0xFFFFFF80  }
0x3d: {  	_ =	strace $0x90000057  }
0x3e: {  	_ =	strace $0x80000058  }
0x3f: {  	[tilespmem:s8], [sflag:$0x5] =	stream.indirect.gather [hbm4b:s2+s6], $0x80, s3, s6, $0x2000b8;
	[tilespmem:$0x8100] =	vst v63  }
0x40: {  	_ =	swait.ge [sflag:s9], $0x4000  }
0x41: {  	[sflag:s9] =	ssyncset.done $0x0  }
0x42: {  	[sflag:s9] =	ssyncadd.s32 $0xFFFFC000  }
0x43: {  	_ =	strace $0x90000058  }
0x44: {  	_ =	strace $0x80000059  }
0x45: {  	[hbm4b:s10+s3] =	stream.linear.scatter [tilespmem:s8], [sflag:$0x3], $0x4000, $0x200038;
	[tilespmem:$0x8100] =	vst v63  }
0x46: {  	_ =	strace $0x90000059  }
0x47: {  	_ =	strace $0x80000057  }
0x48: {  	_ =	swait.ge [sflag:s11], $0x80  }
0x49: {  	[sflag:s11] =	ssyncset.done $0x0  }
0x4a: {  	[sflag:s11] =	ssyncadd.s32 $0xFFFFFF80  }
0x4b: {  	_ =	strace $0x90000057  }
0x4c: {  	_ =	strace $0x80000058  }
0x4d: {  	[tilespmem:s12], [sflag:$0x5] =	stream.indirect.gather [hbm4b:s2+s6], $0x80, s6, s6, $0x2000b8;
	[tilespmem:$0x8100] =	vst v63  }
0x4e: {  	_ =	swait.ge [sflag:s9], $0x4000  }
0x4f: {  	[sflag:s9] =	ssyncset.done $0x0  }
0x50: {  	[sflag:s9] =	ssyncadd.s32 $0xFFFFC000  }
0x51: {  	_ =	strace $0x90000058  }
0x52: {  	_ =	strace $0x80000059  }
0x53: {  	[hbm4b:s13+s3] =	stream.linear.scatter [tilespmem:s12], [sflag:$0x4], $0x4000, $0x200038;
	[tilespmem:$0x8100] =	vst v63  }
0x54: {  	_ =	strace $0x90000059  }
0x55: {  	_ =	strace $0x8000005A  }
0x56: {  	_ =	swait.ge [sflag:s14], $0x4000  }
0x57: {  	[sflag:s14] =	ssyncset.done $0x0  }
0x58: {  	[sflag:s14] =	ssyncadd.s32 $0xFFFFC000  }
.Ltmp1:
0x59: {  	_ =	strace $0x9000005A;
	(pc) =	sbr.rel @p0 .LBB2_1-.Ltmp1, $4  }
0x5a: {  	_ =	strace $0x8000005B  }
0x5b: {  	_ =	swait.ge [sflag:s15], $0x4000  }
0x5c: {  	[sflag:s15] =	ssyncset.done $0x0  }
0x5d: {  	[sflag:s15] =	ssyncadd.s32 $0xFFFFC000  }
.LBB2_2:
0x5e: {  	_ =	strace $0x9000005B  }
0x5f: {  	_ =	sfence.sel $0x180000  }
0x60: {  	[bflag:$0x0] =	sbarrier.arrive $0xFFFF  }
0x61: {  	p0 =	sne.s32 s1, $0x0;
	_ =	strace $0x90000054  }
0x62: {  	s0 =	sadd.s32 @!p0 $0x100000, s0;
	[bflag:$0x2] =	sbarrier.arrive $0xFFFF  }
0x63: {  	[sflag:s0] =	ssyncadd.tile.s32 @!p0 $0x1;
	_ =	shalt  }
.Lfunc_end2:
_tile_overlayer_lowered:
.L_overlay_start_2:
0x64: {  	(tag) =	ssettag $0x2  }
0x65: {  	s0 =	rddreg [dreg:$0x0];
	s2 =	stileid.u32  }
0x66: {  	s1 =	rddreg [dreg:$0x1];
	p0 =	sne.s32 s2, $0x0  }
0x67: {  	s3 =	rddreg [dreg:$0x2];
	[bflag:$0x3] =	sbarrier.arrive $0xFFFF;
	s2 =	simm.s32 @!p0 $0x1C01  }
0x68: {  	[timem:s3], [sflag:s2] =	dma.local @!p0 [hbm:s0], s1  }
0x69: {  	s0 =	simm.s32 @!p0 $0x1  }
0x6a: {  	_ =	swait.ge @!p0 [sflag:s0], s1  }
0x6b: {  	s1 =	ssub.s32 @!p0 $0x0, s1;
	[sflag:s0] =	ssyncset.done @!p0 $0x0  }
0x6c: {  	[sflag:s0] =	ssyncadd.s32 @!p0 s1  }
0x6d: {  	[bflag:$0x3] =	sbarrier.arrive $0xFFFF  }
0x6e: {  	_ =	shalt  }

// kernel: kernel.15.cloned.1.call-start
scs
__scs_entry_jumppad:
0x0: {  	(pc) =	sbr.rel $0x88, $3  }
0x1: {  	(tag) =	ssettag $0x0;
	lr =	simm.s32 $0x1  }
0x2: {  	[smem:$0x3F9C] =	sst lr;
	_ =	strace $0xD0000000  }
0x3: {  	_ = 	snop  }
0x4: {  	_ = 	snop  }
0x5: {  	_ = 	snop  }
0x6: {  	_ = 	snop  }
0x7: {  	_ = 	snop  }
__scs_overlays_trampoline_lowered:
0x8: {  	[smem:$0x3FAB] =	sst s0  }
0x9: {  	[smem:$0x3FAC] =	sst s1  }
0xa: {  	[smem:$0x3FAD] =	sst s2  }
0xb: {  	[smem:$0x3FAE] =	sst s3  }
0xc: {  	[smem:$0x3FAF] =	sst s4  }
0xd: {  	[smem:$0x3FB0] =	sst s5  }
0xe: {  	[smem:$0x3FB1] =	sst s6  }
0xf: {  	[smem:$0x3FB2] =	sst s7  }
0x10: {  	[smem:$0x3FB3] =	sst s8  }
0x11: {  	[smem:$0x3FB4] =	sst s9;
	s0 =	simm.s32 @!p0 $0x0  }
0x12: {  	s1 =	sld [smem:$0x3F9A];
	s0 =	simm.s32 @p0 $0x1  }
0x13: {  	[smem:$0x3FB5] =	sst s0;
	s0 =	simm.s32 @!p1 $0x0  }
0x14: {  	s2 =	sld [smem:$0x3F99];
	s0 =	simm.s32 @p1 $0x1  }
0x15: {  	[smem:$0x3FB6] =	sst s0;
	s0 =	simm.s32 @!p2 $0x0  }
0x16: {  	s3 =	sld [smem:$0x3FDB];
	s0 =	simm.s32 @p2 $0x1  }
0x17: {  	s4 =	simm.s32 $0x1BF5;
	[smem:$0x3FB8] =	sst s0  }
0x18: {  	s0 =	sld [smem:$0x3F9B];
	_ =	swait.ge [sflag:s4], $0x0  }
0x19: {  	s7 =	sld [smem:$0x3F9C]  }
0x1a: {  	s8 =	sadd.s32 $0xFFFFE003, lr  }
0x1b: {  	s9 =	sadd.s32 $0xFFFFFEF7, lr;
	s5 =	simm.s32 $0xFFFFFFFF;
	p2 =	slt.u32 s8, $0xFFFFF086  }
0x1c: {  	p1 =	slt.u32 s9, $0xF7A;
	s5 =	simm.s32 @!p2 $0x0  }
0x1d: {  	s5 =	simm.s32 @p1 $0x1;
	p0 =	seq.s32 s7, s2  }
0x1e: {  	s7 =	smul.u32 @!p0 $0xF7A, s2;
	p2 =	seq.s32 @!p0 s5, $0x0  }
0x1f: {  	s9 =	smul.u32 $0xF7A, s1;
	s8 =	simm.s32 @!p0 $0x1BF5;
	p2 =	por !p2, p0  }
0x20: {  	[sflag:s8] =	ssyncset.s32 @!p0 $0xFFFFF086;
	s6 =	sadd.s32 @!p0 s3, s7;
	s7 =	simm.s32 @!p0 $0x108  }
0x21: {  	s3 =	sadd.s32 s3, s9;
	s6 =	sadd.s32 @!p0 $0x88, s6;
	s7 =	simm.s32 @p2 $0x1082  }
0x22: {  	[simem:s7], [sflag:s8] =	dma.local @!p0 [hbm:s6], $0xF7A  }
0x23: {  	s9 =	sor.u32 $0xD0000000, s2;
	s6 =	simm.s32 $0x108;
	_ =	swait.ge @!p0 [sflag:s8], $0x0  }
0x24: {  	s3 =	sadd.s32 $0x88, s3;
	s6 =	simm.s32 @!p1 $0x1082;
	[sflag:s4] =	ssyncset.s32 $0xFFFFF086  }
0x25: {  	[simem:s6], [sflag:s4] =	dma.local [hbm:s3], $0xF7A  }
0x26: {  	[smem:$0x3F9C] =	sst s1;
	(tag) =	ssettag s2;
	_ =	strace s9  }
0x27: {  	s1 =	sld [smem:$0x3FAC]  }
0x28: {  	s2 =	sld [smem:$0x3FAD]  }
0x29: {  	s4 =	sld [smem:$0x3FAF]  }
0x2a: {  	p0 =	seq.s32 s5, $0x0;
	s5 =	sld [smem:$0x3FB0]  }
0x2b: {  	s6 =	sld [smem:$0x3FB1]  }
0x2c: {  	s7 =	sld [smem:$0x3FB2]  }
0x2d: {  	s3 =	simm.s32 $0x108;
	s8 =	sld [smem:$0x3FB3]  }
0x2e: {  	s3 =	simm.s32 @!p0 $0x1082;
	s9 =	sld [smem:$0x3FB4]  }
0x2f: {  	lr =	sadd.s32 s0, s3;
	s0 =	sld [smem:$0x3FAB]  }
0x30: {  	s3 =	sld [smem:$0x3FAE]  }
0x31: {  	[smem:$0x3FB7] =	sst s10  }
0x32: {  	s10 =	sld [smem:$0x3FB5];
	_ =	sdelay $0x3  }
0x33: {  	p0 =	seq.s32 s10, $0x1;
	s10 =	sld [smem:$0x3FB7];
	_ =	sdelay $0x3  }
0x34: {  	[smem:$0x3FB7] =	sst s10  }
0x35: {  	s10 =	sld [smem:$0x3FB6];
	_ =	sdelay $0x3  }
0x36: {  	p1 =	seq.s32 s10, $0x1;
	s10 =	sld [smem:$0x3FB7];
	_ =	sdelay $0x3  }
0x37: {  	[smem:$0x3FB7] =	sst s10  }
0x38: {  	s10 =	sld [smem:$0x3FB8]  }
0x39: {  	_ = 	snop;
	(pc) =	sbr.ind lr, $3  }
0x3a: {  	_ = 	snop  }
0x3b: {  	_ = 	snop  }
0x3c: {  	p2 =	seq.s32 s10, $0x1;
	s10 =	sld [smem:$0x3FB7]  }
0x3d: {  	_ =	shalt  }
0x3e: {  	_ =	shalt  }
0x3f: {  	_ =	shalt  }
0x40: {  	_ =	shalt  }
0x41: {  	_ =	shalt  }
0x42: {  	_ =	shalt  }
0x43: {  	_ =	shalt  }
0x44: {  	_ =	shalt  }
0x45: {  	_ =	shalt  }
0x46: {  	_ =	shalt  }
0x47: {  	_ =	shalt  }
0x48: {  	_ =	shalt  }
0x49: {  	_ =	shalt  }
0x4a: {  	_ =	shalt  }
0x4b: {  	_ =	shalt  }
0x4c: {  	_ =	shalt  }
0x4d: {  	_ =	shalt  }
0x4e: {  	_ =	shalt  }
0x4f: {  	_ =	shalt  }
0x50: {  	_ =	shalt  }
0x51: {  	_ =	shalt  }
0x52: {  	_ =	shalt  }
0x53: {  	_ =	shalt  }
0x54: {  	_ =	shalt  }
0x55: {  	_ =	shalt  }
0x56: {  	_ =	shalt  }
0x57: {  	_ =	shalt  }
0x58: {  	_ =	shalt  }
0x59: {  	_ =	shalt  }
0x5a: {  	_ =	shalt  }
0x5b: {  	_ =	shalt  }
0x5c: {  	_ =	shalt  }
0x5d: {  	_ =	shalt  }
0x5e: {  	_ =	shalt  }
0x5f: {  	_ =	shalt  }
0x60: {  	_ =	shalt  }
0x61: {  	_ =	shalt  }
0x62: {  	_ =	shalt  }
0x63: {  	_ =	shalt  }
0x64: {  	_ =	shalt  }
0x65: {  	_ =	shalt  }
0x66: {  	_ =	shalt  }
0x67: {  	_ =	shalt  }
0x68: {  	_ =	shalt  }
0x69: {  	_ =	shalt  }
0x6a: {  	_ =	shalt  }
0x6b: {  	_ =	shalt  }
0x6c: {  	_ =	shalt  }
0x6d: {  	_ =	shalt  }
0x6e: {  	_ =	shalt  }
0x6f: {  	_ =	shalt  }
0x70: {  	_ =	shalt  }
0x71: {  	_ =	shalt  }
0x72: {  	_ =	shalt  }
0x73: {  	_ =	shalt  }
0x74: {  	_ =	shalt  }
0x75: {  	_ =	shalt  }
0x76: {  	_ =	shalt  }
0x77: {  	_ =	shalt  }
0x78: {  	_ =	shalt  }
0x79: {  	_ =	shalt  }
0x7a: {  	_ =	shalt  }
0x7b: {  	_ =	shalt  }
0x7c: {  	_ =	shalt  }
0x7d: {  	_ =	shalt  }
0x7e: {  	_ =	shalt  }
0x7f: {  	_ =	shalt  }
0x80: {  	_ =	shalt  }
0x81: {  	_ =	shalt  }
0x82: {  	_ =	shalt  }
0x83: {  	_ =	shalt  }
0x84: {  	_ =	shalt  }
0x85: {  	_ =	shalt  }
0x86: {  	_ =	shalt  }
0x87: {  	_ =	shalt  }
.Lfunc_end0:
.L_simem_size_0:
called_computation.3_lowered:
.L_overlay_start_0:
0x88: {  	s2 =	sld [smem:$0x3FD9]  }
0x89: {  	s3 =	sld [smem:$0x3FFE];
	_ =	sdelay $0x1  }
0x8a: {  	s1 =	srdreg.scid  }
0x8b: {  	s0 =	sand.u32 $0x1, s1  }
0x8c: {  	s17 =	sshll.u32 s0, $0xA;
	s2 =	sadd.s32 s3, s2  }
0x8d: {  	s2 =	sadd.s32 s2, s17  }
0x8e: {  	[smem:$0x3FC3] =	sst s2  }
0x8f: {  	_ = 	snop  }
0x90: {  	(tm) =	ssettm $0x1  }
0x91: {  	s18 =	sld [smem:$0x3FFB];
	_ =	sdelay $0x3  }
0x92: {  	_ =	strace s18  }
0x93: {  	s2 =	sld [smem:$0x3FFC];
	_ =	sdelay $0x3  }
0x94: {  	_ =	strace s2  }
0x95: {  	s2 =	sld [smem:$0x3FFD];
	_ =	sdelay $0x3  }
0x96: {  	_ =	strace s2  }
0x97: {  	_ =	strace $0x8FFFFFFF  }
0x98: {  	s19 =	sld [smem:$0x3FDB];
	_ =	sdelay $0x1  }
0x99: {  	s20 =	simm.s32 $_scs_section_size  }
0x9a: {  	s4 =	simm.s32 $_size__tile_overlayer_lowered;
	s5 =	simm.s32 $_tile_overlayer_lowered  }
0x9b: {  	s6 =	simm.s32 $0x1BFF;
	s21 =	sshll.u32 s5, $0x1;
	s3 =	sadd.s32 s20, s19  }
0x9c: {  	s22 =	simm.s32 $0x0;
	s4 =	sshll.u32 s4, $0x1;
	s5 =	sadd.s32 s21, s3  }
0x9d: {  	[timem:s22], [sflag:s6] =	dma.local [hbm:s5], s4  }
0x9e: {  	_ =	swait.ge [sflag:s6], s4  }
0x9f: {  	s4 =	ssub.s32 $0x0, s4;
	[sflag:s6] =	ssyncset.done $0x0  }
0xa0: {  	[sflag:s6] =	ssyncadd.s32 s4;
	_ =	sdelay $0x1  }
0xa1: {  	s23 =	simm.s32 $0x1B8B  }
0xa2: {  	_ =	swait.ge [sflag:s23], $0x1  }
0xa3: {  	[sflag:s23] =	ssyncset.done $0x0  }
0xa4: {  	[sflag:s23] =	ssyncadd.s32 $0xFFFFFFFF  }
0xa5: {  	s4 =	sld [smem:$0x0]  }
0xa6: {  	s5 =	sand.u32 $0xFFFFFFFE, s1  }
0xa7: {  	p0 =	sne.s32 s1, s5  }
0xa8: {  	s5 =	sshll.u32 @p0 s5, $0xE  }
0xa9: {  	s5 =	sadd.s32 @p0 $0x11B8D, s5;
	s6 =	sshll.u32 @p0 s4, $0x11  }
0xaa: {  	s5 =	sor.u32 @p0 s6, s5  }
0xab: {  	[sflag:s5] =	ssyncadd.remote.s32 @p0 $0x1;
	_ =	sdelay $0x1  }
0xac: {  	s5 =	simm.s32 @p0 $0x1B8D  }
0xad: {  	_ =	swait.eq @p0 [sflag:s5], $0x1  }
0xae: {  	[sflag:s5] =	ssyncadd.s32 @p0 $0xFFFFFFFF  }
0xaf: {  	s6 =	sshll.u32 @!p0 s1, $0xE  }
0xb0: {  	s6 =	sor.u32 @!p0 $0x4000, s6;
	s5 =	simm.s32 @!p0 $0x1B8D  }
0xb1: {  	s4 =	sshll.u32 @!p0 s4, $0x11;
	s6 =	sadd.s32 @!p0 $0x11B8D, s6;
	_ =	swait.eq @!p0 [sflag:s5], $0x1  }
0xb2: {  	s4 =	sor.u32 @!p0 s4, s6;
	[sflag:s5] =	ssyncadd.s32 @!p0 $0xFFFFFFFF  }
0xb3: {  	s25 =	simm.s32 $0x1B8E;
	s24 =	sld [smem:$0x3FFE];
	[sflag:s4] =	ssyncadd.remote.s32 @!p0 $0x1  }
0xb4: {  	s26 =	simm.s32 $execute0_lowered;
	[smem:$0x3FD2] =	sst s25  }
0xb5: {  	s5 =	sshll.u32 s26, $0x1;
	_ =	strace $0x80000067;
	[dreg:$0x1] =	wrdreg $0xFFFFFFFF  }
0xb6: {  	s28 =	simm.s32 $_size_execute0_lowered;
	s3 =	sadd.s32 s3, s5;
	[dreg:$0x0] =	wrdreg $0x0  }
0xb7: {  	s5 =	sshll.u32 s28, $0x1;
	[dreg:$0x2] =	wrdreg s3  }
0xb8: {  	[dreg:$0x3] =	wrdreg s5  }
0xb9: {  	[dreg:$0x4] =	wrdreg $0xC0  }
0xba: {  	_ =	task [dreg:s22], $0x5FFFF  }
0xbb: {  	[dreg:$0x1] =	wrdreg $0xFFFFFFFF  }
0xbc: {  	[dreg:$0x0] =	wrdreg $0x60  }
0xbd: {  	[dreg:$0x2] =	wrdreg s24  }
0xbe: {  	[dreg:$0x3] =	wrdreg $0xC  }
0xbf: {  	_ =	task.clear_ibuf [dreg:s22], $0x4FFFF;
	_ =	strace $0x90000067  }
0xc0: {  	s29 =	simm.s32 $0xC;
	_ =	strace $0x80000070  }
0xc1: {  	_ =	swait.ge [sflag:s29], $0x1  }
0xc2: {  	[sflag:s29] =	ssyncadd.s32 $0xFFFFFFFF  }
0xc3: {  	_ =	strace $0x90000070  }
0xc4: {  	_ =	sfence  }
0xc5: {  	s30 =	sld [smem:$0x0];
	_ =	sdelay $0x2  }
0xc6: {  	s31 =	sshll.u32 s1, $0xD;
	s1 =	sshrl.u32 s1, $0x2  }
0xc7: {  	s4 =	sand.u32 $0x4000, s31;
	s1 =	sadd.s32 s1, s30  }
0xc8: {  	s0 =	sor.u32 s4, s0;
	s1 =	sshll.u32 s1, $0x11  }
0xc9: {  	s0 =	sor.u32 s1, s0  }
0xca: {  	s0 =	sadd.s32 $0x8F2B, s0  }
0xcb: {  	[sflag:s0] =	ssyncadd.remote.s32 $0x1  }
0xcc: {  	_ =	sfence.sel $0xFFFF  }
0xcd: {  	[dreg:$0x0] =	wrdreg $0xFFFFFFFF;
	(pc) =	sbr.abs _section_cstart, $3  }
0xce: {  	[dreg:$0x1] =	wrdreg $0xFFFFFFFF  }
0xcf: {  	_ =	task.clear_ibuf [dreg:s22], $0x2FFFF;
	_ =	strace $0x9FFFFFFF  }
0xd0: {  	(tm) =	ssettm $0x7FFFFFFF  }
0xd1: {  	_ =	shalt  }
tec
execute0_lowered:
.L_overlay_start_1:
0x0: {  	(tag) =	ssettag $0x1  }
0x1: {  	s5 =	rddreg [dreg:$0x0]  }
0x2: {  	s0 =	rddreg [dreg:$0x1];
	s1 =	simm.s32 $0x0  }
0x3: {  	s2 =	srdreg.scid;
	s9 =	simm.s32 $0x4;
	[smem:$0x7FF] =	sst s1  }
0x4: {  	s10 =	simm.s32 $0x0;
	s3 =	sadd.s32 $0x4C3E00, s5;
	s4 =	sadd.s32 $0x4C3600, s5  }
0x5: {  	s6 =	sand.u32 $0x1, s2;
	s2 =	stileid.u32;
	s5 =	sadd.s32 $0x2600, s5  }
0x6: {  	_ =	strace $0x80000068;
	s7 =	ssub.s32 $0x2, s6;
	s6 =	sshll.u32 s6, $0x4  }
0x7: {  	v2 =	vlaneseq.u32;
	[dreg:$0x2] =	wrdreg s5;
	s8 =	sshrl.u32 s7, $0x1;
	s6 =	sor.u32 s2, s6  }
0x8: {  	vm0 =	vmmov $0xffff;
	v1 =	vshrl.u32 v2, $0x3;
	s7 =	ssub.s32 s7, s8;
	s31 =	sshll.u32 s6, $0x6;
	s5 =	sshll.u32 s6, $0x2  }
0x9: {  	v0 =	vand.u32 $0x7, v2;
	v2 =	vor.u32 $0x8, v2;
	v1 =	vmul.u32 $0x8, v1;
	s8 =	simm.s32 $0x5;
	s6 =	sadd.s32 s4, s31;
	s7 =	smax.u32 s7, $0x1  }
.LBB2_1:
0xa: {  	_ =	strace $0x80000069;
	s11 =	simm.s32 $0x4  }
0xb: {  	s12 =	simm.s32 $0x0;
	s13 =	simm.s32 $0x0;
	s14 =	simm.s32 $0x0  }
0xc: {  	[tilespmem:s1], [sflag:$0x1] =	stream.linear.gather [hbm4b:s6+s1], $0x80, $0x200038;
	[tilespmem:$0x10100] =	vst v63  }
0xd: {  	s15 =	simm.s32 $0x0;
	s16 =	simm.s32 $0x1;
	_ =	strace $0x90000069  }
.LBB2_2:
0xe: {  	s17 =	smov.u32 s12;
	s12 =	sadd.s32 $0x1, s12  }
0xf: {  	p0 =	seq.s32 s12, $0x4  }
0x10: {  	s12 =	simm.s32 @p0 $0x0  }
0x11: {  	p6 =	sne.s32 s11, $0x1;
	p1 =	sne.s32 s17, s12  }
0x12: {  	p0 =	por !p6, !p1  }
0x13: {  	p0 =	por !p0, !p0  }
0x14: {  	s18 =	sadd.s32 @p0 s5, s12  }
0x15: {  	s19 =	sand.u32 @p0 $0x1, s16;
	s18 =	sshll.u32 @p0 s18, $0x4  }
0x16: {  	_ =	strace @p0 $0x8000006A;
	s21 =	simm.s32 @p0 $0x0;
	s18 =	sand.u32 @p0 $0x1FFFFFF0, s18  }
0x17: {  	s20 =	sshll.u32 @p0 s19, $0x7;
	s19 =	sadd.s32 @p0 $0x1, s19;
	s18 =	sadd.s32 @p0 s4, s18  }
0x18: {  	[tilespmem:s20], [sflag:s19] =	stream.linear.gather @p0 [hbm4b:s18+s21], $0x80, $0x200038;
	[tilespmem:$0x10100] =	vst v63  }
0x19: {  	s24 =	sand.u32 $0x1, s15;
	_ =	strace @p0 $0x9000006A  }
0x1a: {  	s18 =	sadd.s32 $0x1, s24;
	_ =	strace $0x8000006B  }
0x1b: {  	_ =	swait.ge [sflag:s18], $0x80  }
0x1c: {  	[sflag:s18] =	ssyncset.done $0x0  }
0x1d: {  	[sflag:s18] =	ssyncadd.s32 $0xFFFFFF80  }
0x1e: {  	s25 =	sshll.u32 s15, $0x7;
	_ =	strace $0x9000006B  }
0x1f: {  	s21 =	sand.u32 $0x80, s25;
	_ =	strace $0x8000006C  }
0x20: {  	v3 =	vld [tilespmem:s21+$0x0];
	_ =	sdelay $0x4  }
0x21: {  	v4 =	vshll.u32 v3, $0x1  }
0x22: {  	v3 =	vand.u32 $0x7, v3;
	v4 =	vand.u32 $0xFFFFFFF0, v4  }
0x23: {  	v3 =	vor.u32 v3, v4  }
0x24: {  	v4 =	vperm.xlane v3, v0;
	_ =	sdelay $0x1  }
0x25: {  	v3 =	vperm.xlane v3, v2;
	v4 =	vadd.s32 v1, v4;
	_ =	sdelay $0x1  }
0x26: {  	s18 =	sand.u32 $0x1, s14;
	v3 =	vadd.s32 v1, v3  }
0x27: {  	s20 =	sshll.u32 s18, $0xF  }
0x28: {  	s19 =	sor.u32 $0x100, s20  }
0x29: {  	[tilespmem:s19], [sflag:$0x5] =	stream.indirect_vreg.gather [hbm4b:s3+s1], $0x80, v4, vm0, $0x2000b8;
	[tilespmem:$0x10100] =	vst v63  }
0x2a: {  	s22 =	sor.u32 $0x900, s20  }
0x2b: {  	[tilespmem:s22], [sflag:$0x5] =	stream.indirect_vreg.gather [hbm4b:s3+s1], $0x80, v3, vm0, $0x2000b8;
	[tilespmem:$0x10100] =	vst v63  }
0x2c: {  	v3 =	vld [tilespmem:s21+$0x10];
	_ =	sdelay $0x4  }
0x2d: {  	v57 =	vshll.u32 v3, $0x1  }
0x2e: {  	v3 =	vand.u32 $0x7, v3;
	v4 =	vand.u32 $0xFFFFFFF0, v57  }
0x2f: {  	v3 =	vor.u32 v3, v4  }
0x30: {  	v4 =	vperm.xlane v3, v0;
	_ =	sdelay $0x1  }
0x31: {  	v3 =	vperm.xlane v3, v2;
	v4 =	vadd.s32 v1, v4;
	_ =	sdelay $0x1  }
0x32: {  	v3 =	vadd.s32 v1, v3;
	_ =	sdelay $0x1  }
0x33: {  	s26 =	sor.u32 $0x1100, s20  }
0x34: {  	[tilespmem:s26], [sflag:$0x5] =	stream.indirect_vreg.gather [hbm4b:s3+s1], $0x80, v4, vm0, $0x2000b8;
	[tilespmem:$0x10100] =	vst v63  }
0x35: {  	s28 =	sor.u32 $0x1900, s20  }
0x36: {  	[tilespmem:s28], [sflag:$0x5] =	stream.indirect_vreg.gather [hbm4b:s3+s1], $0x80, v3, vm0, $0x2000b8;
	[tilespmem:$0x10100] =	vst v63  }
0x37: {  	v3 =	vld [tilespmem:s21+$0x20];
	_ =	sdelay $0x4  }
0x38: {  	v58 =	vshll.u32 v3, $0x1  }
0x39: {  	v3 =	vand.u32 $0x7, v3;
	v4 =	vand.u32 $0xFFFFFFF0, v58  }
0x3a: {  	v3 =	vor.u32 v3, v4  }
0x3b: {  	v4 =	vperm.xlane v3, v0;
	_ =	sdelay $0x1  }
0x3c: {  	v3 =	vperm.xlane v3, v2;
	v4 =	vadd.s32 v1, v4;
	_ =	sdelay $0x1  }
0x3d: {  	v3 =	vadd.s32 v1, v3;
	_ =	sdelay $0x1  }
0x3e: {  	s29 =	sor.u32 $0x2100, s20  }
0x3f: {  	[tilespmem:s29], [sflag:$0x5] =	stream.indirect_vreg.gather [hbm4b:s3+s1], $0x80, v4, vm0, $0x2000b8;
	[tilespmem:$0x10100] =	vst v63  }
0x40: {  	s30 =	sor.u32 $0x2900, s20  }
0x41: {  	[tilespmem:s30], [sflag:$0x5] =	stream.indirect_vreg.gather [hbm4b:s3+s1], $0x80, v3, vm0, $0x2000b8;
	[tilespmem:$0x10100] =	vst v63  }
0x42: {  	v3 =	vld [tilespmem:s21+$0x30];
	_ =	sdelay $0x4  }
0x43: {  	v59 =	vshll.u32 v3, $0x1  }
0x44: {  	v3 =	vand.u32 $0x7, v3;
	v4 =	vand.u32 $0xFFFFFFF0, v59  }
0x45: {  	v3 =	vor.u32 v3, v4  }
0x46: {  	v4 =	vperm.xlane v3, v0;
	_ =	sdelay $0x1  }
0x47: {  	v3 =	vperm.xlane v3, v2;
	v4 =	vadd.s32 v1, v4;
	_ =	sdelay $0x1  }
0x48: {  	v3 =	vadd.s32 v1, v3;
	_ =	sdelay $0x1  }
0x49: {  	s31 =	sor.u32 $0x3100, s20  }
0x4a: {  	[tilespmem:s31], [sflag:$0x5] =	stream.indirect_vreg.gather [hbm4b:s3+s1], $0x80, v4, vm0, $0x2000b8;
	[tilespmem:$0x10100] =	vst v63  }
0x4b: {  	s23 =	sor.u32 $0x3900, s20  }
0x4c: {  	[tilespmem:s23], [sflag:$0x5] =	stream.indirect_vreg.gather [hbm4b:s3+s1], $0x80, v3, vm0, $0x2000b8;
	[tilespmem:$0x10100] =	vst v63  }
0x4d: {  	v3 =	vld [tilespmem:s21+$0x40];
	_ =	sdelay $0x4  }
0x4e: {  	v60 =	vshll.u32 v3, $0x1  }
0x4f: {  	v3 =	vand.u32 $0x7, v3;
	v4 =	vand.u32 $0xFFFFFFF0, v60  }
0x50: {  	v3 =	vor.u32 v3, v4  }
0x51: {  	v4 =	vperm.xlane v3, v0;
	_ =	sdelay $0x1  }
0x52: {  	v3 =	vperm.xlane v3, v2;
	v4 =	vadd.s32 v1, v4;
	_ =	sdelay $0x1  }
0x53: {  	v3 =	vadd.s32 v1, v3;
	_ =	sdelay $0x1  }
0x54: {  	s24 =	sor.u32 $0x4100, s20  }
0x55: {  	[tilespmem:s24], [sflag:$0x5] =	stream.indirect_vreg.gather [hbm4b:s3+s1], $0x80, v4, vm0, $0x2000b8;
	[tilespmem:$0x10100] =	vst v63  }
0x56: {  	s25 =	sor.u32 $0x4900, s20  }
0x57: {  	[tilespmem:s25], [sflag:$0x5] =	stream.indirect_vreg.gather [hbm4b:s3+s1], $0x80, v3, vm0, $0x2000b8;
	[tilespmem:$0x10100] =	vst v63  }
0x58: {  	v3 =	vld [tilespmem:s21+$0x50];
	_ =	sdelay $0x4  }
0x59: {  	v61 =	vshll.u32 v3, $0x1  }
0x5a: {  	v3 =	vand.u32 $0x7, v3;
	v4 =	vand.u32 $0xFFFFFFF0, v61  }
0x5b: {  	v3 =	vor.u32 v3, v4  }
0x5c: {  	v4 =	vperm.xlane v3, v0;
	_ =	sdelay $0x1  }
0x5d: {  	v3 =	vperm.xlane v3, v2;
	v4 =	vadd.s32 v1, v4;
	_ =	sdelay $0x1  }
0x5e: {  	v3 =	vadd.s32 v1, v3;
	_ =	sdelay $0x1  }
0x5f: {  	s26 =	sor.u32 $0x5100, s20  }
0x60: {  	[tilespmem:s26], [sflag:$0x5] =	stream.indirect_vreg.gather [hbm4b:s3+s1], $0x80, v4, vm0, $0x2000b8;
	[tilespmem:$0x10100] =	vst v63  }
0x61: {  	s28 =	sor.u32 $0x5900, s20  }
0x62: {  	[tilespmem:s28], [sflag:$0x5] =	stream.indirect_vreg.gather [hbm4b:s3+s1], $0x80, v3, vm0, $0x2000b8;
	[tilespmem:$0x10100] =	vst v63  }
0x63: {  	v3 =	vld [tilespmem:s21+$0x60];
	_ =	sdelay $0x4  }
0x64: {  	v62 =	vshll.u32 v3, $0x1  }
0x65: {  	v3 =	vand.u32 $0x7, v3;
	v4 =	vand.u32 $0xFFFFFFF0, v62  }
0x66: {  	v3 =	vor.u32 v3, v4  }
0x67: {  	v4 =	vperm.xlane v3, v0;
	_ =	sdelay $0x1  }
0x68: {  	v3 =	vperm.xlane v3, v2;
	v4 =	vadd.s32 v1, v4;
	_ =	sdelay $0x1  }
0x69: {  	v3 =	vadd.s32 v1, v3;
	_ =	sdelay $0x1  }
0x6a: {  	s29 =	sor.u32 $0x6100, s20  }
0x6b: {  	[tilespmem:s29], [sflag:$0x5] =	stream.indirect_vreg.gather [hbm4b:s3+s1], $0x80, v4, vm0, $0x2000b8;
	[tilespmem:$0x10100] =	vst v63  }
0x6c: {  	s30 =	sor.u32 $0x6900, s20  }
0x6d: {  	[tilespmem:s30], [sflag:$0x5] =	stream.indirect_vreg.gather [hbm4b:s3+s1], $0x80, v3, vm0, $0x2000b8;
	[tilespmem:$0x10100] =	vst v63  }
0x6e: {  	v3 =	vld [tilespmem:s21+$0x70];
	_ =	sdelay $0x4  }
0x6f: {  	v63 =	vshll.u32 v3, $0x1  }
0x70: {  	v3 =	vand.u32 $0x7, v3;
	v4 =	vand.u32 $0xFFFFFFF0, v63  }
0x71: {  	v3 =	vor.u32 v3, v4  }
0x72: {  	v4 =	vperm.xlane v3, v0;
	_ =	sdelay $0x1  }
0x73: {  	v3 =	vperm.xlane v3, v2;
	v4 =	vadd.s32 v1, v4;
	_ =	sdelay $0x1  }
0x74: {  	v3 =	vadd.s32 v1, v3;
	_ =	sdelay $0x1  }
0x75: {  	s31 =	sor.u32 $0x7100, s20  }
0x76: {  	[tilespmem:s31], [sflag:$0x5] =	stream.indirect_vreg.gather [hbm4b:s3+s1], $0x80, v4, vm0, $0x2000b8;
	[tilespmem:$0x10100] =	vst v63  }
0x77: {  	s20 =	sor.u32 $0x7900, s20  }
0x78: {  	[tilespmem:s20], [sflag:$0x5] =	stream.indirect_vreg.gather [hbm4b:s3+s1], $0x80, v3, vm0, $0x2000b8;
	[tilespmem:$0x10100] =	vst v63  }
0x79: {  	_ =	swait.ge [sflag:s8], $0x8000  }
0x7a: {  	p2 =	seq.s32 s11, $0x1;
	[sflag:s8] =	ssyncset.done $0x0  }
0x7b: {  	s17 =	sadd.s32 s5, s17;
	p1 =	por p2, p1;
	[sflag:s8] =	ssyncadd.s32 $0xFFFF8000  }
0x7c: {  	s17 =	sshll.u32 @p1 s17, $0xC;
	_ =	strace $0x9000006C  }
0x7d: {  	s17 =	sand.u32 @p1 $0x1FFFF000, s17;
	s21 =	simm.s32 $0x1;
	_ =	strace @p1 $0x8000006D  }
0x7e: {  	s18 =	sadd.s32 @p1 $0x3, s18;
	s21 =	simm.s32 @!p0 $0x0;
	s20 =	rddreg [dreg:$0x2]  }
0x7f: {  	p0 =	seq.s32 s11, $0x4;
	s17 =	sadd.s32 @p1 s20, s17;
	s20 =	simm.s32 @p1 $0x0  }
0x80: {  	[hbm4b:s17+s20] =	stream.linear.scatter @p1 [tilespmem:s19], [sflag:s18], $0x8000, $0x200038;
	[tilespmem:$0x10100] =	vst v63  }
0x81: {  	s17 =	simm.s32 $0x1;
	s19 =	simm.s32 $0x1;
	_ =	strace @p1 $0x9000006D  }
0x82: {  	s17 =	simm.s32 @!p1 $0x0;
	p1 =	sne.s32 s11, $0x4;
	s11 =	sadd.s32 $0xFFFFFFFF, s11  }
0x83: {  	s18 =	sand.u32 @!p0 $0x1, s13;
	s19 =	simm.s32 @!p1 $0x0;
	p1 =	sne.s32 s11, $0x0  }
.Ltmp0:
0x84: {  	s18 =	sadd.s32 @!p0 $0x3, s18;
	_ =	strace @!p0 $0x8000006E;
	(pc) =	sbr.rel @p1 .LBB2_2-.Ltmp0, $4  }
0x85: {  	_ =	swait.ge @!p0 [sflag:s18], $0x8000  }
0x86: {  	[sflag:s18] =	ssyncset.done @!p0 $0x0  }
0x87: {  	s16 =	sadd.s32 s21, s16;
	s14 =	sadd.s32 s17, s14;
	[sflag:s18] =	ssyncadd.s32 @!p0 $0xFFFF8000  }
0x88: {  	s15 =	sadd.s32 s17, s15;
	s13 =	sadd.s32 s19, s13;
	_ =	strace @!p0 $0x9000006E  }
0x89: {  	s10 =	sadd.s32 $0x1, s10  }
0x8a: {  	p0 =	sne.s32 s10, s7  }
.Ltmp1:
0x8b: {  	_ =	strace $0x8000006F;
	(pc) =	sbr.rel @p0 .LBB2_1-.Ltmp1, $4  }
0x8c: {  	_ =	swait.ge [sflag:s9], $0x8000  }
0x8d: {  	[sflag:s9] =	ssyncset.done $0x0  }
0x8e: {  	[sflag:s9] =	ssyncadd.s32 $0xFFFF8000  }
0x8f: {  	_ =	strace $0x9000006F  }
0x90: {  	_ =	sfence.sel $0x180000  }
0x91: {  	[bflag:$0x0] =	sbarrier.arrive $0xFFFF  }
0x92: {  	p0 =	sne.s32 s2, $0x0;
	_ =	strace $0x90000068  }
0x93: {  	s0 =	sadd.s32 @!p0 $0x100000, s0;
	[bflag:$0x2] =	sbarrier.arrive $0xFFFF  }
0x94: {  	[sflag:s0] =	ssyncadd.tile.s32 @!p0 $0x1;
	_ =	shalt  }
.Lfunc_end2:
_tile_overlayer_lowered:
.L_overlay_start_2:
0x95: {  	(tag) =	ssettag $0x2  }
0x96: {  	s0 =	rddreg [dreg:$0x0];
	s2 =	stileid.u32  }
0x97: {  	s1 =	rddreg [dreg:$0x1];
	p0 =	sne.s32 s2, $0x0  }
0x98: {  	s3 =	rddreg [dreg:$0x2];
	[bflag:$0x3] =	sbarrier.arrive $0xFFFF;
	s2 =	simm.s32 @!p0 $0x1C01  }
0x99: {  	[timem:s3], [sflag:s2] =	dma.local @!p0 [hbm:s0], s1  }
0x9a: {  	s0 =	simm.s32 @!p0 $0x1  }
0x9b: {  	_ =	swait.ge @!p0 [sflag:s0], s1  }
0x9c: {  	s1 =	ssub.s32 @!p0 $0x0, s1;
	[sflag:s0] =	ssyncset.done @!p0 $0x0  }
0x9d: {  	[sflag:s0] =	ssyncadd.s32 @!p0 s1  }
0x9e: {  	[bflag:$0x3] =	sbarrier.arrive $0xFFFF  }
0x9f: {  	_ =	shalt  }

// kernel: kernel.18.cloned.1.call-start
scs
__scs_entry_jumppad:
0x0: {  	(pc) =	sbr.rel $0x88, $3  }
0x1: {  	(tag) =	ssettag $0x0;
	lr =	simm.s32 $0x1  }
0x2: {  	[smem:$0x3F9C] =	sst lr;
	_ =	strace $0xD0000000  }
0x3: {  	_ = 	snop  }
0x4: {  	_ = 	snop  }
0x5: {  	_ = 	snop  }
0x6: {  	_ = 	snop  }
0x7: {  	_ = 	snop  }
__scs_overlays_trampoline_lowered:
0x8: {  	[smem:$0x3FAB] =	sst s0  }
0x9: {  	[smem:$0x3FAC] =	sst s1  }
0xa: {  	[smem:$0x3FAD] =	sst s2  }
0xb: {  	[smem:$0x3FAE] =	sst s3  }
0xc: {  	[smem:$0x3FAF] =	sst s4  }
0xd: {  	[smem:$0x3FB0] =	sst s5  }
0xe: {  	[smem:$0x3FB1] =	sst s6  }
0xf: {  	[smem:$0x3FB2] =	sst s7  }
0x10: {  	[smem:$0x3FB3] =	sst s8  }
0x11: {  	[smem:$0x3FB4] =	sst s9;
	s0 =	simm.s32 @!p0 $0x0  }
0x12: {  	s1 =	sld [smem:$0x3F9A];
	s0 =	simm.s32 @p0 $0x1  }
0x13: {  	[smem:$0x3FB5] =	sst s0;
	s0 =	simm.s32 @!p1 $0x0  }
0x14: {  	s2 =	sld [smem:$0x3F99];
	s0 =	simm.s32 @p1 $0x1  }
0x15: {  	[smem:$0x3FB6] =	sst s0;
	s0 =	simm.s32 @!p2 $0x0  }
0x16: {  	s3 =	sld [smem:$0x3FDB];
	s0 =	simm.s32 @p2 $0x1  }
0x17: {  	s4 =	simm.s32 $0x1BF5;
	[smem:$0x3FB8] =	sst s0  }
0x18: {  	s0 =	sld [smem:$0x3F9B];
	_ =	swait.ge [sflag:s4], $0x0  }
0x19: {  	s7 =	sld [smem:$0x3F9C]  }
0x1a: {  	s8 =	sadd.s32 $0xFFFFE003, lr  }
0x1b: {  	s9 =	sadd.s32 $0xFFFFFEF7, lr;
	s5 =	simm.s32 $0xFFFFFFFF;
	p2 =	slt.u32 s8, $0xFFFFF086  }
0x1c: {  	p1 =	slt.u32 s9, $0xF7A;
	s5 =	simm.s32 @!p2 $0x0  }
0x1d: {  	s5 =	simm.s32 @p1 $0x1;
	p0 =	seq.s32 s7, s2  }
0x1e: {  	s7 =	smul.u32 @!p0 $0xF7A, s2;
	p2 =	seq.s32 @!p0 s5, $0x0  }
0x1f: {  	s9 =	smul.u32 $0xF7A, s1;
	s8 =	simm.s32 @!p0 $0x1BF5;
	p2 =	por !p2, p0  }
0x20: {  	[sflag:s8] =	ssyncset.s32 @!p0 $0xFFFFF086;
	s6 =	sadd.s32 @!p0 s3, s7;
	s7 =	simm.s32 @!p0 $0x108  }
0x21: {  	s3 =	sadd.s32 s3, s9;
	s6 =	sadd.s32 @!p0 $0x88, s6;
	s7 =	simm.s32 @p2 $0x1082  }
0x22: {  	[simem:s7], [sflag:s8] =	dma.local @!p0 [hbm:s6], $0xF7A  }
0x23: {  	s9 =	sor.u32 $0xD0000000, s2;
	s6 =	simm.s32 $0x108;
	_ =	swait.ge @!p0 [sflag:s8], $0x0  }
0x24: {  	s3 =	sadd.s32 $0x88, s3;
	s6 =	simm.s32 @!p1 $0x1082;
	[sflag:s4] =	ssyncset.s32 $0xFFFFF086  }
0x25: {  	[simem:s6], [sflag:s4] =	dma.local [hbm:s3], $0xF7A  }
0x26: {  	[smem:$0x3F9C] =	sst s1;
	(tag) =	ssettag s2;
	_ =	strace s9  }
0x27: {  	s1 =	sld [smem:$0x3FAC]  }
0x28: {  	s2 =	sld [smem:$0x3FAD]  }
0x29: {  	s4 =	sld [smem:$0x3FAF]  }
0x2a: {  	p0 =	seq.s32 s5, $0x0;
	s5 =	sld [smem:$0x3FB0]  }
0x2b: {  	s6 =	sld [smem:$0x3FB1]  }
0x2c: {  	s7 =	sld [smem:$0x3FB2]  }
0x2d: {  	s3 =	simm.s32 $0x108;
	s8 =	sld [smem:$0x3FB3]  }
0x2e: {  	s3 =	simm.s32 @!p0 $0x1082;
	s9 =	sld [smem:$0x3FB4]  }
0x2f: {  	lr =	sadd.s32 s0, s3;
	s0 =	sld [smem:$0x3FAB]  }
0x30: {  	s3 =	sld [smem:$0x3FAE]  }
0x31: {  	[smem:$0x3FB7] =	sst s10  }
0x32: {  	s10 =	sld [smem:$0x3FB5];
	_ =	sdelay $0x3  }
0x33: {  	p0 =	seq.s32 s10, $0x1;
	s10 =	sld [smem:$0x3FB7];
	_ =	sdelay $0x3  }
0x34: {  	[smem:$0x3FB7] =	sst s10  }
0x35: {  	s10 =	sld [smem:$0x3FB6];
	_ =	sdelay $0x3  }
0x36: {  	p1 =	seq.s32 s10, $0x1;
	s10 =	sld [smem:$0x3FB7];
	_ =	sdelay $0x3  }
0x37: {  	[smem:$0x3FB7] =	sst s10  }
0x38: {  	s10 =	sld [smem:$0x3FB8]  }
0x39: {  	_ = 	snop;
	(pc) =	sbr.ind lr, $3  }
0x3a: {  	_ = 	snop  }
0x3b: {  	_ = 	snop  }
0x3c: {  	p2 =	seq.s32 s10, $0x1;
	s10 =	sld [smem:$0x3FB7]  }
0x3d: {  	_ =	shalt  }
0x3e: {  	_ =	shalt  }
0x3f: {  	_ =	shalt  }
0x40: {  	_ =	shalt  }
0x41: {  	_ =	shalt  }
0x42: {  	_ =	shalt  }
0x43: {  	_ =	shalt  }
0x44: {  	_ =	shalt  }
0x45: {  	_ =	shalt  }
0x46: {  	_ =	shalt  }
0x47: {  	_ =	shalt  }
0x48: {  	_ =	shalt  }
0x49: {  	_ =	shalt  }
0x4a: {  	_ =	shalt  }
0x4b: {  	_ =	shalt  }
0x4c: {  	_ =	shalt  }
0x4d: {  	_ =	shalt  }
0x4e: {  	_ =	shalt  }
0x4f: {  	_ =	shalt  }
0x50: {  	_ =	shalt  }
0x51: {  	_ =	shalt  }
0x52: {  	_ =	shalt  }
0x53: {  	_ =	shalt  }
0x54: {  	_ =	shalt  }
0x55: {  	_ =	shalt  }
0x56: {  	_ =	shalt  }
0x57: {  	_ =	shalt  }
0x58: {  	_ =	shalt  }
0x59: {  	_ =	shalt  }
0x5a: {  	_ =	shalt  }
0x5b: {  	_ =	shalt  }
0x5c: {  	_ =	shalt  }
0x5d: {  	_ =	shalt  }
0x5e: {  	_ =	shalt  }
0x5f: {  	_ =	shalt  }
0x60: {  	_ =	shalt  }
0x61: {  	_ =	shalt  }
0x62: {  	_ =	shalt  }
0x63: {  	_ =	shalt  }
0x64: {  	_ =	shalt  }
0x65: {  	_ =	shalt  }
0x66: {  	_ =	shalt  }
0x67: {  	_ =	shalt  }
0x68: {  	_ =	shalt  }
0x69: {  	_ =	shalt  }
0x6a: {  	_ =	shalt  }
0x6b: {  	_ =	shalt  }
0x6c: {  	_ =	shalt  }
0x6d: {  	_ =	shalt  }
0x6e: {  	_ =	shalt  }
0x6f: {  	_ =	shalt  }
0x70: {  	_ =	shalt  }
0x71: {  	_ =	shalt  }
0x72: {  	_ =	shalt  }
0x73: {  	_ =	shalt  }
0x74: {  	_ =	shalt  }
0x75: {  	_ =	shalt  }
0x76: {  	_ =	shalt  }
0x77: {  	_ =	shalt  }
0x78: {  	_ =	shalt  }
0x79: {  	_ =	shalt  }
0x7a: {  	_ =	shalt  }
0x7b: {  	_ =	shalt  }
0x7c: {  	_ =	shalt  }
0x7d: {  	_ =	shalt  }
0x7e: {  	_ =	shalt  }
0x7f: {  	_ =	shalt  }
0x80: {  	_ =	shalt  }
0x81: {  	_ =	shalt  }
0x82: {  	_ =	shalt  }
0x83: {  	_ =	shalt  }
0x84: {  	_ =	shalt  }
0x85: {  	_ =	shalt  }
0x86: {  	_ =	shalt  }
0x87: {  	_ =	shalt  }
.Lfunc_end0:
.L_simem_size_0:
called_computation.4_lowered:
.L_overlay_start_0:
0x88: {  	s2 =	sld [smem:$0x3FD9]  }
0x89: {  	s3 =	sld [smem:$0x3FFE];
	_ =	sdelay $0x1  }
0x8a: {  	s1 =	srdreg.scid  }
0x8b: {  	s0 =	sand.u32 $0x1, s1  }
0x8c: {  	s17 =	sshll.u32 s0, $0xA;
	s2 =	sadd.s32 s3, s2  }
0x8d: {  	s2 =	sadd.s32 s2, s17  }
0x8e: {  	[smem:$0x3FC3] =	sst s2  }
0x8f: {  	_ = 	snop  }
0x90: {  	(tm) =	ssettm $0x1  }
0x91: {  	s18 =	sld [smem:$0x3FFB];
	_ =	sdelay $0x3  }
0x92: {  	_ =	strace s18  }
0x93: {  	s2 =	sld [smem:$0x3FFC];
	_ =	sdelay $0x3  }
0x94: {  	_ =	strace s2  }
0x95: {  	s2 =	sld [smem:$0x3FFD];
	_ =	sdelay $0x3  }
0x96: {  	_ =	strace s2  }
0x97: {  	_ =	strace $0x8FFFFFFF  }
0x98: {  	s19 =	sld [smem:$0x3FDB];
	_ =	sdelay $0x1  }
0x99: {  	s20 =	simm.s32 $_scs_section_size  }
0x9a: {  	s4 =	simm.s32 $_size__tile_overlayer_lowered;
	s5 =	simm.s32 $_tile_overlayer_lowered  }
0x9b: {  	s6 =	simm.s32 $0x1BFF;
	s21 =	sshll.u32 s5, $0x1;
	s3 =	sadd.s32 s20, s19  }
0x9c: {  	s22 =	simm.s32 $0x0;
	s4 =	sshll.u32 s4, $0x1;
	s5 =	sadd.s32 s21, s3  }
0x9d: {  	[timem:s22], [sflag:s6] =	dma.local [hbm:s5], s4  }
0x9e: {  	_ =	swait.ge [sflag:s6], s4  }
0x9f: {  	s4 =	ssub.s32 $0x0, s4;
	[sflag:s6] =	ssyncset.done $0x0  }
0xa0: {  	[sflag:s6] =	ssyncadd.s32 s4;
	_ =	sdelay $0x1  }
0xa1: {  	s23 =	simm.s32 $0x1B8B  }
0xa2: {  	_ =	swait.ge [sflag:s23], $0x1  }
0xa3: {  	[sflag:s23] =	ssyncset.done $0x0  }
0xa4: {  	[sflag:s23] =	ssyncadd.s32 $0xFFFFFFFF  }
0xa5: {  	s4 =	sld [smem:$0x0]  }
0xa6: {  	s5 =	sand.u32 $0xFFFFFFFE, s1  }
0xa7: {  	p0 =	sne.s32 s1, s5  }
0xa8: {  	s5 =	sshll.u32 @p0 s5, $0xE  }
0xa9: {  	s5 =	sadd.s32 @p0 $0x11B8D, s5;
	s6 =	sshll.u32 @p0 s4, $0x11  }
0xaa: {  	s5 =	sor.u32 @p0 s6, s5  }
0xab: {  	[sflag:s5] =	ssyncadd.remote.s32 @p0 $0x1;
	_ =	sdelay $0x1  }
0xac: {  	s5 =	simm.s32 @p0 $0x1B8D  }
0xad: {  	_ =	swait.eq @p0 [sflag:s5], $0x1  }
0xae: {  	[sflag:s5] =	ssyncadd.s32 @p0 $0xFFFFFFFF  }
0xaf: {  	s6 =	sshll.u32 @!p0 s1, $0xE  }
0xb0: {  	s6 =	sor.u32 @!p0 $0x4000, s6;
	s5 =	simm.s32 @!p0 $0x1B8D  }
0xb1: {  	s4 =	sshll.u32 @!p0 s4, $0x11;
	s6 =	sadd.s32 @!p0 $0x11B8D, s6;
	_ =	swait.eq @!p0 [sflag:s5], $0x1  }
0xb2: {  	s4 =	sor.u32 @!p0 s4, s6;
	[sflag:s5] =	ssyncadd.s32 @!p0 $0xFFFFFFFF  }
0xb3: {  	s25 =	simm.s32 $0x1B8E;
	s24 =	sld [smem:$0x3FFE];
	[sflag:s4] =	ssyncadd.remote.s32 @!p0 $0x1  }
0xb4: {  	s26 =	simm.s32 $execute0_lowered;
	[smem:$0x3FD2] =	sst s25  }
0xb5: {  	s5 =	sshll.u32 s26, $0x1;
	_ =	strace $0x8000005D;
	[dreg:$0x1] =	wrdreg $0xFFFFFFFF  }
0xb6: {  	s28 =	simm.s32 $_size_execute0_lowered;
	s3 =	sadd.s32 s3, s5;
	[dreg:$0x0] =	wrdreg $0x0  }
0xb7: {  	s5 =	sshll.u32 s28, $0x1;
	[dreg:$0x2] =	wrdreg s3  }
0xb8: {  	[dreg:$0x3] =	wrdreg s5  }
0xb9: {  	[dreg:$0x4] =	wrdreg $0xC0  }
0xba: {  	_ =	task [dreg:s22], $0x5FFFF  }
0xbb: {  	[dreg:$0x1] =	wrdreg $0xFFFFFFFF  }
0xbc: {  	[dreg:$0x0] =	wrdreg $0x60  }
0xbd: {  	[dreg:$0x2] =	wrdreg s24  }
0xbe: {  	[dreg:$0x3] =	wrdreg $0xB  }
0xbf: {  	_ =	task.clear_ibuf [dreg:s22], $0x4FFFF;
	_ =	strace $0x9000005D  }
0xc0: {  	s29 =	simm.s32 $0xB;
	_ =	strace $0x80000066  }
0xc1: {  	_ =	swait.ge [sflag:s29], $0x1  }
0xc2: {  	[sflag:s29] =	ssyncadd.s32 $0xFFFFFFFF  }
0xc3: {  	_ =	strace $0x90000066  }
0xc4: {  	_ =	sfence  }
0xc5: {  	s30 =	sld [smem:$0x0];
	_ =	sdelay $0x2  }
0xc6: {  	s31 =	sshll.u32 s1, $0xD;
	s1 =	sshrl.u32 s1, $0x2  }
0xc7: {  	s4 =	sand.u32 $0x4000, s31;
	s1 =	sadd.s32 s1, s30  }
0xc8: {  	s0 =	sor.u32 s4, s0;
	s1 =	sshll.u32 s1, $0x11  }
0xc9: {  	s0 =	sor.u32 s1, s0  }
0xca: {  	s0 =	sadd.s32 $0x8F2B, s0  }
0xcb: {  	[sflag:s0] =	ssyncadd.remote.s32 $0x1  }
0xcc: {  	_ =	sfence.sel $0xFFFF  }
0xcd: {  	[dreg:$0x0] =	wrdreg $0xFFFFFFFF;
	(pc) =	sbr.abs _section_cstart, $3  }
0xce: {  	[dreg:$0x1] =	wrdreg $0xFFFFFFFF  }
0xcf: {  	_ =	task.clear_ibuf [dreg:s22], $0x2FFFF;
	_ =	strace $0x9FFFFFFF  }
0xd0: {  	(tm) =	ssettm $0x7FFFFFFF  }
0xd1: {  	_ =	shalt  }
tec
execute0_lowered:
.L_overlay_start_1:
0x0: {  	(tag) =	ssettag $0x1  }
0x1: {  	s5 =	rddreg [dreg:$0x0]  }
0x2: {  	s0 =	rddreg [dreg:$0x1];
	s1 =	simm.s32 $0x0  }
0x3: {  	s2 =	srdreg.scid;
	s9 =	simm.s32 $0x4;
	[smem:$0x7FF] =	sst s1  }
0x4: {  	s10 =	simm.s32 $0x0;
	s3 =	sadd.s32 $0x242E00, s5;
	s4 =	sadd.s32 $0x442E00, s5  }
0x5: {  	s6 =	sand.u32 $0x1, s2;
	s2 =	stileid.u32;
	s5 =	sadd.s32 $0x443600, s5  }
0x6: {  	_ =	strace $0x8000005E;
	s7 =	ssub.s32 $0x2, s6;
	s6 =	sshll.u32 s6, $0x4  }
0x7: {  	v2 =	vlaneseq.u32;
	[dreg:$0x2] =	wrdreg s5;
	s8 =	sshrl.u32 s7, $0x1;
	s6 =	sor.u32 s2, s6  }
0x8: {  	vm0 =	vmmov $0xffff;
	v1 =	vshrl.u32 v2, $0x3;
	s7 =	ssub.s32 s7, s8;
	s31 =	sshll.u32 s6, $0x6;
	s5 =	sshll.u32 s6, $0x2  }
0x9: {  	v0 =	vand.u32 $0x7, v2;
	v2 =	vor.u32 $0x8, v2;
	v1 =	vmul.u32 $0x8, v1;
	s8 =	simm.s32 $0x5;
	s6 =	sadd.s32 s4, s31;
	s7 =	smax.u32 s7, $0x1  }
.LBB2_1:
0xa: {  	_ =	strace $0x8000005F;
	s11 =	simm.s32 $0x4  }
0xb: {  	s12 =	simm.s32 $0x0;
	s13 =	simm.s32 $0x0;
	s14 =	simm.s32 $0x0  }
0xc: {  	[tilespmem:s1], [sflag:$0x1] =	stream.linear.gather [hbm4b:s6+s1], $0x80, $0x200038;
	[tilespmem:$0x10100] =	vst v63  }
0xd: {  	s15 =	simm.s32 $0x0;
	s16 =	simm.s32 $0x1;
	_ =	strace $0x9000005F  }
.LBB2_2:
0xe: {  	s17 =	smov.u32 s12;
	s12 =	sadd.s32 $0x1, s12  }
0xf: {  	p0 =	seq.s32 s12, $0x4  }
0x10: {  	s12 =	simm.s32 @p0 $0x0  }
0x11: {  	p6 =	sne.s32 s11, $0x1;
	p1 =	sne.s32 s17, s12  }
0x12: {  	p0 =	por !p6, !p1  }
0x13: {  	p0 =	por !p0, !p0  }
0x14: {  	s18 =	sadd.s32 @p0 s5, s12  }
0x15: {  	s19 =	sand.u32 @p0 $0x1, s16;
	s18 =	sshll.u32 @p0 s18, $0x4  }
0x16: {  	_ =	strace @p0 $0x80000060;
	s21 =	simm.s32 @p0 $0x0;
	s18 =	sand.u32 @p0 $0x1FFFFFF0, s18  }
0x17: {  	s20 =	sshll.u32 @p0 s19, $0x7;
	s19 =	sadd.s32 @p0 $0x1, s19;
	s18 =	sadd.s32 @p0 s4, s18  }
0x18: {  	[tilespmem:s20], [sflag:s19] =	stream.linear.gather @p0 [hbm4b:s18+s21], $0x80, $0x200038;
	[tilespmem:$0x10100] =	vst v63  }
0x19: {  	s24 =	sand.u32 $0x1, s15;
	_ =	strace @p0 $0x90000060  }
0x1a: {  	s18 =	sadd.s32 $0x1, s24;
	_ =	strace $0x80000061  }
0x1b: {  	_ =	swait.ge [sflag:s18], $0x80  }
0x1c: {  	[sflag:s18] =	ssyncset.done $0x0  }
0x1d: {  	[sflag:s18] =	ssyncadd.s32 $0xFFFFFF80  }
0x1e: {  	s25 =	sshll.u32 s15, $0x7;
	_ =	strace $0x90000061  }
0x1f: {  	s21 =	sand.u32 $0x80, s25;
	_ =	strace $0x80000062  }
0x20: {  	v3 =	vld [tilespmem:s21+$0x0];
	_ =	sdelay $0x4  }
0x21: {  	v4 =	vshll.u32 v3, $0x1  }
0x22: {  	v3 =	vand.u32 $0x7, v3;
	v4 =	vand.u32 $0xFFFFFFF0, v4  }
0x23: {  	v3 =	vor.u32 v3, v4  }
0x24: {  	v4 =	vperm.xlane v3, v0;
	_ =	sdelay $0x1  }
0x25: {  	v3 =	vperm.xlane v3, v2;
	v4 =	vadd.s32 v1, v4;
	_ =	sdelay $0x1  }
0x26: {  	s18 =	sand.u32 $0x1, s14;
	v3 =	vadd.s32 v1, v3  }
0x27: {  	s20 =	sshll.u32 s18, $0xF  }
0x28: {  	s19 =	sor.u32 $0x100, s20  }
0x29: {  	[tilespmem:s19], [sflag:$0x5] =	stream.indirect_vreg.gather [hbm4b:s3+s1], $0x80, v4, vm0, $0x2000b8;
	[tilespmem:$0x10100] =	vst v63  }
0x2a: {  	s22 =	sor.u32 $0x900, s20  }
0x2b: {  	[tilespmem:s22], [sflag:$0x5] =	stream.indirect_vreg.gather [hbm4b:s3+s1], $0x80, v3, vm0, $0x2000b8;
	[tilespmem:$0x10100] =	vst v63  }
0x2c: {  	v3 =	vld [tilespmem:s21+$0x10];
	_ =	sdelay $0x4  }
0x2d: {  	v57 =	vshll.u32 v3, $0x1  }
0x2e: {  	v3 =	vand.u32 $0x7, v3;
	v4 =	vand.u32 $0xFFFFFFF0, v57  }
0x2f: {  	v3 =	vor.u32 v3, v4  }
0x30: {  	v4 =	vperm.xlane v3, v0;
	_ =	sdelay $0x1  }
0x31: {  	v3 =	vperm.xlane v3, v2;
	v4 =	vadd.s32 v1, v4;
	_ =	sdelay $0x1  }
0x32: {  	v3 =	vadd.s32 v1, v3;
	_ =	sdelay $0x1  }
0x33: {  	s26 =	sor.u32 $0x1100, s20  }
0x34: {  	[tilespmem:s26], [sflag:$0x5] =	stream.indirect_vreg.gather [hbm4b:s3+s1], $0x80, v4, vm0, $0x2000b8;
	[tilespmem:$0x10100] =	vst v63  }
0x35: {  	s28 =	sor.u32 $0x1900, s20  }
0x36: {  	[tilespmem:s28], [sflag:$0x5] =	stream.indirect_vreg.gather [hbm4b:s3+s1], $0x80, v3, vm0, $0x2000b8;
	[tilespmem:$0x10100] =	vst v63  }
0x37: {  	v3 =	vld [tilespmem:s21+$0x20];
	_ =	sdelay $0x4  }
0x38: {  	v58 =	vshll.u32 v3, $0x1  }
0x39: {  	v3 =	vand.u32 $0x7, v3;
	v4 =	vand.u32 $0xFFFFFFF0, v58  }
0x3a: {  	v3 =	vor.u32 v3, v4  }
0x3b: {  	v4 =	vperm.xlane v3, v0;
	_ =	sdelay $0x1  }
0x3c: {  	v3 =	vperm.xlane v3, v2;
	v4 =	vadd.s32 v1, v4;
	_ =	sdelay $0x1  }
0x3d: {  	v3 =	vadd.s32 v1, v3;
	_ =	sdelay $0x1  }
0x3e: {  	s29 =	sor.u32 $0x2100, s20  }
0x3f: {  	[tilespmem:s29], [sflag:$0x5] =	stream.indirect_vreg.gather [hbm4b:s3+s1], $0x80, v4, vm0, $0x2000b8;
	[tilespmem:$0x10100] =	vst v63  }
0x40: {  	s30 =	sor.u32 $0x2900, s20  }
0x41: {  	[tilespmem:s30], [sflag:$0x5] =	stream.indirect_vreg.gather [hbm4b:s3+s1], $0x80, v3, vm0, $0x2000b8;
	[tilespmem:$0x10100] =	vst v63  }
0x42: {  	v3 =	vld [tilespmem:s21+$0x30];
	_ =	sdelay $0x4  }
0x43: {  	v59 =	vshll.u32 v3, $0x1  }
0x44: {  	v3 =	vand.u32 $0x7, v3;
	v4 =	vand.u32 $0xFFFFFFF0, v59  }
0x45: {  	v3 =	vor.u32 v3, v4  }
0x46: {  	v4 =	vperm.xlane v3, v0;
	_ =	sdelay $0x1  }
0x47: {  	v3 =	vperm.xlane v3, v2;
	v4 =	vadd.s32 v1, v4;
	_ =	sdelay $0x1  }
0x48: {  	v3 =	vadd.s32 v1, v3;
	_ =	sdelay $0x1  }
0x49: {  	s31 =	sor.u32 $0x3100, s20  }
0x4a: {  	[tilespmem:s31], [sflag:$0x5] =	stream.indirect_vreg.gather [hbm4b:s3+s1], $0x80, v4, vm0, $0x2000b8;
	[tilespmem:$0x10100] =	vst v63  }
0x4b: {  	s23 =	sor.u32 $0x3900, s20  }
0x4c: {  	[tilespmem:s23], [sflag:$0x5] =	stream.indirect_vreg.gather [hbm4b:s3+s1], $0x80, v3, vm0, $0x2000b8;
	[tilespmem:$0x10100] =	vst v63  }
0x4d: {  	v3 =	vld [tilespmem:s21+$0x40];
	_ =	sdelay $0x4  }
0x4e: {  	v60 =	vshll.u32 v3, $0x1  }
0x4f: {  	v3 =	vand.u32 $0x7, v3;
	v4 =	vand.u32 $0xFFFFFFF0, v60  }
0x50: {  	v3 =	vor.u32 v3, v4  }
0x51: {  	v4 =	vperm.xlane v3, v0;
	_ =	sdelay $0x1  }
0x52: {  	v3 =	vperm.xlane v3, v2;
	v4 =	vadd.s32 v1, v4;
	_ =	sdelay $0x1  }
0x53: {  	v3 =	vadd.s32 v1, v3;
	_ =	sdelay $0x1  }
0x54: {  	s24 =	sor.u32 $0x4100, s20  }
0x55: {  	[tilespmem:s24], [sflag:$0x5] =	stream.indirect_vreg.gather [hbm4b:s3+s1], $0x80, v4, vm0, $0x2000b8;
	[tilespmem:$0x10100] =	vst v63  }
0x56: {  	s25 =	sor.u32 $0x4900, s20  }
0x57: {  	[tilespmem:s25], [sflag:$0x5] =	stream.indirect_vreg.gather [hbm4b:s3+s1], $0x80, v3, vm0, $0x2000b8;
	[tilespmem:$0x10100] =	vst v63  }
0x58: {  	v3 =	vld [tilespmem:s21+$0x50];
	_ =	sdelay $0x4  }
0x59: {  	v61 =	vshll.u32 v3, $0x1  }
0x5a: {  	v3 =	vand.u32 $0x7, v3;
	v4 =	vand.u32 $0xFFFFFFF0, v61  }
0x5b: {  	v3 =	vor.u32 v3, v4  }
0x5c: {  	v4 =	vperm.xlane v3, v0;
	_ =	sdelay $0x1  }
0x5d: {  	v3 =	vperm.xlane v3, v2;
	v4 =	vadd.s32 v1, v4;
	_ =	sdelay $0x1  }
0x5e: {  	v3 =	vadd.s32 v1, v3;
	_ =	sdelay $0x1  }
0x5f: {  	s26 =	sor.u32 $0x5100, s20  }
0x60: {  	[tilespmem:s26], [sflag:$0x5] =	stream.indirect_vreg.gather [hbm4b:s3+s1], $0x80, v4, vm0, $0x2000b8;
	[tilespmem:$0x10100] =	vst v63  }
0x61: {  	s28 =	sor.u32 $0x5900, s20  }
0x62: {  	[tilespmem:s28], [sflag:$0x5] =	stream.indirect_vreg.gather [hbm4b:s3+s1], $0x80, v3, vm0, $0x2000b8;
	[tilespmem:$0x10100] =	vst v63  }
0x63: {  	v3 =	vld [tilespmem:s21+$0x60];
	_ =	sdelay $0x4  }
0x64: {  	v62 =	vshll.u32 v3, $0x1  }
0x65: {  	v3 =	vand.u32 $0x7, v3;
	v4 =	vand.u32 $0xFFFFFFF0, v62  }
0x66: {  	v3 =	vor.u32 v3, v4  }
0x67: {  	v4 =	vperm.xlane v3, v0;
	_ =	sdelay $0x1  }
0x68: {  	v3 =	vperm.xlane v3, v2;
	v4 =	vadd.s32 v1, v4;
	_ =	sdelay $0x1  }
0x69: {  	v3 =	vadd.s32 v1, v3;
	_ =	sdelay $0x1  }
0x6a: {  	s29 =	sor.u32 $0x6100, s20  }
0x6b: {  	[tilespmem:s29], [sflag:$0x5] =	stream.indirect_vreg.gather [hbm4b:s3+s1], $0x80, v4, vm0, $0x2000b8;
	[tilespmem:$0x10100] =	vst v63  }
0x6c: {  	s30 =	sor.u32 $0x6900, s20  }
0x6d: {  	[tilespmem:s30], [sflag:$0x5] =	stream.indirect_vreg.gather [hbm4b:s3+s1], $0x80, v3, vm0, $0x2000b8;
	[tilespmem:$0x10100] =	vst v63  }
0x6e: {  	v3 =	vld [tilespmem:s21+$0x70];
	_ =	sdelay $0x4  }
0x6f: {  	v63 =	vshll.u32 v3, $0x1  }
0x70: {  	v3 =	vand.u32 $0x7, v3;
	v4 =	vand.u32 $0xFFFFFFF0, v63  }
0x71: {  	v3 =	vor.u32 v3, v4  }
0x72: {  	v4 =	vperm.xlane v3, v0;
	_ =	sdelay $0x1  }
0x73: {  	v3 =	vperm.xlane v3, v2;
	v4 =	vadd.s32 v1, v4;
	_ =	sdelay $0x1  }
0x74: {  	v3 =	vadd.s32 v1, v3;
	_ =	sdelay $0x1  }
0x75: {  	s31 =	sor.u32 $0x7100, s20  }
0x76: {  	[tilespmem:s31], [sflag:$0x5] =	stream.indirect_vreg.gather [hbm4b:s3+s1], $0x80, v4, vm0, $0x2000b8;
	[tilespmem:$0x10100] =	vst v63  }
0x77: {  	s20 =	sor.u32 $0x7900, s20  }
0x78: {  	[tilespmem:s20], [sflag:$0x5] =	stream.indirect_vreg.gather [hbm4b:s3+s1], $0x80, v3, vm0, $0x2000b8;
	[tilespmem:$0x10100] =	vst v63  }
0x79: {  	_ =	swait.ge [sflag:s8], $0x8000  }
0x7a: {  	p2 =	seq.s32 s11, $0x1;
	[sflag:s8] =	ssyncset.done $0x0  }
0x7b: {  	s17 =	sadd.s32 s5, s17;
	p1 =	por p2, p1;
	[sflag:s8] =	ssyncadd.s32 $0xFFFF8000  }
0x7c: {  	s17 =	sshll.u32 @p1 s17, $0xC;
	_ =	strace $0x90000062  }
0x7d: {  	s17 =	sand.u32 @p1 $0x1FFFF000, s17;
	s21 =	simm.s32 $0x1;
	_ =	strace @p1 $0x80000063  }
0x7e: {  	s18 =	sadd.s32 @p1 $0x3, s18;
	s21 =	simm.s32 @!p0 $0x0;
	s20 =	rddreg [dreg:$0x2]  }
0x7f: {  	p0 =	seq.s32 s11, $0x4;
	s17 =	sadd.s32 @p1 s20, s17;
	s20 =	simm.s32 @p1 $0x0  }
0x80: {  	[hbm4b:s17+s20] =	stream.linear.scatter @p1 [tilespmem:s19], [sflag:s18], $0x8000, $0x200038;
	[tilespmem:$0x10100] =	vst v63  }
0x81: {  	s17 =	simm.s32 $0x1;
	s19 =	simm.s32 $0x1;
	_ =	strace @p1 $0x90000063  }
0x82: {  	s17 =	simm.s32 @!p1 $0x0;
	p1 =	sne.s32 s11, $0x4;
	s11 =	sadd.s32 $0xFFFFFFFF, s11  }
0x83: {  	s18 =	sand.u32 @!p0 $0x1, s13;
	s19 =	simm.s32 @!p1 $0x0;
	p1 =	sne.s32 s11, $0x0  }
.Ltmp0:
0x84: {  	s18 =	sadd.s32 @!p0 $0x3, s18;
	_ =	strace @!p0 $0x80000064;
	(pc) =	sbr.rel @p1 .LBB2_2-.Ltmp0, $4  }
0x85: {  	_ =	swait.ge @!p0 [sflag:s18], $0x8000  }
0x86: {  	[sflag:s18] =	ssyncset.done @!p0 $0x0  }
0x87: {  	s16 =	sadd.s32 s21, s16;
	s14 =	sadd.s32 s17, s14;
	[sflag:s18] =	ssyncadd.s32 @!p0 $0xFFFF8000  }
0x88: {  	s15 =	sadd.s32 s17, s15;
	s13 =	sadd.s32 s19, s13;
	_ =	strace @!p0 $0x90000064  }
0x89: {  	s10 =	sadd.s32 $0x1, s10  }
0x8a: {  	p0 =	sne.s32 s10, s7  }
.Ltmp1:
0x8b: {  	_ =	strace $0x80000065;
	(pc) =	sbr.rel @p0 .LBB2_1-.Ltmp1, $4  }
0x8c: {  	_ =	swait.ge [sflag:s9], $0x8000  }
0x8d: {  	[sflag:s9] =	ssyncset.done $0x0  }
0x8e: {  	[sflag:s9] =	ssyncadd.s32 $0xFFFF8000  }
0x8f: {  	_ =	strace $0x90000065  }
0x90: {  	_ =	sfence.sel $0x180000  }
0x91: {  	[bflag:$0x0] =	sbarrier.arrive $0xFFFF  }
0x92: {  	p0 =	sne.s32 s2, $0x0;
	_ =	strace $0x9000005E  }
0x93: {  	s0 =	sadd.s32 @!p0 $0x100000, s0;
	[bflag:$0x2] =	sbarrier.arrive $0xFFFF  }
0x94: {  	[sflag:s0] =	ssyncadd.tile.s32 @!p0 $0x1;
	_ =	shalt  }
.Lfunc_end2:
_tile_overlayer_lowered:
.L_overlay_start_2:
0x95: {  	(tag) =	ssettag $0x2  }
0x96: {  	s0 =	rddreg [dreg:$0x0];
	s2 =	stileid.u32  }
0x97: {  	s1 =	rddreg [dreg:$0x1];
	p0 =	sne.s32 s2, $0x0  }
0x98: {  	s3 =	rddreg [dreg:$0x2];
	[bflag:$0x3] =	sbarrier.arrive $0xFFFF;
	s2 =	simm.s32 @!p0 $0x1C01  }
0x99: {  	[timem:s3], [sflag:s2] =	dma.local @!p0 [hbm:s0], s1  }
0x9a: {  	s0 =	simm.s32 @!p0 $0x1  }
0x9b: {  	_ =	swait.ge @!p0 [sflag:s0], s1  }
0x9c: {  	s1 =	ssub.s32 @!p0 $0x0, s1;
	[sflag:s0] =	ssyncset.done @!p0 $0x0  }
0x9d: {  	[sflag:s0] =	ssyncadd.s32 @!p0 s1  }
0x9e: {  	[bflag:$0x3] =	sbarrier.arrive $0xFFFF  }
0x9f: {  	_ =	shalt  }

// kernel: kernel.9.cloned.1.call-start
scs
__scs_entry_jumppad:
0x0: {  	(pc) =	sbr.rel $0x88, $3  }
0x1: {  	(tag) =	ssettag $0x0;
	lr =	simm.s32 $0x1  }
0x2: {  	[smem:$0x3F9C] =	sst lr;
	_ =	strace $0xD0000000  }
0x3: {  	_ = 	snop  }
0x4: {  	_ = 	snop  }
0x5: {  	_ = 	snop  }
0x6: {  	_ = 	snop  }
0x7: {  	_ = 	snop  }
__scs_overlays_trampoline_lowered:
0x8: {  	[smem:$0x3FAB] =	sst s0  }
0x9: {  	[smem:$0x3FAC] =	sst s1  }
0xa: {  	[smem:$0x3FAD] =	sst s2  }
0xb: {  	[smem:$0x3FAE] =	sst s3  }
0xc: {  	[smem:$0x3FAF] =	sst s4  }
0xd: {  	[smem:$0x3FB0] =	sst s5  }
0xe: {  	[smem:$0x3FB1] =	sst s6  }
0xf: {  	[smem:$0x3FB2] =	sst s7  }
0x10: {  	[smem:$0x3FB3] =	sst s8  }
0x11: {  	[smem:$0x3FB4] =	sst s9;
	s0 =	simm.s32 @!p0 $0x0  }
0x12: {  	s1 =	sld [smem:$0x3F9A];
	s0 =	simm.s32 @p0 $0x1  }
0x13: {  	[smem:$0x3FB5] =	sst s0;
	s0 =	simm.s32 @!p1 $0x0  }
0x14: {  	s2 =	sld [smem:$0x3F99];
	s0 =	simm.s32 @p1 $0x1  }
0x15: {  	[smem:$0x3FB6] =	sst s0;
	s0 =	simm.s32 @!p2 $0x0  }
0x16: {  	s3 =	sld [smem:$0x3FDB];
	s0 =	simm.s32 @p2 $0x1  }
0x17: {  	s4 =	simm.s32 $0x1BF5;
	[smem:$0x3FB8] =	sst s0  }
0x18: {  	s0 =	sld [smem:$0x3F9B];
	_ =	swait.ge [sflag:s4], $0x0  }
0x19: {  	s7 =	sld [smem:$0x3F9C]  }
0x1a: {  	s8 =	sadd.s32 $0xFFFFE003, lr  }
0x1b: {  	s9 =	sadd.s32 $0xFFFFFEF7, lr;
	s5 =	simm.s32 $0xFFFFFFFF;
	p2 =	slt.u32 s8, $0xFFFFF086  }
0x1c: {  	p1 =	slt.u32 s9, $0xF7A;
	s5 =	simm.s32 @!p2 $0x0  }
0x1d: {  	s5 =	simm.s32 @p1 $0x1;
	p0 =	seq.s32 s7, s2  }
0x1e: {  	s7 =	smul.u32 @!p0 $0xF7A, s2;
	p2 =	seq.s32 @!p0 s5, $0x0  }
0x1f: {  	s9 =	smul.u32 $0xF7A, s1;
	s8 =	simm.s32 @!p0 $0x1BF5;
	p2 =	por !p2, p0  }
0x20: {  	[sflag:s8] =	ssyncset.s32 @!p0 $0xFFFFF086;
	s6 =	sadd.s32 @!p0 s3, s7;
	s7 =	simm.s32 @!p0 $0x108  }
0x21: {  	s3 =	sadd.s32 s3, s9;
	s6 =	sadd.s32 @!p0 $0x88, s6;
	s7 =	simm.s32 @p2 $0x1082  }
0x22: {  	[simem:s7], [sflag:s8] =	dma.local @!p0 [hbm:s6], $0xF7A  }
0x23: {  	s9 =	sor.u32 $0xD0000000, s2;
	s6 =	simm.s32 $0x108;
	_ =	swait.ge @!p0 [sflag:s8], $0x0  }
0x24: {  	s3 =	sadd.s32 $0x88, s3;
	s6 =	simm.s32 @!p1 $0x1082;
	[sflag:s4] =	ssyncset.s32 $0xFFFFF086  }
0x25: {  	[simem:s6], [sflag:s4] =	dma.local [hbm:s3], $0xF7A  }
0x26: {  	[smem:$0x3F9C] =	sst s1;
	(tag) =	ssettag s2;
	_ =	strace s9  }
0x27: {  	s1 =	sld [smem:$0x3FAC]  }
0x28: {  	s2 =	sld [smem:$0x3FAD]  }
0x29: {  	s4 =	sld [smem:$0x3FAF]  }
0x2a: {  	p0 =	seq.s32 s5, $0x0;
	s5 =	sld [smem:$0x3FB0]  }
0x2b: {  	s6 =	sld [smem:$0x3FB1]  }
0x2c: {  	s7 =	sld [smem:$0x3FB2]  }
0x2d: {  	s3 =	simm.s32 $0x108;
	s8 =	sld [smem:$0x3FB3]  }
0x2e: {  	s3 =	simm.s32 @!p0 $0x1082;
	s9 =	sld [smem:$0x3FB4]  }
0x2f: {  	lr =	sadd.s32 s0, s3;
	s0 =	sld [smem:$0x3FAB]  }
0x30: {  	s3 =	sld [smem:$0x3FAE]  }
0x31: {  	[smem:$0x3FB7] =	sst s10  }
0x32: {  	s10 =	sld [smem:$0x3FB5];
	_ =	sdelay $0x3  }
0x33: {  	p0 =	seq.s32 s10, $0x1;
	s10 =	sld [smem:$0x3FB7];
	_ =	sdelay $0x3  }
0x34: {  	[smem:$0x3FB7] =	sst s10  }
0x35: {  	s10 =	sld [smem:$0x3FB6];
	_ =	sdelay $0x3  }
0x36: {  	p1 =	seq.s32 s10, $0x1;
	s10 =	sld [smem:$0x3FB7];
	_ =	sdelay $0x3  }
0x37: {  	[smem:$0x3FB7] =	sst s10  }
0x38: {  	s10 =	sld [smem:$0x3FB8]  }
0x39: {  	_ = 	snop;
	(pc) =	sbr.ind lr, $3  }
0x3a: {  	_ = 	snop  }
0x3b: {  	_ = 	snop  }
0x3c: {  	p2 =	seq.s32 s10, $0x1;
	s10 =	sld [smem:$0x3FB7]  }
0x3d: {  	_ =	shalt  }
0x3e: {  	_ =	shalt  }
0x3f: {  	_ =	shalt  }
0x40: {  	_ =	shalt  }
0x41: {  	_ =	shalt  }
0x42: {  	_ =	shalt  }
0x43: {  	_ =	shalt  }
0x44: {  	_ =	shalt  }
0x45: {  	_ =	shalt  }
0x46: {  	_ =	shalt  }
0x47: {  	_ =	shalt  }
0x48: {  	_ =	shalt  }
0x49: {  	_ =	shalt  }
0x4a: {  	_ =	shalt  }
0x4b: {  	_ =	shalt  }
0x4c: {  	_ =	shalt  }
0x4d: {  	_ =	shalt  }
0x4e: {  	_ =	shalt  }
0x4f: {  	_ =	shalt  }
0x50: {  	_ =	shalt  }
0x51: {  	_ =	shalt  }
0x52: {  	_ =	shalt  }
0x53: {  	_ =	shalt  }
0x54: {  	_ =	shalt  }
0x55: {  	_ =	shalt  }
0x56: {  	_ =	shalt  }
0x57: {  	_ =	shalt  }
0x58: {  	_ =	shalt  }
0x59: {  	_ =	shalt  }
0x5a: {  	_ =	shalt  }
0x5b: {  	_ =	shalt  }
0x5c: {  	_ =	shalt  }
0x5d: {  	_ =	shalt  }
0x5e: {  	_ =	shalt  }
0x5f: {  	_ =	shalt  }
0x60: {  	_ =	shalt  }
0x61: {  	_ =	shalt  }
0x62: {  	_ =	shalt  }
0x63: {  	_ =	shalt  }
0x64: {  	_ =	shalt  }
0x65: {  	_ =	shalt  }
0x66: {  	_ =	shalt  }
0x67: {  	_ =	shalt  }
0x68: {  	_ =	shalt  }
0x69: {  	_ =	shalt  }
0x6a: {  	_ =	shalt  }
0x6b: {  	_ =	shalt  }
0x6c: {  	_ =	shalt  }
0x6d: {  	_ =	shalt  }
0x6e: {  	_ =	shalt  }
0x6f: {  	_ =	shalt  }
0x70: {  	_ =	shalt  }
0x71: {  	_ =	shalt  }
0x72: {  	_ =	shalt  }
0x73: {  	_ =	shalt  }
0x74: {  	_ =	shalt  }
0x75: {  	_ =	shalt  }
0x76: {  	_ =	shalt  }
0x77: {  	_ =	shalt  }
0x78: {  	_ =	shalt  }
0x79: {  	_ =	shalt  }
0x7a: {  	_ =	shalt  }
0x7b: {  	_ =	shalt  }
0x7c: {  	_ =	shalt  }
0x7d: {  	_ =	shalt  }
0x7e: {  	_ =	shalt  }
0x7f: {  	_ =	shalt  }
0x80: {  	_ =	shalt  }
0x81: {  	_ =	shalt  }
0x82: {  	_ =	shalt  }
0x83: {  	_ =	shalt  }
0x84: {  	_ =	shalt  }
0x85: {  	_ =	shalt  }
0x86: {  	_ =	shalt  }
0x87: {  	_ =	shalt  }
.Lfunc_end0:
.L_simem_size_0:
called_computation.1_lowered:
.L_overlay_start_0:
0x88: {  	s2 =	sld [smem:$0x3FD9]  }
0x89: {  	s3 =	sld [smem:$0x3FFE];
	_ =	sdelay $0x1  }
0x8a: {  	s1 =	srdreg.scid  }
0x8b: {  	s0 =	sand.u32 $0x1, s1  }
0x8c: {  	s17 =	sshll.u32 s0, $0xA;
	s2 =	sadd.s32 s3, s2  }
0x8d: {  	s2 =	sadd.s32 s2, s17  }
0x8e: {  	[smem:$0x3FC3] =	sst s2  }
0x8f: {  	_ = 	snop  }
0x90: {  	s18 =	sld [smem:$0x3FC9];
	(tm) =	ssettm $0x1  }
0x91: {  	s19 =	sld [smem:$0x3FFB];
	_ =	sdelay $0x3  }
0x92: {  	_ =	strace s19  }
0x93: {  	s2 =	sld [smem:$0x3FFC];
	_ =	sdelay $0x3  }
0x94: {  	_ =	strace s2  }
0x95: {  	s2 =	sld [smem:$0x3FFD];
	_ =	sdelay $0x3  }
0x96: {  	_ =	strace s2  }
0x97: {  	_ =	strace $0x8FFFFFFF  }
0x98: {  	s20 =	sld [smem:$0x3FDB];
	_ =	sdelay $0x1  }
0x99: {  	s4 =	simm.s32 $_scs_section_size  }
0x9a: {  	s5 =	simm.s32 $_size__tile_overlayer_lowered;
	s6 =	simm.s32 $_tile_overlayer_lowered  }
0x9b: {  	s7 =	simm.s32 $0x1BFF;
	s21 =	sshll.u32 s6, $0x1;
	s4 =	sadd.s32 s4, s20  }
0x9c: {  	s22 =	simm.s32 $0x0;
	s5 =	sshll.u32 s5, $0x1;
	s6 =	sadd.s32 s21, s4  }
0x9d: {  	[timem:s22], [sflag:s7] =	dma.local [hbm:s6], s5  }
0x9e: {  	_ =	swait.ge [sflag:s7], s5  }
0x9f: {  	s5 =	ssub.s32 $0x0, s5;
	[sflag:s7] =	ssyncset.done $0x0  }
0xa0: {  	[sflag:s7] =	ssyncadd.s32 s5;
	_ =	sdelay $0x1  }
0xa1: {  	s23 =	simm.s32 $0x1B8B  }
0xa2: {  	_ =	swait.ge [sflag:s23], $0x1  }
0xa3: {  	[sflag:s23] =	ssyncset.done $0x0  }
0xa4: {  	[sflag:s23] =	ssyncadd.s32 $0xFFFFFFFF  }
0xa5: {  	s5 =	sld [smem:$0x0]  }
0xa6: {  	s6 =	sand.u32 $0xFFFFFFFE, s1  }
0xa7: {  	p0 =	sne.s32 s1, s6  }
0xa8: {  	s6 =	sshll.u32 @p0 s6, $0xE  }
0xa9: {  	s6 =	sadd.s32 @p0 $0x11B8D, s6;
	s7 =	sshll.u32 @p0 s5, $0x11  }
0xaa: {  	s6 =	sor.u32 @p0 s7, s6  }
0xab: {  	[sflag:s6] =	ssyncadd.remote.s32 @p0 $0x1;
	_ =	sdelay $0x1  }
0xac: {  	s6 =	simm.s32 @p0 $0x1B8D  }
0xad: {  	_ =	swait.eq @p0 [sflag:s6], $0x1  }
0xae: {  	[sflag:s6] =	ssyncadd.s32 @p0 $0xFFFFFFFF  }
0xaf: {  	s7 =	sshll.u32 @!p0 s1, $0xE  }
0xb0: {  	s7 =	sor.u32 @!p0 $0x4000, s7;
	s6 =	simm.s32 @!p0 $0x1B8D  }
0xb1: {  	s5 =	sshll.u32 @!p0 s5, $0x11;
	s7 =	sadd.s32 @!p0 $0x11B8D, s7;
	_ =	swait.eq @!p0 [sflag:s6], $0x1  }
0xb2: {  	s5 =	sor.u32 @!p0 s5, s7;
	[sflag:s6] =	ssyncadd.s32 @!p0 $0xFFFFFFFF  }
0xb3: {  	s25 =	simm.s32 $0x1B8E;
	s24 =	sld [smem:$0x3FFE];
	[sflag:s5] =	ssyncadd.remote.s32 @!p0 $0x1  }
0xb4: {  	s26 =	simm.s32 $execute0_lowered;
	[smem:$0x3FD2] =	sst s25  }
0xb5: {  	s6 =	sshll.u32 s26, $0x1;
	_ =	strace $0x80000049;
	[dreg:$0x1] =	wrdreg $0xFFFFFFFF  }
0xb6: {  	s28 =	simm.s32 $_size_execute0_lowered;
	s4 =	sadd.s32 s4, s6;
	[dreg:$0x0] =	wrdreg $0x0  }
0xb7: {  	s6 =	sshll.u32 s28, $0x1;
	[dreg:$0x2] =	wrdreg s4  }
0xb8: {  	[dreg:$0x3] =	wrdreg s6  }
0xb9: {  	[dreg:$0x4] =	wrdreg $0xC0  }
0xba: {  	_ =	task [dreg:s22], $0x5FFFF  }
0xbb: {  	[dreg:$0x1] =	wrdreg $0xFFFFFFFF  }
0xbc: {  	[dreg:$0x0] =	wrdreg $0x60  }
0xbd: {  	[dreg:$0x2] =	wrdreg s18  }
0xbe: {  	[dreg:$0x3] =	wrdreg s24  }
0xbf: {  	[dreg:$0x4] =	wrdreg $0x9  }
0xc0: {  	_ =	task.clear_ibuf [dreg:s22], $0x5FFFF;
	_ =	strace $0x90000049  }
0xc1: {  	s29 =	simm.s32 $0x9;
	_ =	strace $0x80000052  }
0xc2: {  	_ =	swait.ge [sflag:s29], $0x1  }
0xc3: {  	[sflag:s29] =	ssyncadd.s32 $0xFFFFFFFF  }
0xc4: {  	_ =	strace $0x90000052  }
0xc5: {  	_ =	sfence  }
0xc6: {  	s30 =	sld [smem:$0x0];
	_ =	sdelay $0x2  }
0xc7: {  	s31 =	sshll.u32 s1, $0xD;
	s1 =	sshrl.u32 s1, $0x2  }
0xc8: {  	s4 =	sand.u32 $0x4000, s31;
	s1 =	sadd.s32 s1, s30  }
0xc9: {  	s0 =	sor.u32 s4, s0;
	s1 =	sshll.u32 s1, $0x11  }
0xca: {  	s0 =	sor.u32 s1, s0  }
0xcb: {  	s0 =	sadd.s32 $0x8F2B, s0  }
0xcc: {  	[sflag:s0] =	ssyncadd.remote.s32 $0x1  }
0xcd: {  	_ =	sfence.sel $0xFFFF  }
0xce: {  	[dreg:$0x0] =	wrdreg $0xFFFFFFFF;
	(pc) =	sbr.abs _section_cstart, $3  }
0xcf: {  	[dreg:$0x1] =	wrdreg $0xFFFFFFFF  }
0xd0: {  	_ =	task.clear_ibuf [dreg:s22], $0x2FFFF;
	_ =	strace $0x9FFFFFFF  }
0xd1: {  	(tm) =	ssettm $0x7FFFFFFF  }
tec
execute0_lowered:
.L_overlay_start_1:
0x0: {  	(tag) =	ssettag $0x1  }
0x1: {  	s0 =	srdreg.scid  }
0x2: {  	s15 =	sand.u32 $0x1, s0  }
0x3: {  	s2 =	rddreg [dreg:$0x0];
	s1 =	stileid.u32;
	s4 =	sshll.u32 s15, $0x4  }
0x4: {  	s10 =	rddreg [dreg:$0x1];
	s3 =	simm.s32 $0x0;
	s11 =	sor.u32 s1, s4  }
0x5: {  	[smem:$0x7FF] =	sst s3;
	s4 =	sshll.u32 s11, $0x5  }
0x6: {  	s0 =	rddreg [dreg:$0x2];
	_ =	strace $0x8000004A;
	s5 =	sadd.s32 s4, s10  }
0x7: {  	_ =	strace $0x8000004B;
	s4 =	sadd.s32 $0x202600, s5  }
0x8: {  	[tilespmem:s3], [sflag:$0x1] =	stream.linear.gather [hbm4b:s4+s3], $0x80, $0x200038;
	[tilespmem:$0x8100] =	vst v63  }
0x9: {  	_ =	strace $0x9000004B  }
0xa: {  	s6 =	simm.s32 $0x80;
	s5 =	sadd.s32 $0x202610, s5;
	_ =	strace $0x8000004C  }
0xb: {  	[tilespmem:s6], [sflag:$0x2] =	stream.linear.gather [hbm4b:s5+s3], $0x80, $0x200038;
	[tilespmem:$0x8100] =	vst v63  }
0xc: {  	_ =	strace $0x9000004C  }
0xd: {  	s7 =	simm.s32 $0x1;
	_ =	strace $0x8000004D  }
0xe: {  	_ =	swait.ge [sflag:s7], $0x80  }
0xf: {  	[sflag:s7] =	ssyncset.done $0x0  }
0x10: {  	[sflag:s7] =	ssyncadd.s32 $0xFFFFFF80  }
0x11: {  	_ =	strace $0x9000004D  }
0x12: {  	s8 =	simm.s32 $0x100;
	s9 =	simm.s32 $0x5;
	_ =	strace $0x8000004E  }
0x13: {  	[tilespmem:s8], [sflag:$0x5] =	stream.indirect.gather [hbm4b:s2+s6], $0x80, s3, s6, $0x2000b8;
	[tilespmem:$0x8100] =	vst v63  }
0x14: {  	_ =	swait.ge [sflag:s9], $0x4000  }
0x15: {  	[sflag:s9] =	ssyncset.done $0x0  }
0x16: {  	s11 =	sshll.u32 s11, $0xC;
	[sflag:s9] =	ssyncadd.s32 $0xFFFFC000  }
0x17: {  	s13 =	sadd.s32 s11, s10;
	_ =	strace $0x9000004E  }
0x18: {  	s10 =	sadd.s32 $0x202A00, s13;
	_ =	strace $0x8000004F  }
0x19: {  	[hbm4b:s10+s3] =	stream.linear.scatter [tilespmem:s8], [sflag:$0x3], $0x4000, $0x200038;
	[tilespmem:$0x8100] =	vst v63  }
0x1a: {  	_ =	strace $0x9000004F  }
0x1b: {  	s11 =	simm.s32 $0x2;
	_ =	strace $0x8000004D  }
0x1c: {  	_ =	swait.ge [sflag:s11], $0x80  }
0x1d: {  	[sflag:s11] =	ssyncset.done $0x0  }
0x1e: {  	[sflag:s11] =	ssyncadd.s32 $0xFFFFFF80  }
0x1f: {  	_ =	strace $0x9000004D  }
0x20: {  	s12 =	simm.s32 $0x4100;
	_ =	strace $0x8000004E  }
0x21: {  	[tilespmem:s12], [sflag:$0x5] =	stream.indirect.gather [hbm4b:s2+s6], $0x80, s6, s6, $0x2000b8;
	[tilespmem:$0x8100] =	vst v63  }
0x22: {  	_ =	swait.ge [sflag:s9], $0x4000  }
0x23: {  	[sflag:s9] =	ssyncset.done $0x0  }
0x24: {  	[sflag:s9] =	ssyncadd.s32 $0xFFFFC000  }
0x25: {  	_ =	strace $0x9000004E  }
0x26: {  	s13 =	sadd.s32 $0x203200, s13;
	_ =	strace $0x8000004F  }
0x27: {  	[hbm4b:s13+s3] =	stream.linear.scatter [tilespmem:s12], [sflag:$0x4], $0x4000, $0x200038;
	[tilespmem:$0x8100] =	vst v63  }
0x28: {  	s15 =	ssub.s32 $0x2, s15;
	_ =	strace $0x9000004F  }
0x29: {  	s14 =	simm.s32 $0x3;
	s16 =	sshrl.u32 s15, $0x1;
	_ =	strace $0x80000050  }
0x2a: {  	s16 =	ssub.s32 s15, s16;
	_ =	swait.ge [sflag:s14], $0x4000  }
0x2b: {  	s16 =	smax.u32 s16, $0x1;
	[sflag:s14] =	ssyncset.done $0x0  }
0x2c: {  	p0 =	sne.s32 s16, $0x1;
	[sflag:s14] =	ssyncadd.s32 $0xFFFFC000  }
.Ltmp0:
0x2d: {  	_ =	strace $0x90000050;
	(pc) =	sbr.rel @!p0 .LBB2_2-.Ltmp0, $4  }
0x2e: {  	s15 =	simm.s32 $0x4;
	_ =	strace $0x80000051  }
0x2f: {  	_ =	swait.ge [sflag:s15], $0x4000  }
0x30: {  	[sflag:s15] =	ssyncset.done $0x0  }
0x31: {  	s16 =	sadd.s32 $0xFFFFFFFF, s16;
	[sflag:s15] =	ssyncadd.s32 $0xFFFFC000  }
.LBB2_1:
0x32: {  	p0 =	sne.s32 s16, $0x1;
	s16 =	sadd.s32 $0xFFFFFFFF, s16;
	_ =	strace $0x90000051  }
0x33: {  	_ =	strace $0x8000004B  }
0x34: {  	[tilespmem:s3], [sflag:$0x1] =	stream.linear.gather [hbm4b:s4+s3], $0x80, $0x200038;
	[tilespmem:$0x8100] =	vst v63  }
0x35: {  	_ =	strace $0x9000004B  }
0x36: {  	_ =	strace $0x8000004C  }
0x37: {  	[tilespmem:s6], [sflag:$0x2] =	stream.linear.gather [hbm4b:s5+s3], $0x80, $0x200038;
	[tilespmem:$0x8100] =	vst v63  }
0x38: {  	_ =	strace $0x9000004C  }
0x39: {  	_ =	strace $0x8000004D  }
0x3a: {  	_ =	swait.ge [sflag:s7], $0x80  }
0x3b: {  	[sflag:s7] =	ssyncset.done $0x0  }
0x3c: {  	[sflag:s7] =	ssyncadd.s32 $0xFFFFFF80  }
0x3d: {  	_ =	strace $0x9000004D  }
0x3e: {  	_ =	strace $0x8000004E  }
0x3f: {  	[tilespmem:s8], [sflag:$0x5] =	stream.indirect.gather [hbm4b:s2+s6], $0x80, s3, s6, $0x2000b8;
	[tilespmem:$0x8100] =	vst v63  }
0x40: {  	_ =	swait.ge [sflag:s9], $0x4000  }
0x41: {  	[sflag:s9] =	ssyncset.done $0x0  }
0x42: {  	[sflag:s9] =	ssyncadd.s32 $0xFFFFC000  }
0x43: {  	_ =	strace $0x9000004E  }
0x44: {  	_ =	strace $0x8000004F  }
0x45: {  	[hbm4b:s10+s3] =	stream.linear.scatter [tilespmem:s8], [sflag:$0x3], $0x4000, $0x200038;
	[tilespmem:$0x8100] =	vst v63  }
0x46: {  	_ =	strace $0x9000004F  }
0x47: {  	_ =	strace $0x8000004D  }
0x48: {  	_ =	swait.ge [sflag:s11], $0x80  }
0x49: {  	[sflag:s11] =	ssyncset.done $0x0  }
0x4a: {  	[sflag:s11] =	ssyncadd.s32 $0xFFFFFF80  }
0x4b: {  	_ =	strace $0x9000004D  }
0x4c: {  	_ =	strace $0x8000004E  }
0x4d: {  	[tilespmem:s12], [sflag:$0x5] =	stream.indirect.gather [hbm4b:s2+s6], $0x80, s6, s6, $0x2000b8;
	[tilespmem:$0x8100] =	vst v63  }
0x4e: {  	_ =	swait.ge [sflag:s9], $0x4000  }
0x4f: {  	[sflag:s9] =	ssyncset.done $0x0  }
0x50: {  	[sflag:s9] =	ssyncadd.s32 $0xFFFFC000  }
0x51: {  	_ =	strace $0x9000004E  }
0x52: {  	_ =	strace $0x8000004F  }
0x53: {  	[hbm4b:s13+s3] =	stream.linear.scatter [tilespmem:s12], [sflag:$0x4], $0x4000, $0x200038;
	[tilespmem:$0x8100] =	vst v63  }
0x54: {  	_ =	strace $0x9000004F  }
0x55: {  	_ =	strace $0x80000050  }
0x56: {  	_ =	swait.ge [sflag:s14], $0x4000  }
0x57: {  	[sflag:s14] =	ssyncset.done $0x0  }
0x58: {  	[sflag:s14] =	ssyncadd.s32 $0xFFFFC000  }
.Ltmp1:
0x59: {  	_ =	strace $0x90000050;
	(pc) =	sbr.rel @p0 .LBB2_1-.Ltmp1, $4  }
0x5a: {  	_ =	strace $0x80000051  }
0x5b: {  	_ =	swait.ge [sflag:s15], $0x4000  }
0x5c: {  	[sflag:s15] =	ssyncset.done $0x0  }
0x5d: {  	[sflag:s15] =	ssyncadd.s32 $0xFFFFC000  }
.LBB2_2:
0x5e: {  	_ =	strace $0x90000051  }
0x5f: {  	_ =	sfence.sel $0x180000  }
0x60: {  	[bflag:$0x0] =	sbarrier.arrive $0xFFFF  }
0x61: {  	p0 =	sne.s32 s1, $0x0;
	_ =	strace $0x9000004A  }
0x62: {  	s0 =	sadd.s32 @!p0 $0x100000, s0;
	[bflag:$0x2] =	sbarrier.arrive $0xFFFF  }
0x63: {  	[sflag:s0] =	ssyncadd.tile.s32 @!p0 $0x1;
	_ =	shalt  }
.Lfunc_end2:
_tile_overlayer_lowered:
.L_overlay_start_2:
0x64: {  	(tag) =	ssettag $0x2  }
0x65: {  	s0 =	rddreg [dreg:$0x0];
	s2 =	stileid.u32  }
0x66: {  	s1 =	rddreg [dreg:$0x1];
	p0 =	sne.s32 s2, $0x0  }
0x67: {  	s3 =	rddreg [dreg:$0x2];
	[bflag:$0x3] =	sbarrier.arrive $0xFFFF;
	s2 =	simm.s32 @!p0 $0x1C01  }
0x68: {  	[timem:s3], [sflag:s2] =	dma.local @!p0 [hbm:s0], s1  }
0x69: {  	s0 =	simm.s32 @!p0 $0x1  }
0x6a: {  	_ =	swait.ge @!p0 [sflag:s0], s1  }
0x6b: {  	s1 =	ssub.s32 @!p0 $0x0, s1;
	[sflag:s0] =	ssyncset.done @!p0 $0x0  }
0x6c: {  	[sflag:s0] =	ssyncadd.s32 @!p0 s1  }
0x6d: {  	[bflag:$0x3] =	sbarrier.arrive $0xFFFF  }
0x6e: {  	_ =	shalt  }

// kernel: sparse-core-data-format-call.cloned.1.call-start
scs
called_computation_lowered:
.L_overlay_start_0:
0x0: {  	s2 =	sld [smem:$0x3FD9]  }
0x1: {  	s3 =	sld [smem:$0x3FFE];
	_ =	sdelay $0x1  }
0x2: {  	s1 =	srdreg.scid  }
0x3: {  	s0 =	sand.u32 $0x1, s1  }
0x4: {  	s18 =	sshll.u32 s0, $0xA;
	s2 =	sadd.s32 s3, s2  }
0x5: {  	s2 =	sadd.s32 s2, s18  }
0x6: {  	[smem:$0x3FC3] =	sst s2  }
0x7: {  	_ = 	snop  }
0x8: {  	s2 =	sld [smem:$0x3FC6];
	(tm) =	ssettm $0x1  }
0x9: {  	s19 =	sld [smem:$0x3FFB];
	_ =	sdelay $0x3  }
0xa: {  	_ =	strace s19  }
0xb: {  	s3 =	sld [smem:$0x3FFC];
	_ =	sdelay $0x3  }
0xc: {  	_ =	strace s3  }
0xd: {  	s3 =	sld [smem:$0x3FFD];
	_ =	sdelay $0x3  }
0xe: {  	_ =	strace s3  }
0xf: {  	_ =	strace $0x8FFFFFFF  }
0x10: {  	s20 =	sld [smem:$0x3FDB];
	_ =	sdelay $0x1  }
0x11: {  	s4 =	simm.s32 $_scs_section_size  }
0x12: {  	s5 =	simm.s32 $_size__tile_overlayer_lowered;
	s6 =	simm.s32 $_tile_overlayer_lowered  }
0x13: {  	s23 =	simm.s32 $0x1BFF;
	s22 =	sshll.u32 s6, $0x1;
	s3 =	sadd.s32 s4, s20  }
0x14: {  	s7 =	simm.s32 $0x0;
	s21 =	sshll.u32 s5, $0x1;
	s5 =	sadd.s32 s22, s3  }
0x15: {  	[timem:s7], [sflag:s23] =	dma.local [hbm:s5], s21  }
0x16: {  	_ =	swait.ge [sflag:s23], s21  }
0x17: {  	s4 =	ssub.s32 $0x0, s21;
	[sflag:s23] =	ssyncset.done $0x0  }
0x18: {  	[sflag:s23] =	ssyncadd.s32 s4;
	_ =	sdelay $0x1  }
0x19: {  	s24 =	simm.s32 $0x1B8B  }
0x1a: {  	_ =	swait.ge [sflag:s24], $0x1  }
0x1b: {  	[sflag:s24] =	ssyncset.done $0x0  }
0x1c: {  	s26 =	simm.s32 $0x1B8E;
	s25 =	sld [smem:$0x3FFE];
	[sflag:s24] =	ssyncadd.s32 $0xFFFFFFFF  }
0x1d: {  	s27 =	simm.s32 $execute0_lowered;
	[smem:$0x3FD2] =	sst s26  }
0x1e: {  	s5 =	sshll.u32 s27, $0x1;
	_ =	strace $0x80000046;
	[dreg:$0x1] =	wrdreg $0xFFFFFFFF  }
0x1f: {  	s28 =	simm.s32 $_size_execute0_lowered;
	s3 =	sadd.s32 s3, s5;
	[dreg:$0x0] =	wrdreg $0x0  }
0x20: {  	s5 =	sshll.u32 s28, $0x1;
	[dreg:$0x2] =	wrdreg s3  }
0x21: {  	[dreg:$0x3] =	wrdreg s5  }
0x22: {  	[dreg:$0x4] =	wrdreg $0xC0  }
0x23: {  	_ =	task [dreg:s7], $0x5FFFF  }
0x24: {  	[dreg:$0x1] =	wrdreg $0xFFFFFFFF  }
0x25: {  	[dreg:$0x0] =	wrdreg $0x60  }
0x26: {  	[dreg:$0x2] =	wrdreg s2  }
0x27: {  	[dreg:$0x3] =	wrdreg s25  }
0x28: {  	[dreg:$0x4] =	wrdreg $0xC  }
0x29: {  	_ =	task.clear_ibuf [dreg:s7], $0x5FFFF;
	_ =	strace $0x90000046  }
0x2a: {  	s29 =	simm.s32 $0xC;
	_ =	strace $0x80000048  }
0x2b: {  	_ =	swait.ge [sflag:s29], $0x1  }
0x2c: {  	[sflag:s29] =	ssyncadd.s32 $0xFFFFFFFF  }
0x2d: {  	_ =	strace $0x90000048  }
0x2e: {  	_ =	sfence  }
0x2f: {  	s30 =	sld [smem:$0x0];
	_ =	sdelay $0x2  }
0x30: {  	s31 =	sshll.u32 s1, $0xD;
	s1 =	sshrl.u32 s1, $0x2  }
0x31: {  	s3 =	sand.u32 $0x4000, s31;
	s1 =	sadd.s32 s1, s30  }
0x32: {  	s0 =	sor.u32 s3, s0;
	s1 =	sshll.u32 s1, $0x11  }
0x33: {  	s0 =	sor.u32 s1, s0  }
0x34: {  	s0 =	sadd.s32 $0x8F2B, s0  }
0x35: {  	[sflag:s0] =	ssyncadd.remote.s32 $0x1  }
0x36: {  	_ =	sfence.sel $0xFFFF  }
0x37: {  	[dreg:$0x0] =	wrdreg $0xFFFFFFFF;
	(pc) =	sbr.abs _section_cstart, $3  }
0x38: {  	[dreg:$0x1] =	wrdreg $0xFFFFFFFF  }
0x39: {  	_ =	task.clear_ibuf [dreg:s7], $0x2FFFF;
	_ =	strace $0x9FFFFFFF  }
0x3a: {  	(tm) =	ssettm $0x7FFFFFFF  }
0x3b: {  	_ =	shalt  }
tec
execute0_lowered:
.L_overlay_start_1:
0x0: {  	(tag) =	ssettag $0x1  }
0x1: {  	s0 =	srdreg.scid  }
0x2: {  	s1 =	sshll.u32 s0, $0x4  }
0x3: {  	s3 =	rddreg [dreg:$0x0];
	s0 =	stileid.u32;
	s1 =	sand.u32 $0x10, s1  }
0x4: {  	s6 =	rddreg [dreg:$0x1];
	s5 =	simm.s32 $0x1;
	s1 =	sor.u32 s0, s1  }
0x5: {  	s31 =	simm.s32 $0x2;
	s13 =	simm.s32 $0x0;
	s2 =	sshll.u32 s1, $0x7  }
0x6: {  	s8 =	simm.s32 $0x8000;
	s12 =	simm.s32 $0x0;
	s4 =	ssub.s32 $0x1000, s2  }
0x7: {  	s9 =	simm.s32 $0x0;
	s11 =	simm.s32 $0x0;
	s30 =	sand.u32 $0xF80, s4  }
.Ltmp0:
0x8: {  	s6 =	sadd.s32 $0x2600, s6;
	p0 =	sne.s32 s30, $0x0;
	(pc) =	sbr.rel .LBB1_1-.Ltmp0, $4  }
0x9: {  	s1 =	rddreg [dreg:$0x2];
	s7 =	sshrl.u32 s4, $0xC;
	s5 =	simm.s32 @!p0 $0x0  }
0xa: {  	_ =	strace $0x80000047;
	s4 =	simm.s32 $0x1;
	s5 =	sadd.s32 s5, s7  }
0xb: {  	s10 =	smov.u32 s2;
	[sflag:s4] =	ssyncpa.u1 $0x0;
	s5 =	sshll.u32 s5, $0x5  }
0xc: {  	[sflag:s31] =	ssyncpa.u1 $0x0;
	p0 =	por $0x0, $0x0;
	s7 =	sor.u32 $0x1, s5  }
.LBB1_4:
0xd: {  	v5 =	vld [tilespmem:s16+$0xFFFFFFD0]  }
0xe: {  	[tilespmem:s17+$0x2040 ss:$0x81] =	vst.msk $0xffff, v1;
	v58 =	vld [tilespmem:s16+$0xFFFFFFE0]  }
0xf: {  	[tilespmem:s17+$0x2850 ss:$0x81] =	vst.msk $0xffff, v2;
	v59 =	vld [tilespmem:s16+$0xFFFFFFF0]  }
0x10: {  	s18 =	sshra.s32 s18, $0x2;
	[tilespmem:s17+$0x3060 ss:$0x81] =	vst.msk $0xffff, v3;
	v60 =	vld [tilespmem:s16+$0x0]  }
0x11: {  	[tilespmem:s17+$0x0 ss:$0x81] =	vst.msk $0xffff, v0;
	v61 =	vld [tilespmem:s16+$0x10];
	s15 =	sadd.s32 s18, s15  }
0x12: {  	s26 =	sshll.u32 s13, $0xC;
	v62 =	vld [tilespmem:s16+$0x20];
	[tilespmem:s15+$0x3870 ss:$0x81] =	vst.msk $0xffff, v4  }
0x13: {  	s27 =	sand.u32 $0x78, s12;
	s19 =	sshll.u32 s12, $0x3;
	v63 =	vld [tilespmem:s16+$0xFFFFFFC0];
	s29 =	sshll.u32 s13, $0x7;
	[tilespmem:s15+$0x810 ss:$0x81] =	vst.msk $0xffff, v5  }
0x14: {  	s17 =	sand.u32 $0xFF8000, s26;
	s28 =	sand.u32 $0xFFFC00, s19;
	s19 =	sand.u32 $0xC00, s19;
	[tilespmem:s15+$0x1020 ss:$0x81] =	vst.msk $0xffff, v58  }
0x15: {  	s13 =	sand.u32 $0x380, s29;
	s16 =	sadd.s32 s28, s17;
	s30 =	sor.u32 s27, s19;
	[tilespmem:s15+$0x1830 ss:$0x81] =	vst.msk $0xffff, v59  }
0x16: {  	s16 =	sand.u32 $0xFFF000, s16;
	s13 =	sor.u32 s13, s30;
	[tilespmem:s15+$0x2040 ss:$0x81] =	vst.msk $0xffff, v60  }
0x17: {  	s31 =	sand.u32 $0x7, s12;
	s13 =	sor.u32 s16, s13;
	[tilespmem:s15+$0x2850 ss:$0x81] =	vst.msk $0xffff, v61  }
0x18: {  	s12 =	sshll.u32 s31, $0x12;
	[tilespmem:s15+$0x3060 ss:$0x81] =	vst.msk $0xffff, v62;
	s13 =	sshrl.u32 s13, $0x3  }
0x19: {  	s12 =	sor.u32 $0x400, s12;
	[tilespmem:s15+$0x0 ss:$0x81] =	vst.msk $0xffff, v63;
	s13 =	sadd.s32 s6, s13  }
0x1a: {  	[hbm4b:s13+s12] =	stream.strided.scatter [tilespmem:s14], [sflag:$0x2], $0x4000, s8, s12, $0x20;
	[tilespmem:$0x10100] =	vst v63  }
.LBB1_5:
0x1b: {  	s14 =	sadd.s32 $0x80, s9  }
0x1c: {  	s12 =	sadd.s32 $0x1000, s10;
	s16 =	smov.u32 s10;
	p2 =	sgt.s32 s14, $0xFFF  }
0x1d: {  	s16 =	smov.u32 @p2 s12  }
0x1e: {  	s14 =	simm.s32 @p2 $0x0;
	p2 =	sgt.s32 s16, $0xFFF  }
0x1f: {  	s16 =	smov.u32 @p2 s2;
	p2 =	sne.s32 s11, s7  }
.Ltmp1:
0x20: {  	p1 =	slt.u32 s11, $0x2;
	(pc) =	sbr.rel @!p2 .LBB1_6-.Ltmp1, $4  }
0x21: {  	s15 =	simm.s32 @!p1 $0x2  }
0x22: {  	s13 =	smov.u32 s9;
	p0 =	por !p0, !p0;
	_ =	swait.ge @!p1 [sflag:s15], $0x4000  }
0x23: {  	s12 =	smov.u32 s10;
	[sflag:s15] =	ssyncset.done @!p1 $0x0;
	s9 =	smov.u32 s14  }
0x24: {  	s11 =	sadd.s32 $0x1, s11;
	[sflag:s15] =	ssyncadd.s32 @!p1 $0xFFFFC000;
	s10 =	smov.u32 s16  }
.LBB1_1:
0x25: {  	p1 =	sge.u32 s11, s5;
	s31 =	sadd.s32 $0xFFFFFFFF, s11  }
0x26: {  	s14 =	sand.u32 @!p1 $0x78, s9;
	s15 =	sshll.u32 @!p1 s10, $0xC;
	s16 =	sshll.u32 @!p1 s10, $0x7  }
0x27: {  	s17 =	sshll.u32 @!p1 s9, $0x3;
	s15 =	sand.u32 @!p1 $0xFF8000, s15;
	s16 =	sand.u32 @!p1 $0x380, s16  }
0x28: {  	s15 =	sadd.s32 @!p1 s15, s17;
	s17 =	sand.u32 @!p1 $0xC00, s17;
	s14 =	sor.u32 @!p1 s16, s14  }
0x29: {  	s16 =	sxor.u32 @!p1 $0xFFFFFFFF, s11;
	s15 =	sand.u32 @!p1 $0xFFF000, s15;
	s14 =	sor.u32 @!p1 s17, s14  }
0x2a: {  	s16 =	sshll.u32 @!p1 s16, $0xE;
	s14 =	sor.u32 @!p1 s15, s14;
	s15 =	sand.u32 @!p1 $0x7, s9  }
0x2b: {  	s17 =	simm.s32 @!p1 $0x8000;
	s14 =	sshrl.u32 @!p1 s14, $0x3;
	s15 =	sshll.u32 @!p1 s15, $0x12  }
0x2c: {  	s16 =	sand.u32 @!p1 $0x4000, s16;
	s14 =	sadd.s32 @!p1 s3, s14;
	s15 =	sor.u32 @!p1 $0x400, s15  }
0x2d: {  	[tilespmem:s16], [sflag:$0x1] =	stream.strided.gather @!p1 [hbm4b:s14+s15], $0x4000, s17, s15, $0x38;
	[tilespmem:$0x10100] =	vst v63  }
0x2e: {  	p1 =	sge.u32 s31, s5  }
.Ltmp2:
0x2f: {  	_ = 	snop;
	(pc) =	sbr.rel @p1 .LBB1_5-.Ltmp2, $1  }
0x30: {  	_ =	sdelay $0x3  }
0x31: {  	s14 =	simm.s32 $0x1  }
0x32: {  	_ =	swait.ge [sflag:s4], $0x4000;
	s14 =	simm.s32 @!p0 $0x0  }
0x33: {  	[sflag:s4] =	ssyncset.done $0x0;
	s15 =	sshll.u32 s14, $0xE  }
0x34: {  	[sflag:s4] =	ssyncadd.s32 $0xFFFFC000;
	s16 =	sor.u32 $0x40, s15  }
0x35: {  	s14 =	smul.u32 $0x10200, s14;
	v0 =	vld [tilespmem:s16+$0x30]  }
0x36: {  	v3 =	vld [tilespmem:s16+$0xFFFFFFD0]  }
0x37: {  	s14 =	sshrl.u32 s14, $0x2;
	v4 =	vld [tilespmem:s16+$0xFFFFFFE0]  }
0x38: {  	v5 =	vld [tilespmem:s16+$0xFFFFFFF0];
	s15 =	sor.u32 $0x8000, s14  }
0x39: {  	s31 =	sand.u32 $0x1, s11;
	v1 =	vld [tilespmem:s16+$0x0];
	s17 =	sadd.s32 $0x0, s15  }
0x3a: {  	v2 =	vld [tilespmem:s16+$0x10];
	s14 =	smul.u32 $0x10200, s31;
	[tilespmem:s17+$0x3870 ss:$0x81] =	vst.msk $0xffff, v0  }
0x3b: {  	[tilespmem:s17+$0x810 ss:$0x81] =	vst.msk $0xffff, v3;
	v3 =	vld [tilespmem:s16+$0x20]  }
0x3c: {  	s14 =	sshrl.u32 s14, $0x2;
	v0 =	vld [tilespmem:s16+$0xFFFFFFC0];
	[tilespmem:s17+$0x1020 ss:$0x81] =	vst.msk $0xffff, v4;
	s16 =	sadd.s32 $0x80, s16  }
0x3d: {  	s18 =	simm.s32 $0x4;
	s19 =	simm.s32 $0x8;
	s14 =	sor.u32 $0x8000, s14;
	[tilespmem:s17+$0x1830 ss:$0x81] =	vst.msk $0xffff, v5;
	v4 =	vld [tilespmem:s16+$0x30]  }
.LBB1_3:
0x3e: {  	p1 =	sne.s32 s19, $0x1FC;
	v5 =	vld [tilespmem:s16+$0xFFFFFFD0];
	[tilespmem:s17+$0x2040 ss:$0x81] =	vst.msk $0xffff, v1  }
0x3f: {  	v6 =	vld [tilespmem:s16+$0xFFFFFFE0];
	[tilespmem:s17+$0x2850 ss:$0x81] =	vst.msk $0xffff, v2  }
0x40: {  	s20 =	sshra.s32 s18, $0x2;
	s18 =	smov.u32 s19;
	v7 =	vld [tilespmem:s16+$0xFFFFFFF0];
	[tilespmem:s17+$0x3060 ss:$0x81] =	vst.msk $0xffff, v3  }
.Ltmp3:
0x41: {  	v1 =	vld [tilespmem:s16+$0x0];
	[tilespmem:s17+$0x0 ss:$0x81] =	vst.msk $0xffff, v0;
	s17 =	sadd.s32 s20, s15;
	(pc) =	sbr.rel @p1 .LBB1_3-.Ltmp3, $4  }
0x42: {  	v2 =	vld [tilespmem:s16+$0x10];
	[tilespmem:s17+$0x3870 ss:$0x81] =	vst.msk $0xffff, v4  }
0x43: {  	[tilespmem:s17+$0x810 ss:$0x81] =	vst.msk $0xffff, v5;
	v3 =	vld [tilespmem:s16+$0x20]  }
0x44: {  	v0 =	vld [tilespmem:s16+$0xFFFFFFC0];
	[tilespmem:s17+$0x1020 ss:$0x81] =	vst.msk $0xffff, v6;
	s16 =	sadd.s32 $0x80, s16  }
0x45: {  	s19 =	sadd.s32 $0x4, s19;
	v4 =	vld [tilespmem:s16+$0x30];
	[tilespmem:s17+$0x1830 ss:$0x81] =	vst.msk $0xffff, v7  }
.Ltmp4:
0x46: {  	_ = 	snop;
	(pc) =	sbr.rel .LBB1_4-.Ltmp4, $1  }
0x47: {  	_ =	sdelay $0x3  }
.LBB1_6:
0x48: {  	_ =	sfence.sel $0x180000  }
0x49: {  	s2 =	simm.s32 $0x1;
	[bflag:$0x0] =	sbarrier.arrive $0xFFFF  }
0x4a: {  	s31 =	simm.s32 $0x2;
	[sflag:s2] =	ssyncpa.u1 $0x1  }
0x4b: {  	[sflag:s31] =	ssyncpa.u1 $0x1  }
0x4c: {  	p0 =	sne.s32 s0, $0x0;
	_ =	strace $0x90000047  }
0x4d: {  	s0 =	sadd.s32 @!p0 $0x100000, s1;
	[bflag:$0x2] =	sbarrier.arrive $0xFFFF  }
0x4e: {  	[sflag:s0] =	ssyncadd.tile.s32 @!p0 $0x1;
	_ =	shalt  }
.Lfunc_end1:
_tile_overlayer_lowered:
.L_overlay_start_2:
0x4f: {  	(tag) =	ssettag $0x2  }
0x50: {  	s0 =	rddreg [dreg:$0x0];
	s2 =	stileid.u32  }
0x51: {  	s1 =	rddreg [dreg:$0x1];
	p0 =	sne.s32 s2, $0x0  }
0x52: {  	s3 =	rddreg [dreg:$0x2];
	[bflag:$0x3] =	sbarrier.arrive $0xFFFF;
	s2 =	simm.s32 @!p0 $0x1C01  }
0x53: {  	[timem:s3], [sflag:s2] =	dma.local @!p0 [hbm:s0], s1  }
0x54: {  	s0 =	simm.s32 @!p0 $0x1  }
0x55: {  	_ =	swait.ge @!p0 [sflag:s0], s1  }
0x56: {  	s1 =	ssub.s32 @!p0 $0x0, s1;
	[sflag:s0] =	ssyncset.done @!p0 $0x0  }
0x57: {  	[sflag:s0] =	ssyncadd.s32 @!p0 s1  }
0x58: {  	[bflag:$0x3] =	sbarrier.arrive $0xFFFF  }
0x59: {  	_ =	shalt  }

</sc_bundles>
